<compile_context>
chip_gen: v7x
topology: tpu7x:2x2x1
jax: 0.10.2.dev20260603
libtpu: 0.0.44.dev20260713+nightly
codegen_flags: <defaults>
</compile_context>

<pallas_src>
import functools

import jax
import jax.numpy as jnp
from jax import lax
from jax.experimental import pallas as pl
from jax.experimental.pallas import tpu as pltpu
from jax.experimental.pallas import tpu_sc as plsc

_HASH_MOD = 1000001
_LANES = 16
_CHUNK = 1664
_PHASES = 8


@functools.cache
def _build(n_total: int, dim: int):
    info = plsc.get_sparse_core_info()
    nc, ns = info.num_cores, info.num_subcores
    nw = nc * ns
    assert n_total % nw == 0
    per_w = n_total // nw
    assert per_w == _CHUNK * _PHASES
    mesh = plsc.VectorSubcoreMesh(core_axis_name="c", subcore_axis_name="s")

    @functools.partial(
        pl.kernel,
        out_type=jax.ShapeDtypeStruct((n_total, dim), jnp.float32),
        mesh=mesh,
        compiler_params=pltpu.CompilerParams(use_tc_tiling_on_sc=False),
        scratch_types=[
            pltpu.VMEM((per_w,), jnp.int32),
            pltpu.VMEM((2, _CHUNK, dim), jnp.float32),
            pltpu.SemaphoreType.DMA,
            pltpu.SemaphoreType.DMA,
            pltpu.SemaphoreType.DMA,
        ],
    )
    def k(x_hbm, table_hbm, out_hbm, idx_v, rows_v, gsem, osem0, osem1):
        osem = (osem0, osem1)
        wid = lax.axis_index("s") * nc + lax.axis_index("c")
        base = wid * per_w
        pltpu.sync_copy(x_hbm.at[pl.ds(base, per_w)], idx_v)

        def mod_phase(p):
            def body(j, carry):
                sl = pl.ds(p * _CHUNK + j * _LANES, _LANES)
                v = idx_v[sl]
                idx_v[sl] = lax.rem(v, lax.full_like(v, _HASH_MOD))
                return carry

            lax.fori_loop(0, _CHUNK // _LANES, body, 0)

        def gather_copy(p, b):
            return pltpu.make_async_copy(
                table_hbm.at[idx_v.at[pl.ds(p * _CHUNK, _CHUNK)]],
                rows_v.at[b],
                gsem,
            )

        def write_copy(p, b):
            return pltpu.make_async_copy(
                rows_v.at[b],
                out_hbm.at[pl.ds(base + p * _CHUNK, _CHUNK)],
                osem[b],
            )

        mod_phase(0)
        gather_copy(0, 0).start()
        for p in range(_PHASES):
            b = p % 2
            if p + 1 < _PHASES:
                mod_phase(p + 1)
                gather_copy(p, b).wait()
                if p >= 1:
                    write_copy(p - 1, 1 - b).wait()
                gather_copy(p + 1, 1 - b).start()
            else:
                gather_copy(p, b).wait()
            write_copy(p, b).start()
        write_copy(_PHASES - 2, _PHASES % 2).wait()
        write_copy(_PHASES - 1, (_PHASES - 1) % 2).wait()

    return k


def kernel(x, table):
    n_total = x.size
    out = _build(n_total, table.shape[1])(x.reshape(n_total), table)
    return out.reshape(*x.shape, table.shape[1])

# --- scband reference (transcript-rebuilt; emitter-appended) ---
"""Pipeline reference for scband-hash-embedding-30219389895152 (READ-ONLY COPY).

The authoritative reference and input builder live on the scoring server;
editing this copy changes nothing except your own understanding.
"""

import jax, jax.numpy as jnp
import numpy as np

HASH_SIZE = 1000000
EMBED_DIM = 32


def setup_inputs(seed: int = 0) -> dict:
    key = jax.random.key(seed)
    k1, k2 = jax.random.split(key)
    x = jax.random.randint(k1, (16384, 26), 0, 100000000, dtype=jnp.int64 if jax.config.jax_enable_x64 else jnp.int32).astype(jnp.int32)
    table = jax.random.normal(k2, (HASH_SIZE + 1, EMBED_DIM), dtype=jnp.float32)
    return {"x": x, "table": table}


def reference(x, table):
    hashed = jnp.mod(x, HASH_SIZE + 1)
    return jnp.take(table, hashed, axis=0)

if __name__ == "__main__":
    import jax
    _d = setup_inputs()
    print(jax.jit(kernel)(*tuple(_d.values())))

</pallas_src>

<mosaic_0001>
#map = affine_map<(d0, d1) -> (0)>
#map1 = affine_map<(d0, d1) -> (0, 0)>
module attributes {stable_mosaic.version = 14 : i64} {
  func.func @k(%arg0: i32, %arg1: i32, %arg2: memref<425984xi32, #tpu.memory_space<hbm>>, %arg3: memref<1000001x32xf32, #tpu.memory_space<hbm>>, %arg4: memref<425984x32xf32, #tpu.memory_space<hbm>>, %arg5: memref<13312xi32, #tpu.memory_space<vmem>>, %arg6: memref<2x1664x32xf32, #tpu.memory_space<vmem>>, %arg7: memref<!tpu.dma_semaphore, #tpu.memory_space<semaphore_mem>>, %arg8: memref<!tpu.dma_semaphore, #tpu.memory_space<semaphore_mem>>, %arg9: memref<!tpu.dma_semaphore, #tpu.memory_space<semaphore_mem>>) attributes {dimension_semantics = [#tpu.dimension_semantics<core_parallel>, #tpu.dimension_semantics<subcore_parallel>], iteration_bounds = array<i64: 2, 16>, scalar_prefetch = 0 : i64, scratch_operands = 5 : i64, tpu.core_type = #tpu.core_type<sc_vector_subcore>, window_params = [{transform_indices = #map}, {transform_indices = #map1}, {transform_indices = #map1}]} {
    %mul3A = arith.constant 2 : i32
    %mul3A_0 = arith.muli %arg1, %mul3A : i32
    %add3A = arith.addi %mul3A_0, %arg0 : i32
    %mul3A_1 = arith.constant 13312 : i32
    %mul3A_2 = arith.muli %add3A, %mul3A_1 : i32
    "tpu.region"() ({
      %run_scoped3A = tpu.sem_alloc : memref<!tpu.dma_semaphore, #tpu.memory_space<semaphore_mem>>
      %dma_start3A_448 = tpu.memref_slice %arg2[%mul3A_2] : memref<425984xi32, #tpu.memory_space<hbm>> -> memref<13312xi32, #tpu.memory_space<hbm>>
      %dma_start3A_449 = tpu.memref_slice %arg2[%mul3A_2] : memref<425984xi32, #tpu.memory_space<hbm>> -> memref<13312xi32, #tpu.memory_space<hbm>>
      tpu.enqueue_dma source(%dma_start3A_449 : memref<13312xi32, #tpu.memory_space<hbm>>) target(%arg5 : memref<13312xi32, #tpu.memory_space<vmem>>) target_semaphore(%run_scoped3A : memref<!tpu.dma_semaphore, #tpu.memory_space<semaphore_mem>>)
      %dma_wait3A_450 = tpu.memref_slice %arg2[%mul3A_2] : memref<425984xi32, #tpu.memory_space<hbm>> -> memref<13312xi32, #tpu.memory_space<hbm>>
      %dma_wait3A_451 = tpu.memref_slice %arg2[%mul3A_2] : memref<425984xi32, #tpu.memory_space<hbm>> -> memref<13312xi32, #tpu.memory_space<hbm>>
      tpu.wait_dma2 semaphore(%run_scoped3A : memref<!tpu.dma_semaphore, #tpu.memory_space<semaphore_mem>>) src(%dma_wait3A_451 : memref<13312xi32, #tpu.memory_space<hbm>>) dst(%arg5 : memref<13312xi32, #tpu.memory_space<vmem>>)
      tpu.yield
    }) : () -> ()
    %scan3A = arith.constant 0 : i32
    %scan3A_3 = arith.constant 0 : i32
    %scan3A_4 = arith.constant 104 : i32
    %scan3A_5 = arith.addi %scan3A_3, %scan3A_4 : i32
    %scan3A_6 = arith.constant 1 : i32
    scf.for %scan3A_448 = %scan3A_3 to %scan3A_5 step %scan3A_6  : i32 {
      %mul3A_449 = arith.constant 16 : i32
      %mul3A_450 = arith.muli %scan3A_448, %mul3A_449 : i32
      %add3A_451 = arith.constant 0 : i32
      %add3A_452 = arith.addi %add3A_451, %mul3A_450 : i32
      %get3A = arith.index_cast %add3A_452 : i32 to index
      %get3A_453 = tpu.vector_load %arg5[%get3A] {strides = array<i32>} : memref<13312xi32, #tpu.memory_space<vmem>>, vector<16xi32>,
      %get3A_454 = vector.shape_cast %get3A_453 : vector<16xi32> to vector<16xi32>
      %broadcast_in_dim3A = arith.constant 1000001 : i32
      %broadcast_in_dim3A_455 = vector.broadcast %broadcast_in_dim3A : i32 to vector<16xi32>
      %rem3A = arith.remsi %get3A_454, %broadcast_in_dim3A_455 : vector<16xi32>
      %swap3A = arith.index_cast %add3A_452 : i32 to index
      %swap3A_456 = tpu.vector_load %arg5[%swap3A] {strides = array<i32>} : memref<13312xi32, #tpu.memory_space<vmem>>, vector<16xi32>,
      %swap3A_457 = vector.shape_cast %swap3A_456 : vector<16xi32> to vector<16xi32>
      %swap3A_458 = vector.shape_cast %rem3A : vector<16xi32> to vector<16xi32>
      tpu.vector_store %arg5[%swap3A], %swap3A_458 {strides = array<i32>} : memref<13312xi32, #tpu.memory_space<vmem>>, vector<16xi32>,
    }
    %scan3A_7 = arith.constant 104 : i32
    %dma_start3A = arith.constant 0 : i32
    %dma_start3A_8 = arith.constant 0 : i32
    %dma_start3A_9 = arith.constant 0 : i32
    %dma_start3A_10 = tpu.memref_slice %arg6[%dma_start3A, %dma_start3A_8, %dma_start3A_9] : memref<2x1664x32xf32, #tpu.memory_space<vmem>> -> memref<1x1664x32xf32, #tpu.memory_space<vmem>>
    %dma_start3A_11 = tpu.memref_squeeze %dma_start3A_10 : memref<1x1664x32xf32, #tpu.memory_space<vmem>> -> memref<1664x32xf32, #tpu.memory_space<vmem>>
    %dma_start3A_12 = arith.constant 0 : i32
    %dma_start3A_13 = tpu.memref_slice %arg5[%dma_start3A_12] : memref<13312xi32, #tpu.memory_space<vmem>> -> memref<1664xi32, #tpu.memory_space<vmem>>
    %dma_start3A_14 = arith.constant 0 : i32
    %dma_start3A_15 = arith.constant 0 : i32
    %dma_start3A_16 = tpu.memref_slice %arg3[%dma_start3A_14, %dma_start3A_15] : memref<1000001x32xf32, #tpu.memory_space<hbm>> -> memref<1000001x32xf32, #tpu.memory_space<hbm>>
    tpu.enqueue_indirect_dma source(%dma_start3A_16 : memref<1000001x32xf32, #tpu.memory_space<hbm>>) target(%dma_start3A_11 : memref<1664x32xf32, #tpu.memory_space<vmem>>) offsets(%dma_start3A_13 : memref<1664xi32, #tpu.memory_space<vmem>>) semaphore(%arg7 : memref<!tpu.dma_semaphore, #tpu.memory_space<semaphore_mem>>)
    %scan3A_17 = arith.constant 0 : i32
    %scan3A_18 = arith.constant 0 : i32
    %scan3A_19 = arith.constant 104 : i32
    %scan3A_20 = arith.addi %scan3A_18, %scan3A_19 : i32
    %scan3A_21 = arith.constant 1 : i32
    scf.for %scan3A_448 = %scan3A_18 to %scan3A_20 step %scan3A_21  : i32 {
      %mul3A_449 = arith.constant 16 : i32
      %mul3A_450 = arith.muli %scan3A_448, %mul3A_449 : i32
      %add3A_451 = arith.constant 1664 : i32
      %add3A_452 = arith.addi %add3A_451, %mul3A_450 : i32
      %get3A = arith.index_cast %add3A_452 : i32 to index
      %get3A_453 = tpu.vector_load %arg5[%get3A] {strides = array<i32>} : memref<13312xi32, #tpu.memory_space<vmem>>, vector<16xi32>,
      %get3A_454 = vector.shape_cast %get3A_453 : vector<16xi32> to vector<16xi32>
      %broadcast_in_dim3A = arith.constant 1000001 : i32
      %broadcast_in_dim3A_455 = vector.broadcast %broadcast_in_dim3A : i32 to vector<16xi32>
      %rem3A = arith.remsi %get3A_454, %broadcast_in_dim3A_455 : vector<16xi32>
      %swap3A = arith.index_cast %add3A_452 : i32 to index
      %swap3A_456 = tpu.vector_load %arg5[%swap3A] {strides = array<i32>} : memref<13312xi32, #tpu.memory_space<vmem>>, vector<16xi32>,
      %swap3A_457 = vector.shape_cast %swap3A_456 : vector<16xi32> to vector<16xi32>
      %swap3A_458 = vector.shape_cast %rem3A : vector<16xi32> to vector<16xi32>
      tpu.vector_store %arg5[%swap3A], %swap3A_458 {strides = array<i32>} : memref<13312xi32, #tpu.memory_space<vmem>>, vector<16xi32>,
    }
    %scan3A_22 = arith.constant 104 : i32
    %dma_wait3A = arith.constant 0 : i32
    %dma_wait3A_23 = arith.constant 0 : i32
    %dma_wait3A_24 = arith.constant 0 : i32
    %dma_wait3A_25 = tpu.memref_slice %arg6[%dma_wait3A, %dma_wait3A_23, %dma_wait3A_24] : memref<2x1664x32xf32, #tpu.memory_space<vmem>> -> memref<1x1664x32xf32, #tpu.memory_space<vmem>>
    %dma_wait3A_26 = tpu.memref_squeeze %dma_wait3A_25 : memref<1x1664x32xf32, #tpu.memory_space<vmem>> -> memref<1664x32xf32, #tpu.memory_space<vmem>>
    %dma_wait3A_27 = arith.constant 0 : i32
    %dma_wait3A_28 = tpu.memref_slice %arg5[%dma_wait3A_27] : memref<13312xi32, #tpu.memory_space<vmem>> -> memref<1664xi32, #tpu.memory_space<vmem>>
    %dma_wait3A_29 = arith.constant 0 : i32
    %dma_wait3A_30 = arith.constant 0 : i32
    %dma_wait3A_31 = tpu.memref_slice %arg3[%dma_wait3A_29, %dma_wait3A_30] : memref<1000001x32xf32, #tpu.memory_space<hbm>> -> memref<1000001x32xf32, #tpu.memory_space<hbm>>
    tpu.wait_indirect_dma semaphore(%arg7 : memref<!tpu.dma_semaphore, #tpu.memory_space<semaphore_mem>>) src(%dma_wait3A_31 : memref<1000001x32xf32, #tpu.memory_space<hbm>>) dst(%dma_wait3A_26 : memref<1664x32xf32, #tpu.memory_space<vmem>>)
    %dma_start3A_32 = arith.constant 1 : i32
    %dma_start3A_33 = arith.constant 0 : i32
    %dma_start3A_34 = arith.constant 0 : i32
    %dma_start3A_35 = tpu.memref_slice %arg6[%dma_start3A_32, %dma_start3A_33, %dma_start3A_34] : memref<2x1664x32xf32, #tpu.memory_space<vmem>> -> memref<1x1664x32xf32, #tpu.memory_space<vmem>>
    %dma_start3A_36 = tpu.memref_squeeze %dma_start3A_35 : memref<1x1664x32xf32, #tpu.memory_space<vmem>> -> memref<1664x32xf32, #tpu.memory_space<vmem>>
    %dma_start3A_37 = arith.constant 1664 : i32
    %dma_start3A_38 = tpu.memref_slice %arg5[%dma_start3A_37] : memref<13312xi32, #tpu.memory_space<vmem>> -> memref<1664xi32, #tpu.memory_space<vmem>>
    %dma_start3A_39 = arith.constant 0 : i32
    %dma_start3A_40 = arith.constant 0 : i32
    %dma_start3A_41 = tpu.memref_slice %arg3[%dma_start3A_39, %dma_start3A_40] : memref<1000001x32xf32, #tpu.memory_space<hbm>> -> memref<1000001x32xf32, #tpu.memory_space<hbm>>
    tpu.enqueue_indirect_dma source(%dma_start3A_41 : memref<1000001x32xf32, #tpu.memory_space<hbm>>) target(%dma_start3A_36 : memref<1664x32xf32, #tpu.memory_space<vmem>>) offsets(%dma_start3A_38 : memref<1664xi32, #tpu.memory_space<vmem>>) semaphore(%arg7 : memref<!tpu.dma_semaphore, #tpu.memory_space<semaphore_mem>>)
    %add3A_42 = arith.constant 0 : i32
    %add3A_43 = arith.addi %mul3A_2, %add3A_42 : i32
    %dma_start3A_44 = arith.constant 0 : i32
    %dma_start3A_45 = arith.constant 0 : i32
    %dma_start3A_46 = arith.constant 0 : i32
    %dma_start3A_47 = tpu.memref_slice %arg6[%dma_start3A_44, %dma_start3A_45, %dma_start3A_46] : memref<2x1664x32xf32, #tpu.memory_space<vmem>> -> memref<1x1664x32xf32, #tpu.memory_space<vmem>>
    %dma_start3A_48 = tpu.memref_squeeze %dma_start3A_47 : memref<1x1664x32xf32, #tpu.memory_space<vmem>> -> memref<1664x32xf32, #tpu.memory_space<vmem>>
    %dma_start3A_49 = arith.constant 0 : i32
    %dma_start3A_50 = tpu.memref_slice %arg4[%add3A_43, %dma_start3A_49] : memref<425984x32xf32, #tpu.memory_space<hbm>> -> memref<1664x32xf32, #tpu.memory_space<hbm>>
    %dma_start3A_51 = arith.constant 0 : i32
    %dma_start3A_52 = tpu.memref_slice %arg4[%add3A_43, %dma_start3A_51] : memref<425984x32xf32, #tpu.memory_space<hbm>> -> memref<1664x32xf32, #tpu.memory_space<hbm>>
    %dma_start3A_53 = arith.constant 0 : i32
    %dma_start3A_54 = arith.constant 0 : i32
    %dma_start3A_55 = tpu.memref_slice %arg6[%dma_start3A_44, %dma_start3A_53, %dma_start3A_54] : memref<2x1664x32xf32, #tpu.memory_space<vmem>> -> memref<1x1664x32xf32, #tpu.memory_space<vmem>>
    %dma_start3A_56 = tpu.memref_squeeze %dma_start3A_55 : memref<1x1664x32xf32, #tpu.memory_space<vmem>> -> memref<1664x32xf32, #tpu.memory_space<vmem>>
    tpu.enqueue_dma source(%dma_start3A_56 : memref<1664x32xf32, #tpu.memory_space<vmem>>) target(%dma_start3A_52 : memref<1664x32xf32, #tpu.memory_space<hbm>>) target_semaphore(%arg8 : memref<!tpu.dma_semaphore, #tpu.memory_space<semaphore_mem>>)
    %scan3A_57 = arith.constant 0 : i32
    %scan3A_58 = arith.constant 0 : i32
    %scan3A_59 = arith.constant 104 : i32
    %scan3A_60 = arith.addi %scan3A_58, %scan3A_59 : i32
    %scan3A_61 = arith.constant 1 : i32
    scf.for %scan3A_448 = %scan3A_58 to %scan3A_60 step %scan3A_61  : i32 {
      %mul3A_449 = arith.constant 16 : i32
      %mul3A_450 = arith.muli %scan3A_448, %mul3A_449 : i32
      %add3A_451 = arith.constant 3328 : i32
      %add3A_452 = arith.addi %add3A_451, %mul3A_450 : i32
      %get3A = arith.index_cast %add3A_452 : i32 to index
      %get3A_453 = tpu.vector_load %arg5[%get3A] {strides = array<i32>} : memref<13312xi32, #tpu.memory_space<vmem>>, vector<16xi32>,
      %get3A_454 = vector.shape_cast %get3A_453 : vector<16xi32> to vector<16xi32>
      %broadcast_in_dim3A = arith.constant 1000001 : i32
      %broadcast_in_dim3A_455 = vector.broadcast %broadcast_in_dim3A : i32 to vector<16xi32>
      %rem3A = arith.remsi %get3A_454, %broadcast_in_dim3A_455 : vector<16xi32>
      %swap3A = arith.index_cast %add3A_452 : i32 to index
      %swap3A_456 = tpu.vector_load %arg5[%swap3A] {strides = array<i32>} : memref<13312xi32, #tpu.memory_space<vmem>>, vector<16xi32>,
      %swap3A_457 = vector.shape_cast %swap3A_456 : vector<16xi32> to vector<16xi32>
      %swap3A_458 = vector.shape_cast %rem3A : vector<16xi32> to vector<16xi32>
      tpu.vector_store %arg5[%swap3A], %swap3A_458 {strides = array<i32>} : memref<13312xi32, #tpu.memory_space<vmem>>, vector<16xi32>,
    }
    %scan3A_62 = arith.constant 104 : i32
    %dma_wait3A_63 = arith.constant 1 : i32
    %dma_wait3A_64 = arith.constant 0 : i32
    %dma_wait3A_65 = arith.constant 0 : i32
    %dma_wait3A_66 = tpu.memref_slice %arg6[%dma_wait3A_63, %dma_wait3A_64, %dma_wait3A_65] : memref<2x1664x32xf32, #tpu.memory_space<vmem>> -> memref<1x1664x32xf32, #tpu.memory_space<vmem>>
    %dma_wait3A_67 = tpu.memref_squeeze %dma_wait3A_66 : memref<1x1664x32xf32, #tpu.memory_space<vmem>> -> memref<1664x32xf32, #tpu.memory_space<vmem>>
    %dma_wait3A_68 = arith.constant 1664 : i32
    %dma_wait3A_69 = tpu.memref_slice %arg5[%dma_wait3A_68] : memref<13312xi32, #tpu.memory_space<vmem>> -> memref<1664xi32, #tpu.memory_space<vmem>>
    %dma_wait3A_70 = arith.constant 0 : i32
    %dma_wait3A_71 = arith.constant 0 : i32
    %dma_wait3A_72 = tpu.memref_slice %arg3[%dma_wait3A_70, %dma_wait3A_71] : memref<1000001x32xf32, #tpu.memory_space<hbm>> -> memref<1000001x32xf32, #tpu.memory_space<hbm>>
    tpu.wait_indirect_dma semaphore(%arg7 : memref<!tpu.dma_semaphore, #tpu.memory_space<semaphore_mem>>) src(%dma_wait3A_72 : memref<1000001x32xf32, #tpu.memory_space<hbm>>) dst(%dma_wait3A_67 : memref<1664x32xf32, #tpu.memory_space<vmem>>)
    %add3A_73 = arith.constant 0 : i32
    %add3A_74 = arith.addi %mul3A_2, %add3A_73 : i32
    %dma_wait3A_75 = arith.constant 0 : i32
    %dma_wait3A_76 = arith.constant 0 : i32
    %dma_wait3A_77 = arith.constant 0 : i32
    %dma_wait3A_78 = tpu.memref_slice %arg6[%dma_wait3A_75, %dma_wait3A_76, %dma_wait3A_77] : memref<2x1664x32xf32, #tpu.memory_space<vmem>> -> memref<1x1664x32xf32, #tpu.memory_space<vmem>>
    %dma_wait3A_79 = tpu.memref_squeeze %dma_wait3A_78 : memref<1x1664x32xf32, #tpu.memory_space<vmem>> -> memref<1664x32xf32, #tpu.memory_space<vmem>>
    %dma_wait3A_80 = arith.constant 0 : i32
    %dma_wait3A_81 = tpu.memref_slice %arg4[%add3A_74, %dma_wait3A_80] : memref<425984x32xf32, #tpu.memory_space<hbm>> -> memref<1664x32xf32, #tpu.memory_space<hbm>>
    %dma_wait3A_82 = arith.constant 0 : i32
    %dma_wait3A_83 = tpu.memref_slice %arg4[%add3A_74, %dma_wait3A_82] : memref<425984x32xf32, #tpu.memory_space<hbm>> -> memref<1664x32xf32, #tpu.memory_space<hbm>>
    %dma_wait3A_84 = arith.constant 0 : i32
    %dma_wait3A_85 = arith.constant 0 : i32
    %dma_wait3A_86 = tpu.memref_slice %arg6[%dma_wait3A_75, %dma_wait3A_84, %dma_wait3A_85] : memref<2x1664x32xf32, #tpu.memory_space<vmem>> -> memref<1x1664x32xf32, #tpu.memory_space<vmem>>
    %dma_wait3A_87 = tpu.memref_squeeze %dma_wait3A_86 : memref<1x1664x32xf32, #tpu.memory_space<vmem>> -> memref<1664x32xf32, #tpu.memory_space<vmem>>
    tpu.wait_dma2 semaphore(%arg8 : memref<!tpu.dma_semaphore, #tpu.memory_space<semaphore_mem>>) src(%dma_wait3A_87 : memref<1664x32xf32, #tpu.memory_space<vmem>>) dst(%dma_wait3A_83 : memref<1664x32xf32, #tpu.memory_space<hbm>>)
    %dma_start3A_88 = arith.constant 0 : i32
    %dma_start3A_89 = arith.constant 0 : i32
    %dma_start3A_90 = arith.constant 0 : i32
    %dma_start3A_91 = tpu.memref_slice %arg6[%dma_start3A_88, %dma_start3A_89, %dma_start3A_90] : memref<2x1664x32xf32, #tpu.memory_space<vmem>> -> memref<1x1664x32xf32, #tpu.memory_space<vmem>>
    %dma_start3A_92 = tpu.memref_squeeze %dma_start3A_91 : memref<1x1664x32xf32, #tpu.memory_space<vmem>> -> memref<1664x32xf32, #tpu.memory_space<vmem>>
    %dma_start3A_93 = arith.constant 3328 : i32
    %dma_start3A_94 = tpu.memref_slice %arg5[%dma_start3A_93] : memref<13312xi32, #tpu.memory_space<vmem>> -> memref<1664xi32, #tpu.memory_space<vmem>>
    %dma_start3A_95 = arith.constant 0 : i32
    %dma_start3A_96 = arith.constant 0 : i32
    %dma_start3A_97 = tpu.memref_slice %arg3[%dma_start3A_95, %dma_start3A_96] : memref<1000001x32xf32, #tpu.memory_space<hbm>> -> memref<1000001x32xf32, #tpu.memory_space<hbm>>
    tpu.enqueue_indirect_dma source(%dma_start3A_97 : memref<1000001x32xf32, #tpu.memory_space<hbm>>) target(%dma_start3A_92 : memref<1664x32xf32, #tpu.memory_space<vmem>>) offsets(%dma_start3A_94 : memref<1664xi32, #tpu.memory_space<vmem>>) semaphore(%arg7 : memref<!tpu.dma_semaphore, #tpu.memory_space<semaphore_mem>>)
    %add3A_98 = arith.constant 1664 : i32
    %add3A_99 = arith.addi %mul3A_2, %add3A_98 : i32
    %dma_start3A_100 = arith.constant 1 : i32
    %dma_start3A_101 = arith.constant 0 : i32
    %dma_start3A_102 = arith.constant 0 : i32
    %dma_start3A_103 = tpu.memref_slice %arg6[%dma_start3A_100, %dma_start3A_101, %dma_start3A_102] : memref<2x1664x32xf32, #tpu.memory_space<vmem>> -> memref<1x1664x32xf32, #tpu.memory_space<vmem>>
    %dma_start3A_104 = tpu.memref_squeeze %dma_start3A_103 : memref<1x1664x32xf32, #tpu.memory_space<vmem>> -> memref<1664x32xf32, #tpu.memory_space<vmem>>
    %dma_start3A_105 = arith.constant 0 : i32
    %dma_start3A_106 = tpu.memref_slice %arg4[%add3A_99, %dma_start3A_105] : memref<425984x32xf32, #tpu.memory_space<hbm>> -> memref<1664x32xf32, #tpu.memory_space<hbm>>
    %dma_start3A_107 = arith.constant 0 : i32
    %dma_start3A_108 = tpu.memref_slice %arg4[%add3A_99, %dma_start3A_107] : memref<425984x32xf32, #tpu.memory_space<hbm>> -> memref<1664x32xf32, #tpu.memory_space<hbm>>
    %dma_start3A_109 = arith.constant 0 : i32
    %dma_start3A_110 = arith.constant 0 : i32
    %dma_start3A_111 = tpu.memref_slice %arg6[%dma_start3A_100, %dma_start3A_109, %dma_start3A_110] : memref<2x1664x32xf32, #tpu.memory_space<vmem>> -> memref<1x1664x32xf32, #tpu.memory_space<vmem>>
    %dma_start3A_112 = tpu.memref_squeeze %dma_start3A_111 : memref<1x1664x32xf32, #tpu.memory_space<vmem>> -> memref<1664x32xf32, #tpu.memory_space<vmem>>
    tpu.enqueue_dma source(%dma_start3A_112 : memref<1664x32xf32, #tpu.memory_space<vmem>>) target(%dma_start3A_108 : memref<1664x32xf32, #tpu.memory_space<hbm>>) target_semaphore(%arg9 : memref<!tpu.dma_semaphore, #tpu.memory_space<semaphore_mem>>)
    %scan3A_113 = arith.constant 0 : i32
    %scan3A_114 = arith.constant 0 : i32
    %scan3A_115 = arith.constant 104 : i32
    %scan3A_116 = arith.addi %scan3A_114, %scan3A_115 : i32
    %scan3A_117 = arith.constant 1 : i32
    scf.for %scan3A_448 = %scan3A_114 to %scan3A_116 step %scan3A_117  : i32 {
      %mul3A_449 = arith.constant 16 : i32
      %mul3A_450 = arith.muli %scan3A_448, %mul3A_449 : i32
      %add3A_451 = arith.constant 4992 : i32
      %add3A_452 = arith.addi %add3A_451, %mul3A_450 : i32
      %get3A = arith.index_cast %add3A_452 : i32 to index
      %get3A_453 = tpu.vector_load %arg5[%get3A] {strides = array<i32>} : memref<13312xi32, #tpu.memory_space<vmem>>, vector<16xi32>,
      %get3A_454 = vector.shape_cast %get3A_453 : vector<16xi32> to vector<16xi32>
      %broadcast_in_dim3A = arith.constant 1000001 : i32
      %broadcast_in_dim3A_455 = vector.broadcast %broadcast_in_dim3A : i32 to vector<16xi32>
      %rem3A = arith.remsi %get3A_454, %broadcast_in_dim3A_455 : vector<16xi32>
      %swap3A = arith.index_cast %add3A_452 : i32 to index
      %swap3A_456 = tpu.vector_load %arg5[%swap3A] {strides = array<i32>} : memref<13312xi32, #tpu.memory_space<vmem>>, vector<16xi32>,
      %swap3A_457 = vector.shape_cast %swap3A_456 : vector<16xi32> to vector<16xi32>
      %swap3A_458 = vector.shape_cast %rem3A : vector<16xi32> to vector<16xi32>
      tpu.vector_store %arg5[%swap3A], %swap3A_458 {strides = array<i32>} : memref<13312xi32, #tpu.memory_space<vmem>>, vector<16xi32>,
    }
    %scan3A_118 = arith.constant 104 : i32
    %dma_wait3A_119 = arith.constant 0 : i32
    %dma_wait3A_120 = arith.constant 0 : i32
    %dma_wait3A_121 = arith.constant 0 : i32
    %dma_wait3A_122 = tpu.memref_slice %arg6[%dma_wait3A_119, %dma_wait3A_120, %dma_wait3A_121] : memref<2x1664x32xf32, #tpu.memory_space<vmem>> -> memref<1x1664x32xf32, #tpu.memory_space<vmem>>
    %dma_wait3A_123 = tpu.memref_squeeze %dma_wait3A_122 : memref<1x1664x32xf32, #tpu.memory_space<vmem>> -> memref<1664x32xf32, #tpu.memory_space<vmem>>
    %dma_wait3A_124 = arith.constant 3328 : i32
    %dma_wait3A_125 = tpu.memref_slice %arg5[%dma_wait3A_124] : memref<13312xi32, #tpu.memory_space<vmem>> -> memref<1664xi32, #tpu.memory_space<vmem>>
    %dma_wait3A_126 = arith.constant 0 : i32
    %dma_wait3A_127 = arith.constant 0 : i32
    %dma_wait3A_128 = tpu.memref_slice %arg3[%dma_wait3A_126, %dma_wait3A_127] : memref<1000001x32xf32, #tpu.memory_space<hbm>> -> memref<1000001x32xf32, #tpu.memory_space<hbm>>
    tpu.wait_indirect_dma semaphore(%arg7 : memref<!tpu.dma_semaphore, #tpu.memory_space<semaphore_mem>>) src(%dma_wait3A_128 : memref<1000001x32xf32, #tpu.memory_space<hbm>>) dst(%dma_wait3A_123 : memref<1664x32xf32, #tpu.memory_space<vmem>>)
    %add3A_129 = arith.constant 1664 : i32
    %add3A_130 = arith.addi %mul3A_2, %add3A_129 : i32
    %dma_wait3A_131 = arith.constant 1 : i32
    %dma_wait3A_132 = arith.constant 0 : i32
    %dma_wait3A_133 = arith.constant 0 : i32
    %dma_wait3A_134 = tpu.memref_slice %arg6[%dma_wait3A_131, %dma_wait3A_132, %dma_wait3A_133] : memref<2x1664x32xf32, #tpu.memory_space<vmem>> -> memref<1x1664x32xf32, #tpu.memory_space<vmem>>
    %dma_wait3A_135 = tpu.memref_squeeze %dma_wait3A_134 : memref<1x1664x32xf32, #tpu.memory_space<vmem>> -> memref<1664x32xf32, #tpu.memory_space<vmem>>
    %dma_wait3A_136 = arith.constant 0 : i32
    %dma_wait3A_137 = tpu.memref_slice %arg4[%add3A_130, %dma_wait3A_136] : memref<425984x32xf32, #tpu.memory_space<hbm>> -> memref<1664x32xf32, #tpu.memory_space<hbm>>
    %dma_wait3A_138 = arith.constant 0 : i32
    %dma_wait3A_139 = tpu.memref_slice %arg4[%add3A_130, %dma_wait3A_138] : memref<425984x32xf32, #tpu.memory_space<hbm>> -> memref<1664x32xf32, #tpu.memory_space<hbm>>
    %dma_wait3A_140 = arith.constant 0 : i32
    %dma_wait3A_141 = arith.constant 0 : i32
    %dma_wait3A_142 = tpu.memref_slice %arg6[%dma_wait3A_131, %dma_wait3A_140, %dma_wait3A_141] : memref<2x1664x32xf32, #tpu.memory_space<vmem>> -> memref<1x1664x32xf32, #tpu.memory_space<vmem>>
    %dma_wait3A_143 = tpu.memref_squeeze %dma_wait3A_142 : memref<1x1664x32xf32, #tpu.memory_space<vmem>> -> memref<1664x32xf32, #tpu.memory_space<vmem>>
    tpu.wait_dma2 semaphore(%arg9 : memref<!tpu.dma_semaphore, #tpu.memory_space<semaphore_mem>>) src(%dma_wait3A_143 : memref<1664x32xf32, #tpu.memory_space<vmem>>) dst(%dma_wait3A_139 : memref<1664x32xf32, #tpu.memory_space<hbm>>)
    %dma_start3A_144 = arith.constant 1 : i32
    %dma_start3A_145 = arith.constant 0 : i32
    %dma_start3A_146 = arith.constant 0 : i32
    %dma_start3A_147 = tpu.memref_slice %arg6[%dma_start3A_144, %dma_start3A_145, %dma_start3A_146] : memref<2x1664x32xf32, #tpu.memory_space<vmem>> -> memref<1x1664x32xf32, #tpu.memory_space<vmem>>
    %dma_start3A_148 = tpu.memref_squeeze %dma_start3A_147 : memref<1x1664x32xf32, #tpu.memory_space<vmem>> -> memref<1664x32xf32, #tpu.memory_space<vmem>>
    %dma_start3A_149 = arith.constant 4992 : i32
    %dma_start3A_150 = tpu.memref_slice %arg5[%dma_start3A_149] : memref<13312xi32, #tpu.memory_space<vmem>> -> memref<1664xi32, #tpu.memory_space<vmem>>
    %dma_start3A_151 = arith.constant 0 : i32
    %dma_start3A_152 = arith.constant 0 : i32
    %dma_start3A_153 = tpu.memref_slice %arg3[%dma_start3A_151, %dma_start3A_152] : memref<1000001x32xf32, #tpu.memory_space<hbm>> -> memref<1000001x32xf32, #tpu.memory_space<hbm>>
    tpu.enqueue_indirect_dma source(%dma_start3A_153 : memref<1000001x32xf32, #tpu.memory_space<hbm>>) target(%dma_start3A_148 : memref<1664x32xf32, #tpu.memory_space<vmem>>) offsets(%dma_start3A_150 : memref<1664xi32, #tpu.memory_space<vmem>>) semaphore(%arg7 : memref<!tpu.dma_semaphore, #tpu.memory_space<semaphore_mem>>)
    %add3A_154 = arith.constant 3328 : i32
    %add3A_155 = arith.addi %mul3A_2, %add3A_154 : i32
    %dma_start3A_156 = arith.constant 0 : i32
    %dma_start3A_157 = arith.constant 0 : i32
    %dma_start3A_158 = arith.constant 0 : i32
    %dma_start3A_159 = tpu.memref_slice %arg6[%dma_start3A_156, %dma_start3A_157, %dma_start3A_158] : memref<2x1664x32xf32, #tpu.memory_space<vmem>> -> memref<1x1664x32xf32, #tpu.memory_space<vmem>>
    %dma_start3A_160 = tpu.memref_squeeze %dma_start3A_159 : memref<1x1664x32xf32, #tpu.memory_space<vmem>> -> memref<1664x32xf32, #tpu.memory_space<vmem>>
    %dma_start3A_161 = arith.constant 0 : i32
    %dma_start3A_162 = tpu.memref_slice %arg4[%add3A_155, %dma_start3A_161] : memref<425984x32xf32, #tpu.memory_space<hbm>> -> memref<1664x32xf32, #tpu.memory_space<hbm>>
    %dma_start3A_163 = arith.constant 0 : i32
    %dma_start3A_164 = tpu.memref_slice %arg4[%add3A_155, %dma_start3A_163] : memref<425984x32xf32, #tpu.memory_space<hbm>> -> memref<1664x32xf32, #tpu.memory_space<hbm>>
    %dma_start3A_165 = arith.constant 0 : i32
    %dma_start3A_166 = arith.constant 0 : i32
    %dma_start3A_167 = tpu.memref_slice %arg6[%dma_start3A_156, %dma_start3A_165, %dma_start3A_166] : memref<2x1664x32xf32, #tpu.memory_space<vmem>> -> memref<1x1664x32xf32, #tpu.memory_space<vmem>>
    %dma_start3A_168 = tpu.memref_squeeze %dma_start3A_167 : memref<1x1664x32xf32, #tpu.memory_space<vmem>> -> memref<1664x32xf32, #tpu.memory_space<vmem>>
    tpu.enqueue_dma source(%dma_start3A_168 : memref<1664x32xf32, #tpu.memory_space<vmem>>) target(%dma_start3A_164 : memref<1664x32xf32, #tpu.memory_space<hbm>>) target_semaphore(%arg8 : memref<!tpu.dma_semaphore, #tpu.memory_space<semaphore_mem>>)
    %scan3A_169 = arith.constant 0 : i32
    %scan3A_170 = arith.constant 0 : i32
    %scan3A_171 = arith.constant 104 : i32
    %scan3A_172 = arith.addi %scan3A_170, %scan3A_171 : i32
    %scan3A_173 = arith.constant 1 : i32
    scf.for %scan3A_448 = %scan3A_170 to %scan3A_172 step %scan3A_173  : i32 {
      %mul3A_449 = arith.constant 16 : i32
      %mul3A_450 = arith.muli %scan3A_448, %mul3A_449 : i32
      %add3A_451 = arith.constant 6656 : i32
      %add3A_452 = arith.addi %add3A_451, %mul3A_450 : i32
      %get3A = arith.index_cast %add3A_452 : i32 to index
      %get3A_453 = tpu.vector_load %arg5[%get3A] {strides = array<i32>} : memref<13312xi32, #tpu.memory_space<vmem>>, vector<16xi32>,
      %get3A_454 = vector.shape_cast %get3A_453 : vector<16xi32> to vector<16xi32>
      %broadcast_in_dim3A = arith.constant 1000001 : i32
      %broadcast_in_dim3A_455 = vector.broadcast %broadcast_in_dim3A : i32 to vector<16xi32>
      %rem3A = arith.remsi %get3A_454, %broadcast_in_dim3A_455 : vector<16xi32>
      %swap3A = arith.index_cast %add3A_452 : i32 to index
      %swap3A_456 = tpu.vector_load %arg5[%swap3A] {strides = array<i32>} : memref<13312xi32, #tpu.memory_space<vmem>>, vector<16xi32>,
      %swap3A_457 = vector.shape_cast %swap3A_456 : vector<16xi32> to vector<16xi32>
      %swap3A_458 = vector.shape_cast %rem3A : vector<16xi32> to vector<16xi32>
      tpu.vector_store %arg5[%swap3A], %swap3A_458 {strides = array<i32>} : memref<13312xi32, #tpu.memory_space<vmem>>, vector<16xi32>,
    }
    %scan3A_174 = arith.constant 104 : i32
    %dma_wait3A_175 = arith.constant 1 : i32
    %dma_wait3A_176 = arith.constant 0 : i32
    %dma_wait3A_177 = arith.constant 0 : i32
    %dma_wait3A_178 = tpu.memref_slice %arg6[%dma_wait3A_175, %dma_wait3A_176, %dma_wait3A_177] : memref<2x1664x32xf32, #tpu.memory_space<vmem>> -> memref<1x1664x32xf32, #tpu.memory_space<vmem>>
    %dma_wait3A_179 = tpu.memref_squeeze %dma_wait3A_178 : memref<1x1664x32xf32, #tpu.memory_space<vmem>> -> memref<1664x32xf32, #tpu.memory_space<vmem>>
    %dma_wait3A_180 = arith.constant 4992 : i32
    %dma_wait3A_181 = tpu.memref_slice %arg5[%dma_wait3A_180] : memref<13312xi32, #tpu.memory_space<vmem>> -> memref<1664xi32, #tpu.memory_space<vmem>>
    %dma_wait3A_182 = arith.constant 0 : i32
    %dma_wait3A_183 = arith.constant 0 : i32
    %dma_wait3A_184 = tpu.memref_slice %arg3[%dma_wait3A_182, %dma_wait3A_183] : memref<1000001x32xf32, #tpu.memory_space<hbm>> -> memref<1000001x32xf32, #tpu.memory_space<hbm>>
    tpu.wait_indirect_dma semaphore(%arg7 : memref<!tpu.dma_semaphore, #tpu.memory_space<semaphore_mem>>) src(%dma_wait3A_184 : memref<1000001x32xf32, #tpu.memory_space<hbm>>) dst(%dma_wait3A_179 : memref<1664x32xf32, #tpu.memory_space<vmem>>)
    %add3A_185 = arith.constant 3328 : i32
    %add3A_186 = arith.addi %mul3A_2, %add3A_185 : i32
    %dma_wait3A_187 = arith.constant 0 : i32
    %dma_wait3A_188 = arith.constant 0 : i32
    %dma_wait3A_189 = arith.constant 0 : i32
    %dma_wait3A_190 = tpu.memref_slice %arg6[%dma_wait3A_187, %dma_wait3A_188, %dma_wait3A_189] : memref<2x1664x32xf32, #tpu.memory_space<vmem>> -> memref<1x1664x32xf32, #tpu.memory_space<vmem>>
    %dma_wait3A_191 = tpu.memref_squeeze %dma_wait3A_190 : memref<1x1664x32xf32, #tpu.memory_space<vmem>> -> memref<1664x32xf32, #tpu.memory_space<vmem>>
    %dma_wait3A_192 = arith.constant 0 : i32
    %dma_wait3A_193 = tpu.memref_slice %arg4[%add3A_186, %dma_wait3A_192] : memref<425984x32xf32, #tpu.memory_space<hbm>> -> memref<1664x32xf32, #tpu.memory_space<hbm>>
    %dma_wait3A_194 = arith.constant 0 : i32
    %dma_wait3A_195 = tpu.memref_slice %arg4[%add3A_186, %dma_wait3A_194] : memref<425984x32xf32, #tpu.memory_space<hbm>> -> memref<1664x32xf32, #tpu.memory_space<hbm>>
    %dma_wait3A_196 = arith.constant 0 : i32
    %dma_wait3A_197 = arith.constant 0 : i32
    %dma_wait3A_198 = tpu.memref_slice %arg6[%dma_wait3A_187, %dma_wait3A_196, %dma_wait3A_197] : memref<2x1664x32xf32, #tpu.memory_space<vmem>> -> memref<1x1664x32xf32, #tpu.memory_space<vmem>>
    %dma_wait3A_199 = tpu.memref_squeeze %dma_wait3A_198 : memref<1x1664x32xf32, #tpu.memory_space<vmem>> -> memref<1664x32xf32, #tpu.memory_space<vmem>>
    tpu.wait_dma2 semaphore(%arg8 : memref<!tpu.dma_semaphore, #tpu.memory_space<semaphore_mem>>) src(%dma_wait3A_199 : memref<1664x32xf32, #tpu.memory_space<vmem>>) dst(%dma_wait3A_195 : memref<1664x32xf32, #tpu.memory_space<hbm>>)
    %dma_start3A_200 = arith.constant 0 : i32
    %dma_start3A_201 = arith.constant 0 : i32
    %dma_start3A_202 = arith.constant 0 : i32
    %dma_start3A_203 = tpu.memref_slice %arg6[%dma_start3A_200, %dma_start3A_201, %dma_start3A_202] : memref<2x1664x32xf32, #tpu.memory_space<vmem>> -> memref<1x1664x32xf32, #tpu.memory_space<vmem>>
    %dma_start3A_204 = tpu.memref_squeeze %dma_start3A_203 : memref<1x1664x32xf32, #tpu.memory_space<vmem>> -> memref<1664x32xf32, #tpu.memory_space<vmem>>
    %dma_start3A_205 = arith.constant 6656 : i32
    %dma_start3A_206 = tpu.memref_slice %arg5[%dma_start3A_205] : memref<13312xi32, #tpu.memory_space<vmem>> -> memref<1664xi32, #tpu.memory_space<vmem>>
    %dma_start3A_207 = arith.constant 0 : i32
    %dma_start3A_208 = arith.constant 0 : i32
    %dma_start3A_209 = tpu.memref_slice %arg3[%dma_start3A_207, %dma_start3A_208] : memref<1000001x32xf32, #tpu.memory_space<hbm>> -> memref<1000001x32xf32, #tpu.memory_space<hbm>>
    tpu.enqueue_indirect_dma source(%dma_start3A_209 : memref<1000001x32xf32, #tpu.memory_space<hbm>>) target(%dma_start3A_204 : memref<1664x32xf32, #tpu.memory_space<vmem>>) offsets(%dma_start3A_206 : memref<1664xi32, #tpu.memory_space<vmem>>) semaphore(%arg7 : memref<!tpu.dma_semaphore, #tpu.memory_space<semaphore_mem>>)
    %add3A_210 = arith.constant 4992 : i32
    %add3A_211 = arith.addi %mul3A_2, %add3A_210 : i32
    %dma_start3A_212 = arith.constant 1 : i32
    %dma_start3A_213 = arith.constant 0 : i32
    %dma_start3A_214 = arith.constant 0 : i32
    %dma_start3A_215 = tpu.memref_slice %arg6[%dma_start3A_212, %dma_start3A_213, %dma_start3A_214] : memref<2x1664x32xf32, #tpu.memory_space<vmem>> -> memref<1x1664x32xf32, #tpu.memory_space<vmem>>
    %dma_start3A_216 = tpu.memref_squeeze %dma_start3A_215 : memref<1x1664x32xf32, #tpu.memory_space<vmem>> -> memref<1664x32xf32, #tpu.memory_space<vmem>>
    %dma_start3A_217 = arith.constant 0 : i32
    %dma_start3A_218 = tpu.memref_slice %arg4[%add3A_211, %dma_start3A_217] : memref<425984x32xf32, #tpu.memory_space<hbm>> -> memref<1664x32xf32, #tpu.memory_space<hbm>>
    %dma_start3A_219 = arith.constant 0 : i32
    %dma_start3A_220 = tpu.memref_slice %arg4[%add3A_211, %dma_start3A_219] : memref<425984x32xf32, #tpu.memory_space<hbm>> -> memref<1664x32xf32, #tpu.memory_space<hbm>>
    %dma_start3A_221 = arith.constant 0 : i32
    %dma_start3A_222 = arith.constant 0 : i32
    %dma_start3A_223 = tpu.memref_slice %arg6[%dma_start3A_212, %dma_start3A_221, %dma_start3A_222] : memref<2x1664x32xf32, #tpu.memory_space<vmem>> -> memref<1x1664x32xf32, #tpu.memory_space<vmem>>
    %dma_start3A_224 = tpu.memref_squeeze %dma_start3A_223 : memref<1x1664x32xf32, #tpu.memory_space<vmem>> -> memref<1664x32xf32, #tpu.memory_space<vmem>>
    tpu.enqueue_dma source(%dma_start3A_224 : memref<1664x32xf32, #tpu.memory_space<vmem>>) target(%dma_start3A_220 : memref<1664x32xf32, #tpu.memory_space<hbm>>) target_semaphore(%arg9 : memref<!tpu.dma_semaphore, #tpu.memory_space<semaphore_mem>>)
    %scan3A_225 = arith.constant 0 : i32
    %scan3A_226 = arith.constant 0 : i32
    %scan3A_227 = arith.constant 104 : i32
    %scan3A_228 = arith.addi %scan3A_226, %scan3A_227 : i32
    %scan3A_229 = arith.constant 1 : i32
    scf.for %scan3A_448 = %scan3A_226 to %scan3A_228 step %scan3A_229  : i32 {
      %mul3A_449 = arith.constant 16 : i32
      %mul3A_450 = arith.muli %scan3A_448, %mul3A_449 : i32
      %add3A_451 = arith.constant 8320 : i32
      %add3A_452 = arith.addi %add3A_451, %mul3A_450 : i32
      %get3A = arith.index_cast %add3A_452 : i32 to index
      %get3A_453 = tpu.vector_load %arg5[%get3A] {strides = array<i32>} : memref<13312xi32, #tpu.memory_space<vmem>>, vector<16xi32>,
      %get3A_454 = vector.shape_cast %get3A_453 : vector<16xi32> to vector<16xi32>
      %broadcast_in_dim3A = arith.constant 1000001 : i32
      %broadcast_in_dim3A_455 = vector.broadcast %broadcast_in_dim3A : i32 to vector<16xi32>
      %rem3A = arith.remsi %get3A_454, %broadcast_in_dim3A_455 : vector<16xi32>
      %swap3A = arith.index_cast %add3A_452 : i32 to index
      %swap3A_456 = tpu.vector_load %arg5[%swap3A] {strides = array<i32>} : memref<13312xi32, #tpu.memory_space<vmem>>, vector<16xi32>,
      %swap3A_457 = vector.shape_cast %swap3A_456 : vector<16xi32> to vector<16xi32>
      %swap3A_458 = vector.shape_cast %rem3A : vector<16xi32> to vector<16xi32>
      tpu.vector_store %arg5[%swap3A], %swap3A_458 {strides = array<i32>} : memref<13312xi32, #tpu.memory_space<vmem>>, vector<16xi32>,
    }
    %scan3A_230 = arith.constant 104 : i32
    %dma_wait3A_231 = arith.constant 0 : i32
    %dma_wait3A_232 = arith.constant 0 : i32
    %dma_wait3A_233 = arith.constant 0 : i32
    %dma_wait3A_234 = tpu.memref_slice %arg6[%dma_wait3A_231, %dma_wait3A_232, %dma_wait3A_233] : memref<2x1664x32xf32, #tpu.memory_space<vmem>> -> memref<1x1664x32xf32, #tpu.memory_space<vmem>>
    %dma_wait3A_235 = tpu.memref_squeeze %dma_wait3A_234 : memref<1x1664x32xf32, #tpu.memory_space<vmem>> -> memref<1664x32xf32, #tpu.memory_space<vmem>>
    %dma_wait3A_236 = arith.constant 6656 : i32
    %dma_wait3A_237 = tpu.memref_slice %arg5[%dma_wait3A_236] : memref<13312xi32, #tpu.memory_space<vmem>> -> memref<1664xi32, #tpu.memory_space<vmem>>
    %dma_wait3A_238 = arith.constant 0 : i32
    %dma_wait3A_239 = arith.constant 0 : i32
    %dma_wait3A_240 = tpu.memref_slice %arg3[%dma_wait3A_238, %dma_wait3A_239] : memref<1000001x32xf32, #tpu.memory_space<hbm>> -> memref<1000001x32xf32, #tpu.memory_space<hbm>>
    tpu.wait_indirect_dma semaphore(%arg7 : memref<!tpu.dma_semaphore, #tpu.memory_space<semaphore_mem>>) src(%dma_wait3A_240 : memref<1000001x32xf32, #tpu.memory_space<hbm>>) dst(%dma_wait3A_235 : memref<1664x32xf32, #tpu.memory_space<vmem>>)
    %add3A_241 = arith.constant 4992 : i32
    %add3A_242 = arith.addi %mul3A_2, %add3A_241 : i32
    %dma_wait3A_243 = arith.constant 1 : i32
    %dma_wait3A_244 = arith.constant 0 : i32
    %dma_wait3A_245 = arith.constant 0 : i32
    %dma_wait3A_246 = tpu.memref_slice %arg6[%dma_wait3A_243, %dma_wait3A_244, %dma_wait3A_245] : memref<2x1664x32xf32, #tpu.memory_space<vmem>> -> memref<1x1664x32xf32, #tpu.memory_space<vmem>>
    %dma_wait3A_247 = tpu.memref_squeeze %dma_wait3A_246 : memref<1x1664x32xf32, #tpu.memory_space<vmem>> -> memref<1664x32xf32, #tpu.memory_space<vmem>>
    %dma_wait3A_248 = arith.constant 0 : i32
    %dma_wait3A_249 = tpu.memref_slice %arg4[%add3A_242, %dma_wait3A_248] : memref<425984x32xf32, #tpu.memory_space<hbm>> -> memref<1664x32xf32, #tpu.memory_space<hbm>>
    %dma_wait3A_250 = arith.constant 0 : i32
    %dma_wait3A_251 = tpu.memref_slice %arg4[%add3A_242, %dma_wait3A_250] : memref<425984x32xf32, #tpu.memory_space<hbm>> -> memref<1664x32xf32, #tpu.memory_space<hbm>>
    %dma_wait3A_252 = arith.constant 0 : i32
    %dma_wait3A_253 = arith.constant 0 : i32
    %dma_wait3A_254 = tpu.memref_slice %arg6[%dma_wait3A_243, %dma_wait3A_252, %dma_wait3A_253] : memref<2x1664x32xf32, #tpu.memory_space<vmem>> -> memref<1x1664x32xf32, #tpu.memory_space<vmem>>
    %dma_wait3A_255 = tpu.memref_squeeze %dma_wait3A_254 : memref<1x1664x32xf32, #tpu.memory_space<vmem>> -> memref<1664x32xf32, #tpu.memory_space<vmem>>
    tpu.wait_dma2 semaphore(%arg9 : memref<!tpu.dma_semaphore, #tpu.memory_space<semaphore_mem>>) src(%dma_wait3A_255 : memref<1664x32xf32, #tpu.memory_space<vmem>>) dst(%dma_wait3A_251 : memref<1664x32xf32, #tpu.memory_space<hbm>>)
    %dma_start3A_256 = arith.constant 1 : i32
    %dma_start3A_257 = arith.constant 0 : i32
    %dma_start3A_258 = arith.constant 0 : i32
    %dma_start3A_259 = tpu.memref_slice %arg6[%dma_start3A_256, %dma_start3A_257, %dma_start3A_258] : memref<2x1664x32xf32, #tpu.memory_space<vmem>> -> memref<1x1664x32xf32, #tpu.memory_space<vmem>>
    %dma_start3A_260 = tpu.memref_squeeze %dma_start3A_259 : memref<1x1664x32xf32, #tpu.memory_space<vmem>> -> memref<1664x32xf32, #tpu.memory_space<vmem>>
    %dma_start3A_261 = arith.constant 8320 : i32
    %dma_start3A_262 = tpu.memref_slice %arg5[%dma_start3A_261] : memref<13312xi32, #tpu.memory_space<vmem>> -> memref<1664xi32, #tpu.memory_space<vmem>>
    %dma_start3A_263 = arith.constant 0 : i32
    %dma_start3A_264 = arith.constant 0 : i32
    %dma_start3A_265 = tpu.memref_slice %arg3[%dma_start3A_263, %dma_start3A_264] : memref<1000001x32xf32, #tpu.memory_space<hbm>> -> memref<1000001x32xf32, #tpu.memory_space<hbm>>
    tpu.enqueue_indirect_dma source(%dma_start3A_265 : memref<1000001x32xf32, #tpu.memory_space<hbm>>) target(%dma_start3A_260 : memref<1664x32xf32, #tpu.memory_space<vmem>>) offsets(%dma_start3A_262 : memref<1664xi32, #tpu.memory_space<vmem>>) semaphore(%arg7 : memref<!tpu.dma_semaphore, #tpu.memory_space<semaphore_mem>>)
    %add3A_266 = arith.constant 6656 : i32
    %add3A_267 = arith.addi %mul3A_2, %add3A_266 : i32
    %dma_start3A_268 = arith.constant 0 : i32
    %dma_start3A_269 = arith.constant 0 : i32
    %dma_start3A_270 = arith.constant 0 : i32
    %dma_start3A_271 = tpu.memref_slice %arg6[%dma_start3A_268, %dma_start3A_269, %dma_start3A_270] : memref<2x1664x32xf32, #tpu.memory_space<vmem>> -> memref<1x1664x32xf32, #tpu.memory_space<vmem>>
    %dma_start3A_272 = tpu.memref_squeeze %dma_start3A_271 : memref<1x1664x32xf32, #tpu.memory_space<vmem>> -> memref<1664x32xf32, #tpu.memory_space<vmem>>
    %dma_start3A_273 = arith.constant 0 : i32
    %dma_start3A_274 = tpu.memref_slice %arg4[%add3A_267, %dma_start3A_273] : memref<425984x32xf32, #tpu.memory_space<hbm>> -> memref<1664x32xf32, #tpu.memory_space<hbm>>
    %dma_start3A_275 = arith.constant 0 : i32
    %dma_start3A_276 = tpu.memref_slice %arg4[%add3A_267, %dma_start3A_275] : memref<425984x32xf32, #tpu.memory_space<hbm>> -> memref<1664x32xf32, #tpu.memory_space<hbm>>
    %dma_start3A_277 = arith.constant 0 : i32
    %dma_start3A_278 = arith.constant 0 : i32
    %dma_start3A_279 = tpu.memref_slice %arg6[%dma_start3A_268, %dma_start3A_277, %dma_start3A_278] : memref<2x1664x32xf32, #tpu.memory_space<vmem>> -> memref<1x1664x32xf32, #tpu.memory_space<vmem>>
    %dma_start3A_280 = tpu.memref_squeeze %dma_start3A_279 : memref<1x1664x32xf32, #tpu.memory_space<vmem>> -> memref<1664x32xf32, #tpu.memory_space<vmem>>
    tpu.enqueue_dma source(%dma_start3A_280 : memref<1664x32xf32, #tpu.memory_space<vmem>>) target(%dma_start3A_276 : memref<1664x32xf32, #tpu.memory_space<hbm>>) target_semaphore(%arg8 : memref<!tpu.dma_semaphore, #tpu.memory_space<semaphore_mem>>)
    %scan3A_281 = arith.constant 0 : i32
    %scan3A_282 = arith.constant 0 : i32
    %scan3A_283 = arith.constant 104 : i32
    %scan3A_284 = arith.addi %scan3A_282, %scan3A_283 : i32
    %scan3A_285 = arith.constant 1 : i32
    scf.for %scan3A_448 = %scan3A_282 to %scan3A_284 step %scan3A_285  : i32 {
      %mul3A_449 = arith.constant 16 : i32
      %mul3A_450 = arith.muli %scan3A_448, %mul3A_449 : i32
      %add3A_451 = arith.constant 9984 : i32
      %add3A_452 = arith.addi %add3A_451, %mul3A_450 : i32
      %get3A = arith.index_cast %add3A_452 : i32 to index
      %get3A_453 = tpu.vector_load %arg5[%get3A] {strides = array<i32>} : memref<13312xi32, #tpu.memory_space<vmem>>, vector<16xi32>,
      %get3A_454 = vector.shape_cast %get3A_453 : vector<16xi32> to vector<16xi32>
      %broadcast_in_dim3A = arith.constant 1000001 : i32
      %broadcast_in_dim3A_455 = vector.broadcast %broadcast_in_dim3A : i32 to vector<16xi32>
      %rem3A = arith.remsi %get3A_454, %broadcast_in_dim3A_455 : vector<16xi32>
      %swap3A = arith.index_cast %add3A_452 : i32 to index
      %swap3A_456 = tpu.vector_load %arg5[%swap3A] {strides = array<i32>} : memref<13312xi32, #tpu.memory_space<vmem>>, vector<16xi32>,
      %swap3A_457 = vector.shape_cast %swap3A_456 : vector<16xi32> to vector<16xi32>
      %swap3A_458 = vector.shape_cast %rem3A : vector<16xi32> to vector<16xi32>
      tpu.vector_store %arg5[%swap3A], %swap3A_458 {strides = array<i32>} : memref<13312xi32, #tpu.memory_space<vmem>>, vector<16xi32>,
    }
    %scan3A_286 = arith.constant 104 : i32
    %dma_wait3A_287 = arith.constant 1 : i32
    %dma_wait3A_288 = arith.constant 0 : i32
    %dma_wait3A_289 = arith.constant 0 : i32
    %dma_wait3A_290 = tpu.memref_slice %arg6[%dma_wait3A_287, %dma_wait3A_288, %dma_wait3A_289] : memref<2x1664x32xf32, #tpu.memory_space<vmem>> -> memref<1x1664x32xf32, #tpu.memory_space<vmem>>
    %dma_wait3A_291 = tpu.memref_squeeze %dma_wait3A_290 : memref<1x1664x32xf32, #tpu.memory_space<vmem>> -> memref<1664x32xf32, #tpu.memory_space<vmem>>
    %dma_wait3A_292 = arith.constant 8320 : i32
    %dma_wait3A_293 = tpu.memref_slice %arg5[%dma_wait3A_292] : memref<13312xi32, #tpu.memory_space<vmem>> -> memref<1664xi32, #tpu.memory_space<vmem>>
    %dma_wait3A_294 = arith.constant 0 : i32
    %dma_wait3A_295 = arith.constant 0 : i32
    %dma_wait3A_296 = tpu.memref_slice %arg3[%dma_wait3A_294, %dma_wait3A_295] : memref<1000001x32xf32, #tpu.memory_space<hbm>> -> memref<1000001x32xf32, #tpu.memory_space<hbm>>
    tpu.wait_indirect_dma semaphore(%arg7 : memref<!tpu.dma_semaphore, #tpu.memory_space<semaphore_mem>>) src(%dma_wait3A_296 : memref<1000001x32xf32, #tpu.memory_space<hbm>>) dst(%dma_wait3A_291 : memref<1664x32xf32, #tpu.memory_space<vmem>>)
    %add3A_297 = arith.constant 6656 : i32
    %add3A_298 = arith.addi %mul3A_2, %add3A_297 : i32
    %dma_wait3A_299 = arith.constant 0 : i32
    %dma_wait3A_300 = arith.constant 0 : i32
    %dma_wait3A_301 = arith.constant 0 : i32
    %dma_wait3A_302 = tpu.memref_slice %arg6[%dma_wait3A_299, %dma_wait3A_300, %dma_wait3A_301] : memref<2x1664x32xf32, #tpu.memory_space<vmem>> -> memref<1x1664x32xf32, #tpu.memory_space<vmem>>
    %dma_wait3A_303 = tpu.memref_squeeze %dma_wait3A_302 : memref<1x1664x32xf32, #tpu.memory_space<vmem>> -> memref<1664x32xf32, #tpu.memory_space<vmem>>
    %dma_wait3A_304 = arith.constant 0 : i32
    %dma_wait3A_305 = tpu.memref_slice %arg4[%add3A_298, %dma_wait3A_304] : memref<425984x32xf32, #tpu.memory_space<hbm>> -> memref<1664x32xf32, #tpu.memory_space<hbm>>
    %dma_wait3A_306 = arith.constant 0 : i32
    %dma_wait3A_307 = tpu.memref_slice %arg4[%add3A_298, %dma_wait3A_306] : memref<425984x32xf32, #tpu.memory_space<hbm>> -> memref<1664x32xf32, #tpu.memory_space<hbm>>
    %dma_wait3A_308 = arith.constant 0 : i32
    %dma_wait3A_309 = arith.constant 0 : i32
    %dma_wait3A_310 = tpu.memref_slice %arg6[%dma_wait3A_299, %dma_wait3A_308, %dma_wait3A_309] : memref<2x1664x32xf32, #tpu.memory_space<vmem>> -> memref<1x1664x32xf32, #tpu.memory_space<vmem>>
    %dma_wait3A_311 = tpu.memref_squeeze %dma_wait3A_310 : memref<1x1664x32xf32, #tpu.memory_space<vmem>> -> memref<1664x32xf32, #tpu.memory_space<vmem>>
    tpu.wait_dma2 semaphore(%arg8 : memref<!tpu.dma_semaphore, #tpu.memory_space<semaphore_mem>>) src(%dma_wait3A_311 : memref<1664x32xf32, #tpu.memory_space<vmem>>) dst(%dma_wait3A_307 : memref<1664x32xf32, #tpu.memory_space<hbm>>)
    %dma_start3A_312 = arith.constant 0 : i32
    %dma_start3A_313 = arith.constant 0 : i32
    %dma_start3A_314 = arith.constant 0 : i32
    %dma_start3A_315 = tpu.memref_slice %arg6[%dma_start3A_312, %dma_start3A_313, %dma_start3A_314] : memref<2x1664x32xf32, #tpu.memory_space<vmem>> -> memref<1x1664x32xf32, #tpu.memory_space<vmem>>
    %dma_start3A_316 = tpu.memref_squeeze %dma_start3A_315 : memref<1x1664x32xf32, #tpu.memory_space<vmem>> -> memref<1664x32xf32, #tpu.memory_space<vmem>>
    %dma_start3A_317 = arith.constant 9984 : i32
    %dma_start3A_318 = tpu.memref_slice %arg5[%dma_start3A_317] : memref<13312xi32, #tpu.memory_space<vmem>> -> memref<1664xi32, #tpu.memory_space<vmem>>
    %dma_start3A_319 = arith.constant 0 : i32
    %dma_start3A_320 = arith.constant 0 : i32
    %dma_start3A_321 = tpu.memref_slice %arg3[%dma_start3A_319, %dma_start3A_320] : memref<1000001x32xf32, #tpu.memory_space<hbm>> -> memref<1000001x32xf32, #tpu.memory_space<hbm>>
    tpu.enqueue_indirect_dma source(%dma_start3A_321 : memref<1000001x32xf32, #tpu.memory_space<hbm>>) target(%dma_start3A_316 : memref<1664x32xf32, #tpu.memory_space<vmem>>) offsets(%dma_start3A_318 : memref<1664xi32, #tpu.memory_space<vmem>>) semaphore(%arg7 : memref<!tpu.dma_semaphore, #tpu.memory_space<semaphore_mem>>)
    %add3A_322 = arith.constant 8320 : i32
    %add3A_323 = arith.addi %mul3A_2, %add3A_322 : i32
    %dma_start3A_324 = arith.constant 1 : i32
    %dma_start3A_325 = arith.constant 0 : i32
    %dma_start3A_326 = arith.constant 0 : i32
    %dma_start3A_327 = tpu.memref_slice %arg6[%dma_start3A_324, %dma_start3A_325, %dma_start3A_326] : memref<2x1664x32xf32, #tpu.memory_space<vmem>> -> memref<1x1664x32xf32, #tpu.memory_space<vmem>>
    %dma_start3A_328 = tpu.memref_squeeze %dma_start3A_327 : memref<1x1664x32xf32, #tpu.memory_space<vmem>> -> memref<1664x32xf32, #tpu.memory_space<vmem>>
    %dma_start3A_329 = arith.constant 0 : i32
    %dma_start3A_330 = tpu.memref_slice %arg4[%add3A_323, %dma_start3A_329] : memref<425984x32xf32, #tpu.memory_space<hbm>> -> memref<1664x32xf32, #tpu.memory_space<hbm>>
    %dma_start3A_331 = arith.constant 0 : i32
    %dma_start3A_332 = tpu.memref_slice %arg4[%add3A_323, %dma_start3A_331] : memref<425984x32xf32, #tpu.memory_space<hbm>> -> memref<1664x32xf32, #tpu.memory_space<hbm>>
    %dma_start3A_333 = arith.constant 0 : i32
    %dma_start3A_334 = arith.constant 0 : i32
    %dma_start3A_335 = tpu.memref_slice %arg6[%dma_start3A_324, %dma_start3A_333, %dma_start3A_334] : memref<2x1664x32xf32, #tpu.memory_space<vmem>> -> memref<1x1664x32xf32, #tpu.memory_space<vmem>>
    %dma_start3A_336 = tpu.memref_squeeze %dma_start3A_335 : memref<1x1664x32xf32, #tpu.memory_space<vmem>> -> memref<1664x32xf32, #tpu.memory_space<vmem>>
    tpu.enqueue_dma source(%dma_start3A_336 : memref<1664x32xf32, #tpu.memory_space<vmem>>) target(%dma_start3A_332 : memref<1664x32xf32, #tpu.memory_space<hbm>>) target_semaphore(%arg9 : memref<!tpu.dma_semaphore, #tpu.memory_space<semaphore_mem>>)
    %scan3A_337 = arith.constant 0 : i32
    %scan3A_338 = arith.constant 0 : i32
    %scan3A_339 = arith.constant 104 : i32
    %scan3A_340 = arith.addi %scan3A_338, %scan3A_339 : i32
    %scan3A_341 = arith.constant 1 : i32
    scf.for %scan3A_448 = %scan3A_338 to %scan3A_340 step %scan3A_341  : i32 {
      %mul3A_449 = arith.constant 16 : i32
      %mul3A_450 = arith.muli %scan3A_448, %mul3A_449 : i32
      %add3A_451 = arith.constant 11648 : i32
      %add3A_452 = arith.addi %add3A_451, %mul3A_450 : i32
      %get3A = arith.index_cast %add3A_452 : i32 to index
      %get3A_453 = tpu.vector_load %arg5[%get3A] {strides = array<i32>} : memref<13312xi32, #tpu.memory_space<vmem>>, vector<16xi32>,
      %get3A_454 = vector.shape_cast %get3A_453 : vector<16xi32> to vector<16xi32>
      %broadcast_in_dim3A = arith.constant 1000001 : i32
      %broadcast_in_dim3A_455 = vector.broadcast %broadcast_in_dim3A : i32 to vector<16xi32>
      %rem3A = arith.remsi %get3A_454, %broadcast_in_dim3A_455 : vector<16xi32>
      %swap3A = arith.index_cast %add3A_452 : i32 to index
      %swap3A_456 = tpu.vector_load %arg5[%swap3A] {strides = array<i32>} : memref<13312xi32, #tpu.memory_space<vmem>>, vector<16xi32>,
      %swap3A_457 = vector.shape_cast %swap3A_456 : vector<16xi32> to vector<16xi32>
      %swap3A_458 = vector.shape_cast %rem3A : vector<16xi32> to vector<16xi32>
      tpu.vector_store %arg5[%swap3A], %swap3A_458 {strides = array<i32>} : memref<13312xi32, #tpu.memory_space<vmem>>, vector<16xi32>,
    }
    %scan3A_342 = arith.constant 104 : i32
    %dma_wait3A_343 = arith.constant 0 : i32
    %dma_wait3A_344 = arith.constant 0 : i32
    %dma_wait3A_345 = arith.constant 0 : i32
    %dma_wait3A_346 = tpu.memref_slice %arg6[%dma_wait3A_343, %dma_wait3A_344, %dma_wait3A_345] : memref<2x1664x32xf32, #tpu.memory_space<vmem>> -> memref<1x1664x32xf32, #tpu.memory_space<vmem>>
    %dma_wait3A_347 = tpu.memref_squeeze %dma_wait3A_346 : memref<1x1664x32xf32, #tpu.memory_space<vmem>> -> memref<1664x32xf32, #tpu.memory_space<vmem>>
    %dma_wait3A_348 = arith.constant 9984 : i32
    %dma_wait3A_349 = tpu.memref_slice %arg5[%dma_wait3A_348] : memref<13312xi32, #tpu.memory_space<vmem>> -> memref<1664xi32, #tpu.memory_space<vmem>>
    %dma_wait3A_350 = arith.constant 0 : i32
    %dma_wait3A_351 = arith.constant 0 : i32
    %dma_wait3A_352 = tpu.memref_slice %arg3[%dma_wait3A_350, %dma_wait3A_351] : memref<1000001x32xf32, #tpu.memory_space<hbm>> -> memref<1000001x32xf32, #tpu.memory_space<hbm>>
    tpu.wait_indirect_dma semaphore(%arg7 : memref<!tpu.dma_semaphore, #tpu.memory_space<semaphore_mem>>) src(%dma_wait3A_352 : memref<1000001x32xf32, #tpu.memory_space<hbm>>) dst(%dma_wait3A_347 : memref<1664x32xf32, #tpu.memory_space<vmem>>)
    %add3A_353 = arith.constant 8320 : i32
    %add3A_354 = arith.addi %mul3A_2, %add3A_353 : i32
    %dma_wait3A_355 = arith.constant 1 : i32
    %dma_wait3A_356 = arith.constant 0 : i32
    %dma_wait3A_357 = arith.constant 0 : i32
    %dma_wait3A_358 = tpu.memref_slice %arg6[%dma_wait3A_355, %dma_wait3A_356, %dma_wait3A_357] : memref<2x1664x32xf32, #tpu.memory_space<vmem>> -> memref<1x1664x32xf32, #tpu.memory_space<vmem>>
    %dma_wait3A_359 = tpu.memref_squeeze %dma_wait3A_358 : memref<1x1664x32xf32, #tpu.memory_space<vmem>> -> memref<1664x32xf32, #tpu.memory_space<vmem>>
    %dma_wait3A_360 = arith.constant 0 : i32
    %dma_wait3A_361 = tpu.memref_slice %arg4[%add3A_354, %dma_wait3A_360] : memref<425984x32xf32, #tpu.memory_space<hbm>> -> memref<1664x32xf32, #tpu.memory_space<hbm>>
    %dma_wait3A_362 = arith.constant 0 : i32
    %dma_wait3A_363 = tpu.memref_slice %arg4[%add3A_354, %dma_wait3A_362] : memref<425984x32xf32, #tpu.memory_space<hbm>> -> memref<1664x32xf32, #tpu.memory_space<hbm>>
    %dma_wait3A_364 = arith.constant 0 : i32
    %dma_wait3A_365 = arith.constant 0 : i32
    %dma_wait3A_366 = tpu.memref_slice %arg6[%dma_wait3A_355, %dma_wait3A_364, %dma_wait3A_365] : memref<2x1664x32xf32, #tpu.memory_space<vmem>> -> memref<1x1664x32xf32, #tpu.memory_space<vmem>>
    %dma_wait3A_367 = tpu.memref_squeeze %dma_wait3A_366 : memref<1x1664x32xf32, #tpu.memory_space<vmem>> -> memref<1664x32xf32, #tpu.memory_space<vmem>>
    tpu.wait_dma2 semaphore(%arg9 : memref<!tpu.dma_semaphore, #tpu.memory_space<semaphore_mem>>) src(%dma_wait3A_367 : memref<1664x32xf32, #tpu.memory_space<vmem>>) dst(%dma_wait3A_363 : memref<1664x32xf32, #tpu.memory_space<hbm>>)
    %dma_start3A_368 = arith.constant 1 : i32
    %dma_start3A_369 = arith.constant 0 : i32
    %dma_start3A_370 = arith.constant 0 : i32
    %dma_start3A_371 = tpu.memref_slice %arg6[%dma_start3A_368, %dma_start3A_369, %dma_start3A_370] : memref<2x1664x32xf32, #tpu.memory_space<vmem>> -> memref<1x1664x32xf32, #tpu.memory_space<vmem>>
    %dma_start3A_372 = tpu.memref_squeeze %dma_start3A_371 : memref<1x1664x32xf32, #tpu.memory_space<vmem>> -> memref<1664x32xf32, #tpu.memory_space<vmem>>
    %dma_start3A_373 = arith.constant 11648 : i32
    %dma_start3A_374 = tpu.memref_slice %arg5[%dma_start3A_373] : memref<13312xi32, #tpu.memory_space<vmem>> -> memref<1664xi32, #tpu.memory_space<vmem>>
    %dma_start3A_375 = arith.constant 0 : i32
    %dma_start3A_376 = arith.constant 0 : i32
    %dma_start3A_377 = tpu.memref_slice %arg3[%dma_start3A_375, %dma_start3A_376] : memref<1000001x32xf32, #tpu.memory_space<hbm>> -> memref<1000001x32xf32, #tpu.memory_space<hbm>>
    tpu.enqueue_indirect_dma source(%dma_start3A_377 : memref<1000001x32xf32, #tpu.memory_space<hbm>>) target(%dma_start3A_372 : memref<1664x32xf32, #tpu.memory_space<vmem>>) offsets(%dma_start3A_374 : memref<1664xi32, #tpu.memory_space<vmem>>) semaphore(%arg7 : memref<!tpu.dma_semaphore, #tpu.memory_space<semaphore_mem>>)
    %add3A_378 = arith.constant 9984 : i32
    %add3A_379 = arith.addi %mul3A_2, %add3A_378 : i32
    %dma_start3A_380 = arith.constant 0 : i32
    %dma_start3A_381 = arith.constant 0 : i32
    %dma_start3A_382 = arith.constant 0 : i32
    %dma_start3A_383 = tpu.memref_slice %arg6[%dma_start3A_380, %dma_start3A_381, %dma_start3A_382] : memref<2x1664x32xf32, #tpu.memory_space<vmem>> -> memref<1x1664x32xf32, #tpu.memory_space<vmem>>
    %dma_start3A_384 = tpu.memref_squeeze %dma_start3A_383 : memref<1x1664x32xf32, #tpu.memory_space<vmem>> -> memref<1664x32xf32, #tpu.memory_space<vmem>>
    %dma_start3A_385 = arith.constant 0 : i32
    %dma_start3A_386 = tpu.memref_slice %arg4[%add3A_379, %dma_start3A_385] : memref<425984x32xf32, #tpu.memory_space<hbm>> -> memref<1664x32xf32, #tpu.memory_space<hbm>>
    %dma_start3A_387 = arith.constant 0 : i32
    %dma_start3A_388 = tpu.memref_slice %arg4[%add3A_379, %dma_start3A_387] : memref<425984x32xf32, #tpu.memory_space<hbm>> -> memref<1664x32xf32, #tpu.memory_space<hbm>>
    %dma_start3A_389 = arith.constant 0 : i32
    %dma_start3A_390 = arith.constant 0 : i32
    %dma_start3A_391 = tpu.memref_slice %arg6[%dma_start3A_380, %dma_start3A_389, %dma_start3A_390] : memref<2x1664x32xf32, #tpu.memory_space<vmem>> -> memref<1x1664x32xf32, #tpu.memory_space<vmem>>
    %dma_start3A_392 = tpu.memref_squeeze %dma_start3A_391 : memref<1x1664x32xf32, #tpu.memory_space<vmem>> -> memref<1664x32xf32, #tpu.memory_space<vmem>>
    tpu.enqueue_dma source(%dma_start3A_392 : memref<1664x32xf32, #tpu.memory_space<vmem>>) target(%dma_start3A_388 : memref<1664x32xf32, #tpu.memory_space<hbm>>) target_semaphore(%arg8 : memref<!tpu.dma_semaphore, #tpu.memory_space<semaphore_mem>>)
    %dma_wait3A_393 = arith.constant 1 : i32
    %dma_wait3A_394 = arith.constant 0 : i32
    %dma_wait3A_395 = arith.constant 0 : i32
    %dma_wait3A_396 = tpu.memref_slice %arg6[%dma_wait3A_393, %dma_wait3A_394, %dma_wait3A_395] : memref<2x1664x32xf32, #tpu.memory_space<vmem>> -> memref<1x1664x32xf32, #tpu.memory_space<vmem>>
    %dma_wait3A_397 = tpu.memref_squeeze %dma_wait3A_396 : memref<1x1664x32xf32, #tpu.memory_space<vmem>> -> memref<1664x32xf32, #tpu.memory_space<vmem>>
    %dma_wait3A_398 = arith.constant 11648 : i32
    %dma_wait3A_399 = tpu.memref_slice %arg5[%dma_wait3A_398] : memref<13312xi32, #tpu.memory_space<vmem>> -> memref<1664xi32, #tpu.memory_space<vmem>>
    %dma_wait3A_400 = arith.constant 0 : i32
    %dma_wait3A_401 = arith.constant 0 : i32
    %dma_wait3A_402 = tpu.memref_slice %arg3[%dma_wait3A_400, %dma_wait3A_401] : memref<1000001x32xf32, #tpu.memory_space<hbm>> -> memref<1000001x32xf32, #tpu.memory_space<hbm>>
    tpu.wait_indirect_dma semaphore(%arg7 : memref<!tpu.dma_semaphore, #tpu.memory_space<semaphore_mem>>) src(%dma_wait3A_402 : memref<1000001x32xf32, #tpu.memory_space<hbm>>) dst(%dma_wait3A_397 : memref<1664x32xf32, #tpu.memory_space<vmem>>)
    %add3A_403 = arith.constant 11648 : i32
    %add3A_404 = arith.addi %mul3A_2, %add3A_403 : i32
    %dma_start3A_405 = arith.constant 1 : i32
    %dma_start3A_406 = arith.constant 0 : i32
    %dma_start3A_407 = arith.constant 0 : i32
    %dma_start3A_408 = tpu.memref_slice %arg6[%dma_start3A_405, %dma_start3A_406, %dma_start3A_407] : memref<2x1664x32xf32, #tpu.memory_space<vmem>> -> memref<1x1664x32xf32, #tpu.memory_space<vmem>>
    %dma_start3A_409 = tpu.memref_squeeze %dma_start3A_408 : memref<1x1664x32xf32, #tpu.memory_space<vmem>> -> memref<1664x32xf32, #tpu.memory_space<vmem>>
    %dma_start3A_410 = arith.constant 0 : i32
    %dma_start3A_411 = tpu.memref_slice %arg4[%add3A_404, %dma_start3A_410] : memref<425984x32xf32, #tpu.memory_space<hbm>> -> memref<1664x32xf32, #tpu.memory_space<hbm>>
    %dma_start3A_412 = arith.constant 0 : i32
    %dma_start3A_413 = tpu.memref_slice %arg4[%add3A_404, %dma_start3A_412] : memref<425984x32xf32, #tpu.memory_space<hbm>> -> memref<1664x32xf32, #tpu.memory_space<hbm>>
    %dma_start3A_414 = arith.constant 0 : i32
    %dma_start3A_415 = arith.constant 0 : i32
    %dma_start3A_416 = tpu.memref_slice %arg6[%dma_start3A_405, %dma_start3A_414, %dma_start3A_415] : memref<2x1664x32xf32, #tpu.memory_space<vmem>> -> memref<1x1664x32xf32, #tpu.memory_space<vmem>>
    %dma_start3A_417 = tpu.memref_squeeze %dma_start3A_416 : memref<1x1664x32xf32, #tpu.memory_space<vmem>> -> memref<1664x32xf32, #tpu.memory_space<vmem>>
    tpu.enqueue_dma source(%dma_start3A_417 : memref<1664x32xf32, #tpu.memory_space<vmem>>) target(%dma_start3A_413 : memref<1664x32xf32, #tpu.memory_space<hbm>>) target_semaphore(%arg9 : memref<!tpu.dma_semaphore, #tpu.memory_space<semaphore_mem>>)
    %add3A_418 = arith.constant 9984 : i32
    %add3A_419 = arith.addi %mul3A_2, %add3A_418 : i32
    %dma_wait3A_420 = arith.constant 0 : i32
    %dma_wait3A_421 = arith.constant 0 : i32
    %dma_wait3A_422 = arith.constant 0 : i32
    %dma_wait3A_423 = tpu.memref_slice %arg6[%dma_wait3A_420, %dma_wait3A_421, %dma_wait3A_422] : memref<2x1664x32xf32, #tpu.memory_space<vmem>> -> memref<1x1664x32xf32, #tpu.memory_space<vmem>>
    %dma_wait3A_424 = tpu.memref_squeeze %dma_wait3A_423 : memref<1x1664x32xf32, #tpu.memory_space<vmem>> -> memref<1664x32xf32, #tpu.memory_space<vmem>>
    %dma_wait3A_425 = arith.constant 0 : i32
    %dma_wait3A_426 = tpu.memref_slice %arg4[%add3A_419, %dma_wait3A_425] : memref<425984x32xf32, #tpu.memory_space<hbm>> -> memref<1664x32xf32, #tpu.memory_space<hbm>>
    %dma_wait3A_427 = arith.constant 0 : i32
    %dma_wait3A_428 = tpu.memref_slice %arg4[%add3A_419, %dma_wait3A_427] : memref<425984x32xf32, #tpu.memory_space<hbm>> -> memref<1664x32xf32, #tpu.memory_space<hbm>>
    %dma_wait3A_429 = arith.constant 0 : i32
    %dma_wait3A_430 = arith.constant 0 : i32
    %dma_wait3A_431 = tpu.memref_slice %arg6[%dma_wait3A_420, %dma_wait3A_429, %dma_wait3A_430] : memref<2x1664x32xf32, #tpu.memory_space<vmem>> -> memref<1x1664x32xf32, #tpu.memory_space<vmem>>
    %dma_wait3A_432 = tpu.memref_squeeze %dma_wait3A_431 : memref<1x1664x32xf32, #tpu.memory_space<vmem>> -> memref<1664x32xf32, #tpu.memory_space<vmem>>
    tpu.wait_dma2 semaphore(%arg8 : memref<!tpu.dma_semaphore, #tpu.memory_space<semaphore_mem>>) src(%dma_wait3A_432 : memref<1664x32xf32, #tpu.memory_space<vmem>>) dst(%dma_wait3A_428 : memref<1664x32xf32, #tpu.memory_space<hbm>>)
    %add3A_433 = arith.constant 11648 : i32
    %add3A_434 = arith.addi %mul3A_2, %add3A_433 : i32
    %dma_wait3A_435 = arith.constant 1 : i32
    %dma_wait3A_436 = arith.constant 0 : i32
    %dma_wait3A_437 = arith.constant 0 : i32
    %dma_wait3A_438 = tpu.memref_slice %arg6[%dma_wait3A_435, %dma_wait3A_436, %dma_wait3A_437] : memref<2x1664x32xf32, #tpu.memory_space<vmem>> -> memref<1x1664x32xf32, #tpu.memory_space<vmem>>
    %dma_wait3A_439 = tpu.memref_squeeze %dma_wait3A_438 : memref<1x1664x32xf32, #tpu.memory_space<vmem>> -> memref<1664x32xf32, #tpu.memory_space<vmem>>
    %dma_wait3A_440 = arith.constant 0 : i32
    %dma_wait3A_441 = tpu.memref_slice %arg4[%add3A_434, %dma_wait3A_440] : memref<425984x32xf32, #tpu.memory_space<hbm>> -> memref<1664x32xf32, #tpu.memory_space<hbm>>
    %dma_wait3A_442 = arith.constant 0 : i32
    %dma_wait3A_443 = tpu.memref_slice %arg4[%add3A_434, %dma_wait3A_442] : memref<425984x32xf32, #tpu.memory_space<hbm>> -> memref<1664x32xf32, #tpu.memory_space<hbm>>
    %dma_wait3A_444 = arith.constant 0 : i32
    %dma_wait3A_445 = arith.constant 0 : i32
    %dma_wait3A_446 = tpu.memref_slice %arg6[%dma_wait3A_435, %dma_wait3A_444, %dma_wait3A_445] : memref<2x1664x32xf32, #tpu.memory_space<vmem>> -> memref<1x1664x32xf32, #tpu.memory_space<vmem>>
    %dma_wait3A_447 = tpu.memref_squeeze %dma_wait3A_446 : memref<1x1664x32xf32, #tpu.memory_space<vmem>> -> memref<1664x32xf32, #tpu.memory_space<vmem>>
    tpu.wait_dma2 semaphore(%arg9 : memref<!tpu.dma_semaphore, #tpu.memory_space<semaphore_mem>>) src(%dma_wait3A_447 : memref<1664x32xf32, #tpu.memory_space<vmem>>) dst(%dma_wait3A_443 : memref<1664x32xf32, #tpu.memory_space<hbm>>)
    return
  }
}

</mosaic_0001>

<sc_bundles>
// kernel: kernel.3.cloned.1.call-start
scs
__scs_entry_jumppad:
0x0: {  	(pc) =	sbr.rel $0x88, $3  }
0x1: {  	(tag) =	ssettag $0x0;
	lr =	simm.s32 $0x1  }
0x2: {  	[smem:$0x3F9F] =	sst lr;
	_ =	strace $0xD0000000  }
0x3: {  	_ = 	snop  }
0x4: {  	_ = 	snop  }
0x5: {  	_ = 	snop  }
0x6: {  	_ = 	snop  }
0x7: {  	_ = 	snop  }
__scs_overlays_trampoline_lowered:
0x8: {  	[smem:$0x3FAE] =	sst s0  }
0x9: {  	[smem:$0x3FAF] =	sst s1  }
0xa: {  	[smem:$0x3FB0] =	sst s2  }
0xb: {  	[smem:$0x3FB1] =	sst s3  }
0xc: {  	[smem:$0x3FB2] =	sst s4  }
0xd: {  	[smem:$0x3FB3] =	sst s5  }
0xe: {  	[smem:$0x3FB4] =	sst s6  }
0xf: {  	[smem:$0x3FB5] =	sst s7  }
0x10: {  	[smem:$0x3FB6] =	sst s8  }
0x11: {  	[smem:$0x3FB7] =	sst s9;
	s0 =	simm.s32 @!p0 $0x0  }
0x12: {  	s1 =	sld [smem:$0x3F9D];
	s0 =	simm.s32 @p0 $0x1  }
0x13: {  	[smem:$0x3FB8] =	sst s0;
	s0 =	simm.s32 @!p1 $0x0  }
0x14: {  	s2 =	sld [smem:$0x3F9C];
	s0 =	simm.s32 @p1 $0x1  }
0x15: {  	[smem:$0x3FB9] =	sst s0;
	s0 =	simm.s32 @!p2 $0x0  }
0x16: {  	s3 =	sld [smem:$0x3FDB];
	s0 =	simm.s32 @p2 $0x1  }
0x17: {  	s4 =	simm.s32 $0x1BF5;
	[smem:$0x3FBB] =	sst s0  }
0x18: {  	s0 =	sld [smem:$0x3F9E];
	_ =	swait.ge [sflag:s4], $0x0  }
0x19: {  	s7 =	sld [smem:$0x3F9F]  }
0x1a: {  	s8 =	sadd.s32 $0xFFFFE003, lr  }
0x1b: {  	s9 =	sadd.s32 $0xFFFFFEF7, lr;
	s5 =	simm.s32 $0xFFFFFFFF;
	p2 =	slt.u32 s8, $0xFFFFF086  }
0x1c: {  	p1 =	slt.u32 s9, $0xF7A;
	s5 =	simm.s32 @!p2 $0x0  }
0x1d: {  	s5 =	simm.s32 @p1 $0x1;
	p0 =	seq.s32 s7, s2  }
0x1e: {  	s7 =	smul.u32 @!p0 $0xF7A, s2;
	p2 =	seq.s32 @!p0 s5, $0x0  }
0x1f: {  	s9 =	smul.u32 $0xF7A, s1;
	s8 =	simm.s32 @!p0 $0x1BF5;
	p2 =	por !p2, p0  }
0x20: {  	[sflag:s8] =	ssyncset.s32 @!p0 $0xFFFFF086;
	s6 =	sadd.s32 @!p0 s3, s7;
	s7 =	simm.s32 @!p0 $0x108  }
0x21: {  	s3 =	sadd.s32 s3, s9;
	s6 =	sadd.s32 @!p0 $0x88, s6;
	s7 =	simm.s32 @p2 $0x1082  }
0x22: {  	[simem:s7], [sflag:s8] =	dma.local @!p0 [hbm:s6], $0xF7A  }
0x23: {  	s9 =	sor.u32 $0xD0000000, s2;
	s6 =	simm.s32 $0x108;
	_ =	swait.ge @!p0 [sflag:s8], $0x0  }
0x24: {  	s3 =	sadd.s32 $0x88, s3;
	s6 =	simm.s32 @!p1 $0x1082;
	[sflag:s4] =	ssyncset.s32 $0xFFFFF086  }
0x25: {  	[simem:s6], [sflag:s4] =	dma.local [hbm:s3], $0xF7A  }
0x26: {  	[smem:$0x3F9F] =	sst s1;
	(tag) =	ssettag s2;
	_ =	strace s9  }
0x27: {  	s1 =	sld [smem:$0x3FAF]  }
0x28: {  	s2 =	sld [smem:$0x3FB0]  }
0x29: {  	s4 =	sld [smem:$0x3FB2]  }
0x2a: {  	p0 =	seq.s32 s5, $0x0;
	s5 =	sld [smem:$0x3FB3]  }
0x2b: {  	s6 =	sld [smem:$0x3FB4]  }
0x2c: {  	s7 =	sld [smem:$0x3FB5]  }
0x2d: {  	s3 =	simm.s32 $0x108;
	s8 =	sld [smem:$0x3FB6]  }
0x2e: {  	s3 =	simm.s32 @!p0 $0x1082;
	s9 =	sld [smem:$0x3FB7]  }
0x2f: {  	lr =	sadd.s32 s0, s3;
	s0 =	sld [smem:$0x3FAE]  }
0x30: {  	s3 =	sld [smem:$0x3FB1]  }
0x31: {  	[smem:$0x3FBA] =	sst s10  }
0x32: {  	s10 =	sld [smem:$0x3FB8];
	_ =	sdelay $0x3  }
0x33: {  	p0 =	seq.s32 s10, $0x1;
	s10 =	sld [smem:$0x3FBA];
	_ =	sdelay $0x3  }
0x34: {  	[smem:$0x3FBA] =	sst s10  }
0x35: {  	s10 =	sld [smem:$0x3FB9];
	_ =	sdelay $0x3  }
0x36: {  	p1 =	seq.s32 s10, $0x1;
	s10 =	sld [smem:$0x3FBA];
	_ =	sdelay $0x3  }
0x37: {  	[smem:$0x3FBA] =	sst s10  }
0x38: {  	s10 =	sld [smem:$0x3FBB]  }
0x39: {  	_ = 	snop;
	(pc) =	sbr.ind lr, $3  }
0x3a: {  	_ = 	snop  }
0x3b: {  	_ = 	snop  }
0x3c: {  	p2 =	seq.s32 s10, $0x1;
	s10 =	sld [smem:$0x3FBA]  }
0x3d: {  	_ =	shalt  }
0x3e: {  	_ =	shalt  }
0x3f: {  	_ =	shalt  }
0x40: {  	_ =	shalt  }
0x41: {  	_ =	shalt  }
0x42: {  	_ =	shalt  }
0x43: {  	_ =	shalt  }
0x44: {  	_ =	shalt  }
0x45: {  	_ =	shalt  }
0x46: {  	_ =	shalt  }
0x47: {  	_ =	shalt  }
0x48: {  	_ =	shalt  }
0x49: {  	_ =	shalt  }
0x4a: {  	_ =	shalt  }
0x4b: {  	_ =	shalt  }
0x4c: {  	_ =	shalt  }
0x4d: {  	_ =	shalt  }
0x4e: {  	_ =	shalt  }
0x4f: {  	_ =	shalt  }
0x50: {  	_ =	shalt  }
0x51: {  	_ =	shalt  }
0x52: {  	_ =	shalt  }
0x53: {  	_ =	shalt  }
0x54: {  	_ =	shalt  }
0x55: {  	_ =	shalt  }
0x56: {  	_ =	shalt  }
0x57: {  	_ =	shalt  }
0x58: {  	_ =	shalt  }
0x59: {  	_ =	shalt  }
0x5a: {  	_ =	shalt  }
0x5b: {  	_ =	shalt  }
0x5c: {  	_ =	shalt  }
0x5d: {  	_ =	shalt  }
0x5e: {  	_ =	shalt  }
0x5f: {  	_ =	shalt  }
0x60: {  	_ =	shalt  }
0x61: {  	_ =	shalt  }
0x62: {  	_ =	shalt  }
0x63: {  	_ =	shalt  }
0x64: {  	_ =	shalt  }
0x65: {  	_ =	shalt  }
0x66: {  	_ =	shalt  }
0x67: {  	_ =	shalt  }
0x68: {  	_ =	shalt  }
0x69: {  	_ =	shalt  }
0x6a: {  	_ =	shalt  }
0x6b: {  	_ =	shalt  }
0x6c: {  	_ =	shalt  }
0x6d: {  	_ =	shalt  }
0x6e: {  	_ =	shalt  }
0x6f: {  	_ =	shalt  }
0x70: {  	_ =	shalt  }
0x71: {  	_ =	shalt  }
0x72: {  	_ =	shalt  }
0x73: {  	_ =	shalt  }
0x74: {  	_ =	shalt  }
0x75: {  	_ =	shalt  }
0x76: {  	_ =	shalt  }
0x77: {  	_ =	shalt  }
0x78: {  	_ =	shalt  }
0x79: {  	_ =	shalt  }
0x7a: {  	_ =	shalt  }
0x7b: {  	_ =	shalt  }
0x7c: {  	_ =	shalt  }
0x7d: {  	_ =	shalt  }
0x7e: {  	_ =	shalt  }
0x7f: {  	_ =	shalt  }
0x80: {  	_ =	shalt  }
0x81: {  	_ =	shalt  }
0x82: {  	_ =	shalt  }
0x83: {  	_ =	shalt  }
0x84: {  	_ =	shalt  }
0x85: {  	_ =	shalt  }
0x86: {  	_ =	shalt  }
0x87: {  	_ =	shalt  }
.Lfunc_end0:
.L_simem_size_0:
called_computation.1_lowered:
.L_overlay_start_0:
0x88: {  	s2 =	sld [smem:$0x3FD9]  }
0x89: {  	s3 =	sld [smem:$0x3FFE];
	_ =	sdelay $0x1  }
0x8a: {  	s1 =	srdreg.scid  }
0x8b: {  	s0 =	sand.u32 $0x1, s1  }
0x8c: {  	s17 =	sshll.u32 s0, $0xA;
	s2 =	sadd.s32 s3, s2  }
0x8d: {  	s2 =	sadd.s32 s2, s17  }
0x8e: {  	[smem:$0x3FC6] =	sst s2  }
0x8f: {  	_ = 	snop  }
0x90: {  	s2 =	sld [smem:$0x3FD0];
	(tm) =	ssettm $0x1  }
0x91: {  	s18 =	sld [smem:$0x3FFB];
	_ =	sdelay $0x3  }
0x92: {  	_ =	strace s18  }
0x93: {  	s3 =	sld [smem:$0x3FFC];
	_ =	sdelay $0x3  }
0x94: {  	_ =	strace s3  }
0x95: {  	s3 =	sld [smem:$0x3FFD];
	_ =	sdelay $0x3  }
0x96: {  	_ =	strace s3  }
0x97: {  	_ =	strace $0x8FFFFFFF  }
0x98: {  	s19 =	sld [smem:$0x3FDB];
	_ =	sdelay $0x1  }
0x99: {  	s4 =	simm.s32 $_scs_section_size  }
0x9a: {  	s5 =	simm.s32 $_size__tile_overlayer_lowered;
	s6 =	simm.s32 $_tile_overlayer_lowered  }
0x9b: {  	s22 =	simm.s32 $0x1BFF;
	s21 =	sshll.u32 s6, $0x1;
	s3 =	sadd.s32 s4, s19  }
0x9c: {  	s7 =	simm.s32 $0x0;
	s20 =	sshll.u32 s5, $0x1;
	s5 =	sadd.s32 s21, s3  }
0x9d: {  	[timem:s7], [sflag:s22] =	dma.local [hbm:s5], s20  }
0x9e: {  	_ =	swait.ge [sflag:s22], s20  }
0x9f: {  	s4 =	ssub.s32 $0x0, s20;
	[sflag:s22] =	ssyncset.done $0x0  }
0xa0: {  	[sflag:s22] =	ssyncadd.s32 s4;
	_ =	sdelay $0x1  }
0xa1: {  	s23 =	simm.s32 $0x1B8B  }
0xa2: {  	_ =	swait.ge [sflag:s23], $0x1  }
0xa3: {  	[sflag:s23] =	ssyncset.done $0x0  }
0xa4: {  	s25 =	simm.s32 $0x1B8E;
	s24 =	sld [smem:$0x3FFE];
	[sflag:s23] =	ssyncadd.s32 $0xFFFFFFFF  }
0xa5: {  	s26 =	simm.s32 $execute0_lowered;
	[smem:$0x3FD2] =	sst s25  }
0xa6: {  	s5 =	sshll.u32 s26, $0x1;
	_ =	strace $0x80000046;
	[dreg:$0x1] =	wrdreg $0xFFFFFFFF  }
0xa7: {  	s28 =	simm.s32 $_size_execute0_lowered;
	s3 =	sadd.s32 s3, s5;
	[dreg:$0x0] =	wrdreg $0x0  }
0xa8: {  	s5 =	sshll.u32 s28, $0x1;
	[dreg:$0x2] =	wrdreg s3  }
0xa9: {  	[dreg:$0x3] =	wrdreg s5  }
0xaa: {  	[dreg:$0x4] =	wrdreg $0xC0  }
0xab: {  	_ =	task [dreg:s7], $0x5FFFF  }
0xac: {  	[dreg:$0x1] =	wrdreg $0xFFFFFFFF  }
0xad: {  	[dreg:$0x0] =	wrdreg $0x60  }
0xae: {  	[dreg:$0x2] =	wrdreg s24  }
0xaf: {  	[dreg:$0x3] =	wrdreg s2  }
0xb0: {  	[dreg:$0x4] =	wrdreg $0x9  }
0xb1: {  	_ =	task.clear_ibuf [dreg:s7], $0x5FFFF;
	_ =	strace $0x90000046  }
0xb2: {  	s29 =	simm.s32 $0x9;
	_ =	strace $0x80000048  }
0xb3: {  	_ =	swait.ge [sflag:s29], $0x1  }
0xb4: {  	[sflag:s29] =	ssyncadd.s32 $0xFFFFFFFF  }
0xb5: {  	_ =	strace $0x90000048  }
0xb6: {  	_ =	sfence  }
0xb7: {  	s30 =	sld [smem:$0x0];
	_ =	sdelay $0x2  }
0xb8: {  	s31 =	sshll.u32 s1, $0xD;
	s1 =	sshrl.u32 s1, $0x2  }
0xb9: {  	s3 =	sand.u32 $0x4000, s31;
	s1 =	sadd.s32 s1, s30  }
0xba: {  	s0 =	sor.u32 s3, s0;
	s1 =	sshll.u32 s1, $0x11  }
0xbb: {  	s0 =	sor.u32 s1, s0  }
0xbc: {  	s0 =	sadd.s32 $0x8F2B, s0  }
0xbd: {  	[sflag:s0] =	ssyncadd.remote.s32 $0x1  }
0xbe: {  	_ =	sfence.sel $0xFFFF  }
0xbf: {  	[dreg:$0x0] =	wrdreg $0xFFFFFFFF;
	(pc) =	sbr.abs _section_cstart, $3  }
0xc0: {  	[dreg:$0x1] =	wrdreg $0xFFFFFFFF  }
0xc1: {  	_ =	task.clear_ibuf [dreg:s7], $0x2FFFF;
	_ =	strace $0x9FFFFFFF  }
0xc2: {  	(tm) =	ssettm $0x7FFFFFFF  }
0xc3: {  	_ =	shalt  }
tec
execute0_lowered:
.L_overlay_start_1:
0x0: {  	(tag) =	ssettag $0x1  }
0x1: {  	s0 =	srdreg.scid;
	s2 =	stileid.u32  }
0x2: {  	s0 =	sand.u32 $0x1, s0;
	s2 =	sshll.u32 s2, $0x1  }
0x3: {  	s1 =	rddreg [dreg:$0x0];
	s2 =	sor.u32 s0, s2  }
0x4: {  	s3 =	rddreg [dreg:$0x1];
	s7 =	simm.s32 $0x0;
	s4 =	smul.u32 $0x680, s2  }
0x5: {  	[smem:$0x7FF] =	sst s7;
	s5 =	smul.u32 $0x68000, s2  }
0x6: {  	_ =	strace $0x80000047;
	s0 =	ssub.s32 $0x2, s0;
	s2 =	smul.u32 $0xD000, s2  }
0x7: {  	s6 =	sshrl.u32 s0, $0x1;
	s4 =	sadd.s32 s4, s1;
	s1 =	sadd.s32 $0xF43000, s1  }
0x8: {  	s0 =	ssub.s32 s0, s6;
	s2 =	sadd.s32 s3, s2;
	[dreg:$0xb] =	wrdreg s1  }
0x9: {  	s5 =	sshrl.u32 s5, $0x3;
	s0 =	smax.u32 s0, $0x1;
	[dreg:$0xd] =	wrdreg s2  }
0xa: {  	s24 =	sadd.s32 s3, s5;
	s4 =	sadd.s32 $0xA00, s4;
	[dreg:$0x15] =	wrdreg s0  }
0xb: {  	[dreg:$0xc] =	wrdreg s4;
	s25 =	sadd.s32 $0x1A00, s24  }
0xc: {  	v0 =	vimm.s32 $0xECA86420;
	vm0 =	vcmask $0xB08;
	vm1 =	vcmask $0x1310;
	s26 =	sadd.s32 $0x3400, s24;
	[dreg:$0xe] =	wrdreg s25  }
0xd: {  	vm2 =	vcmask $0x1B18;
	vm3 =	vcmask $0x300;
	vm4 =	vcmask $0x2320;
	s28 =	sadd.s32 $0x4E00, s24;
	[dreg:$0xf] =	wrdreg s26  }
0xe: {  	vm5 =	vcmask $0x2B28;
	vm6 =	vcmask $0x3330;
	vm7 =	vcmask $0x3B38;
	s29 =	sadd.s32 $0x6800, s24;
	[dreg:$0x10] =	wrdreg s28  }
0xf: {  	v1 =	vlaneseq.u32;
	vm8 =	vmmov $0xff;
	vm9 =	vcmask $0x704;
	s30 =	sadd.s32 $0x8200, s24;
	[dreg:$0x11] =	wrdreg s29  }
0x10: {  	vm10 =	vcmask $0xF0C;
	vm11 =	vcmask $0x1714;
	v0 =	vunpack.c.l.s4.s8 v0;
	s31 =	sadd.s32 $0x9C00, s24;
	[dreg:$0x12] =	wrdreg s30  }
0x11: {  	vm12 =	vcmask $0x1F1C;
	vm13 =	vcmask $0x2724;
	vm14 =	vcmask $0x2F2C;
	s1 =	sadd.s32 $0xB600, s24;
	[dreg:$0x13] =	wrdreg s31  }
0x12: {  	vm15 =	vcmask $0x3734;
	v1 =	vmul.u32 $0x2, v1;
	v0 =	vunpack.c.0.s8.s32 v0;
	[dreg:$0x14] =	wrdreg s1;
	s1 =	simm.s32 $0x0  }
.LBB2_1:
0x13: {  	[dreg:$0x16] =	wrdreg s1  }
0x14: {  	s0 =	rddreg [dreg:$0xc];
	s19 =	simm.s32 $0x4  }
0x15: {  	[tilespmem:s7], [sflag:$0x4] =	stream.linear.gather [hbm4b:s0+s7], $0x3400, $0x38;
	[tilespmem:$0x1D400] =	vst v63  }
0x16: {  	_ =	swait.ge [sflag:s19], $0x3400  }
0x17: {  	[sflag:s19] =	ssyncset.done $0x0  }
0x18: {  	s29 =	simm.s32 $0x0;
	[sflag:s19] =	ssyncadd.s32 $0xFFFFCC00  }
0x19: {  	v2 =	vld [tilespmem:s29+$0x0];
	_ =	sdelay $0x4  }
0x1a: {  	(v2sf) =	vpush v2, $0x0  }
0x1b: {  	(v2sf) =	vpush v2, $0x1;
	_ =	sdelay $0x1  }
0x1c: {  	(v2sf) =	vpush v2, $0x2;
	_ =	sdelay $0x1  }
0x1d: {  	(v2sf) =	vpush v2, $0x7;
	_ =	sdelay $0x2  }
0x1e: {  	(v2sf) =	vpush v2, $0x3  }
0x1f: {  	(v2sf) =	vpush v2, $0x4;
	_ =	sdelay $0x1  }
0x20: {  	(v2sf) =	vpush v2, $0xC  }
0x21: {  	(v2sf) =	vpush v2, $0xD;
	_ =	sdelay $0x2  }
0x22: {  	(v2sf) =	vpush v2, $0xE;
	s20 =	spop (v2sf)  }
0x23: {  	(v2sf) =	vpush v2, $0x8;
	s5 =	smulhi.u32 $0x431BDA1D, s20;
	s21 =	spop (v2sf)  }
0x24: {  	s13 =	sshra.s32 s20, $0x1F;
	s2 =	smulhi.u32 $0x431BDA1D, s21  }
0x25: {  	(v2sf) =	vpush v2, $0xF;
	s3 =	spop (v2sf);
	s13 =	smul.u32 $0x431BDA1D, s13  }
0x26: {  	s1 =	sshra.s32 s21, $0x1F;
	s4 =	smulhi.u32 $0x431BDA1D, s3  }
0x27: {  	(v2sf) =	vpush v2, $0x9;
	s6 =	spop (v2sf);
	s9 =	smul.u32 $0x431BDA1D, s1  }
0x28: {  	s22 =	sshra.s32 s3, $0x1F;
	s7 =	smulhi.u32 $0x431BDA1D, s6  }
0x29: {  	s6 =	sshra.s32 s6, $0x1F;
	s11 =	smul.u32 $0x431BDA1D, s22  }
0x2a: {  	(v2sf) =	vpush v2, $0xA;
	s8 =	spop (v2sf);
	s6 =	smul.u32 $0x431BDA1D, s6  }
0x2b: {  	s3 =	spop (v2sf);
	s14 =	smulhi.u32 $0x431BDA1D, s8  }
0x2c: {  	(v2sf) =	vpush v2, $0x5;
	s8 =	sshra.s32 s8, $0x1F;
	s18 =	sadd.s32 s9, s2;
	s10 =	sshra.s32 s3, $0x1F  }
0x2d: {  	s12 =	spop (v2sf);
	s4 =	sadd.s32 s11, s4;
	s1 =	smul.u32 $0x431BDA1D, s10  }
0x2e: {  	s23 =	spop (v2sf);
	s22 =	sshra.s32 s4, $0x12;
	s17 =	smulhi.u32 $0x431BDA1D, s12  }
0x2f: {  	(v2sf) =	vpush v2, $0xB;
	s0 =	sshrl.u32 s4, $0x1F;
	s20 =	sshra.s32 s4, $0x1F;
	s4 =	smul.u32 $0x431BDA1D, s8  }
0x30: {  	s24 =	sshra.s32 s12, $0x1F;
	s31 =	sadd.s32 s6, s7;
	s15 =	smulhi.u32 $0x431BDA1D, s23  }
0x31: {  	(v2sf) =	vpush v2, $0x6;
	s6 =	sshra.s32 s18, $0x12;
	s25 =	spop (v2sf);
	s26 =	smul.u32 $0x431BDA1D, s24  }
0x32: {  	s16 =	sshra.s32 s23, $0x1F;
	s24 =	smulhi.u32 $0x431BDA1D, s25;
	s21 =	spop (v2sf)  }
0x33: {  	s28 =	sshra.s32 s25, $0x1F;
	s23 =	smul.u32 $0x431BDA1D, s16;
	s14 =	sadd.s32 s4, s14  }
0x34: {  	s19 =	spop (v2sf);
	s26 =	sadd.s32 s26, s17;
	s28 =	smul.u32 $0x431BDA1D, s28  }
0x35: {  	s4 =	sshrl.u32 s14, $0x1F;
	s25 =	sshra.s32 s19, $0x1F;
	s10 =	smulhi.u32 $0x431BDA1D, s19  }
0x36: {  	s8 =	sshra.s32 s14, $0x12;
	s2 =	smul.u32 $0x431BDA1D, s25;
	s16 =	spop (v2sf)  }
0x37: {  	s30 =	sshrl.u32 s26, $0x1F;
	s11 =	sshra.s32 s16, $0x1F;
	s16 =	smulhi.u32 $0x431BDA1D, s16  }
0x38: {  	s15 =	sadd.s32 s23, s15;
	s17 =	sshra.s32 s26, $0x12;
	s9 =	smul.u32 $0x431BDA1D, s11  }
0x39: {  	s7 =	sshrl.u32 s15, $0x1F;
	s19 =	spop (v2sf);
	s11 =	smulhi.u32 $0x431BDA1D, s3  }
0x3a: {  	v4 =	vmov s30;
	s30 =	simm.s32 $0x40;
	s3 =	sshra.s32 s15, $0x12;
	s23 =	smulhi.u32 $0x431BDA1D, s19  }
0x3b: {  	s26 =	spop (v2sf);
	s25 =	sshra.s32 s19, $0x1F;
	s15 =	smulhi.u32 $0x431BDA1D, s21  }
0x3c: {  	s19 =	sadd.s32 s13, s5;
	s5 =	sshra.s32 s14, $0x1F;
	s12 =	smulhi.u32 $0x431BDA1D, s26  }
0x3d: {  	v3 =	vmov s17;
	s13 =	sshra.s32 s21, $0x1F;
	s21 =	sshra.s32 s31, $0x1F;
	s25 =	smul.u32 $0x431BDA1D, s25  }
0x3e: {  	v5 =	vmov s21;
	s21 =	spop (v2sf);
	s17 =	sshra.s32 s19, $0x12;
	v3 =	vsel vm0, s3, v3;
	s3 =	sshra.s32 s19, $0x1F  }
0x3f: {  	s9 =	sadd.s32 s9, s16;
	s16 =	sshra.s32 s26, $0x1F;
	s26 =	sshrl.u32 s18, $0x1F  }
0x40: {  	v4 =	vsel vm0, s7, v4;
	s18 =	sshra.s32 s18, $0x1F;
	v5 =	vsel vm3, s17, v5;
	s7 =	smulhi.u32 $0x431BDA1D, s21;
	s14 =	spop (v2sf)  }
.LBB2_2:
0x41: {  	s17 =	sshrl.u32 s9, $0x1F  }
0x42: {  	s13 =	smul.u32 $0x431BDA1D, s13;
	s21 =	sshra.s32 s21, $0x1F;
	v5 =	vsel vm9, s3, v5;
	s2 =	sadd.s32 s2, s10  }
0x43: {  	s10 =	sshrl.u32 s19, $0x1F;
	s16 =	smul.u32 $0x431BDA1D, s16;
	s19 =	sshra.s32 s14, $0x1F;
	v5 =	vsel vm0, s6, v5  }
0x44: {  	s6 =	sadd.s32 s28, s24;
	v6 =	vmov s10;
	s1 =	sadd.s32 s1, s11;
	s3 =	sshrl.u32 s2, $0x1F;
	v5 =	vsel vm10, s18, v5  }
0x45: {  	s2 =	sshra.s32 s2, $0x12;
	v6 =	vnsel vm3, $0x0, v6;
	s24 =	sshrl.u32 s6, $0x1F;
	s6 =	sshra.s32 s6, $0x12;
	v5 =	vsel vm1, s22, v5  }
0x46: {  	s13 =	sadd.s32 s13, s15;
	s10 =	sadd.s32 s16, s12;
	s18 =	smul.u32 $0x431BDA1D, s19;
	v6 =	vsel vm0, s26, v6;
	v4 =	vsel vm1, s24, v4;
	v3 =	vsel vm1, s6, v3  }
0x47: {  	s19 =	smulhi.u32 $0x431BDA1D, s14;
	s26 =	sshrl.u32 s13, $0x1F;
	s16 =	sshra.s32 s13, $0x12;
	v5 =	vsel vm11, s20, v5;
	v6 =	vsel vm1, s0, v6;
	v4 =	vsel vm2, s3, v4  }
0x48: {  	s11 =	sshrl.u32 s1, $0x1F;
	s15 =	sadd.s32 s25, s23;
	s22 =	smul.u32 $0x431BDA1D, s21;
	v7 =	vmov s26;
	v8 =	vmov s16;
	v5 =	vsel vm2, s8, v5  }
0x49: {  	s24 =	sshrl.u32 s10, $0x1F;
	s14 =	sshra.s32 s10, $0x12;
	s20 =	sshra.s32 s1, $0x12;
	v3 =	vsel vm2, s2, v3;
	v6 =	vsel vm2, s4, v6;
	v5 =	vsel vm12, s5, v5  }
0x4a: {  	s1 =	sshra.s32 s1, $0x1F;
	s0 =	sadd.s32 s18, s19;
	s18 =	sshrl.u32 s15, $0x1F;
	v7 =	vsel vm0, s17, v7;
	v6 =	vsel vm4, s11, v6;
	v5 =	vsel vm4, s20, v5  }
0x4b: {  	s17 =	sadd.s32 s22, s7;
	s21 =	sshrl.u32 s0, $0x1F;
	s11 =	sshra.s32 s9, $0x12;
	v7 =	vsel vm1, s18, v7;
	v6 =	vsel vm5, s24, v6;
	v5 =	vsel vm13, s1, v5  }
0x4c: {  	s5 =	sshra.s32 s15, $0x12;
	s20 =	sshra.s32 s10, $0x1F;
	v8 =	vsel vm0, s11, v8;
	s1 =	sshrl.u32 s17, $0x1F;
	v6 =	vsel vm6, s21, v6;
	v5 =	vsel vm5, s14, v5  }
0x4d: {  	s22 =	sshra.s32 s0, $0x12;
	s19 =	sshra.s32 s17, $0x12;
	v8 =	vsel vm1, s5, v8;
	v7 =	vsel vm2, s1, v7;
	v5 =	vsel vm14, s20, v5  }
0x4e: {  	s23 =	sshrl.u32 s31, $0x1F;
	s0 =	sshra.s32 s0, $0x1F;
	v8 =	vsel vm2, s19, v8;
	v4 =	vcombine.low v7, v4;
	v5 =	vsel vm6, s22, v5  }
0x4f: {  	s24 =	sshra.s32 s31, $0x12;
	v6 =	vsel vm7, s23, v6;
	v3 =	vcombine.low v8, v3;
	v5 =	vsel vm15, s0, v5  }
0x50: {  	v6 =	vperm.xlane v6, v1;
	v4 =	vperm.xlane v4, v0;
	v5 =	vsel vm7, s24, v5  }
0x51: {  	v3 =	vperm.xlane v3, v0;
	v5 =	vperm.xlane v5, v1;
	_ =	sdelay $0x1  }
0x52: {  	v4 =	vsel vm8, v6, v4;
	v3 =	vsel vm8, v5, v3  }
0x53: {  	v3 =	vadd.s32 v4, v3  }
0x54: {  	v3 =	vmul.u32 $0xF4241, v3;
	_ =	sdelay $0x1  }
0x55: {  	s25 =	smov.u32 s30;
	v2 =	vsub.s32 v2, v3  }
0x56: {  	s26 =	sshra.s32 s25, $0x2;
	[tilespmem:s29+$0x0] =	vst v2  }
0x57: {  	v2 =	vld [tilespmem:s26+$0x0];
	_ =	sdelay $0x4  }
0x58: {  	(v2sf) =	vpush v2, $0x0  }
0x59: {  	(v2sf) =	vpush v2, $0x1  }
0x5a: {  	(v2sf) =	vpush v2, $0x2;
	_ =	sdelay $0x1  }
0x5b: {  	(v2sf) =	vpush v2, $0x7;
	_ =	sdelay $0x1  }
0x5c: {  	(v2sf) =	vpush v2, $0x3  }
0x5d: {  	(v2sf) =	vpush v2, $0x4;
	_ =	sdelay $0x2  }
0x5e: {  	(v2sf) =	vpush v2, $0xC  }
0x5f: {  	(v2sf) =	vpush v2, $0xD;
	_ =	sdelay $0x2  }
0x60: {  	(v2sf) =	vpush v2, $0xE  }
0x61: {  	s1 =	spop (v2sf)  }
0x62: {  	(v2sf) =	vpush v2, $0x8;
	s7 =	smulhi.u32 $0x431BDA1D, s1;
	s2 =	spop (v2sf)  }
0x63: {  	s3 =	smulhi.u32 $0x431BDA1D, s2;
	s4 =	spop (v2sf)  }
0x64: {  	p0 =	sne.s32 s30, $0x19C0;
	(v2sf) =	vpush v2, $0xF;
	s0 =	sshra.s32 s2, $0x1F;
	s5 =	smulhi.u32 $0x431BDA1D, s4  }
0x65: {  	s30 =	sadd.s32 $0x40, s30;
	(v2sf) =	vpush v2, $0x9;
	s6 =	spop (v2sf);
	s0 =	smul.u32 $0x431BDA1D, s0  }
0x66: {  	[dreg:$0x3] =	wrdreg s26;
	s2 =	sshra.s32 s4, $0x1F;
	s25 =	smulhi.u32 $0x431BDA1D, s6  }
0x67: {  	s4 =	sshra.s32 s6, $0x1F;
	s8 =	spop (v2sf);
	s13 =	smul.u32 $0x431BDA1D, s2  }
0x68: {  	s9 =	sshra.s32 s8, $0x1F;
	s11 =	spop (v2sf);
	s31 =	smul.u32 $0x431BDA1D, s4  }
0x69: {  	s14 =	sadd.s32 s0, s3;
	s3 =	sadd.s32 s13, s5;
	s5 =	smulhi.u32 $0x431BDA1D, s8  }
0x6a: {  	s21 =	sshra.s32 s1, $0x1F;
	s12 =	sshra.s32 s11, $0x1F;
	s8 =	smul.u32 $0x431BDA1D, s9  }
0x6b: {  	(v2sf) =	vpush v2, $0xA;
	s15 =	spop (v2sf);
	s6 =	sshra.s32 s14, $0x12;
	s11 =	smulhi.u32 $0x431BDA1D, s11  }
0x6c: {  	s26 =	sshrl.u32 s14, $0x1F;
	s1 =	smul.u32 $0x431BDA1D, s12;
	s16 =	spop (v2sf)  }
0x6d: {  	(v2sf) =	vpush v2, $0x5;
	s17 =	sshra.s32 s15, $0x1F;
	s22 =	sshra.s32 s3, $0x12;
	s2 =	smulhi.u32 $0x431BDA1D, s15  }
0x6e: {  	(v2sf) =	vpush v2, $0xB;
	s0 =	sshrl.u32 s3, $0x1F;
	s20 =	sshra.s32 s3, $0x1F;
	s12 =	smulhi.u32 $0x431BDA1D, s16  }
0x6f: {  	s31 =	sadd.s32 s31, s25;
	s18 =	spop (v2sf);
	s10 =	smul.u32 $0x431BDA1D, s17;
	(v2sf) =	vpush v2, $0x6  }
0x70: {  	s4 =	sshra.s32 s16, $0x1F;
	s5 =	sadd.s32 s8, s5;
	s24 =	smulhi.u32 $0x431BDA1D, s18  }
0x71: {  	s3 =	sshra.s32 s18, $0x1F;
	s15 =	spop (v2sf);
	s4 =	smul.u32 $0x431BDA1D, s4  }
0x72: {  	s8 =	sshra.s32 s5, $0x12;
	s13 =	sshra.s32 s15, $0x1F;
	s15 =	smulhi.u32 $0x431BDA1D, s15  }
0x73: {  	s19 =	spop (v2sf);
	s2 =	sadd.s32 s10, s2;
	s28 =	smul.u32 $0x431BDA1D, s3  }
0x74: {  	s17 =	sshra.s32 s19, $0x1F;
	s23 =	spop (v2sf);
	s10 =	smulhi.u32 $0x431BDA1D, s19  }
0x75: {  	s9 =	sshrl.u32 s2, $0x1F;
	s2 =	sshra.s32 s2, $0x12;
	s29 =	smulhi.u32 $0x431BDA1D, s23  }
0x76: {  	s12 =	sadd.s32 s4, s12;
	s16 =	sshra.s32 s23, $0x1F;
	v3 =	vmov s2;
	s2 =	smul.u32 $0x431BDA1D, s17  }
0x77: {  	v4 =	vmov s9;
	s4 =	sshra.s32 s12, $0x12;
	s19 =	sshrl.u32 s12, $0x1F;
	s9 =	smul.u32 $0x431BDA1D, s16  }
0x78: {  	s18 =	sshra.s32 s14, $0x1F;
	v3 =	vsel vm0, s4, v3;
	s4 =	sshrl.u32 s5, $0x1F;
	v4 =	vsel vm0, s19, v4;
	s19 =	smul.u32 $0x431BDA1D, s21  }
0x79: {  	s5 =	sshra.s32 s5, $0x1F;
	s9 =	sadd.s32 s9, s29;
	s29 =	rddreg [dreg:$0x3]  }
.Ltmp0:
0x7a: {  	s19 =	sadd.s32 s19, s7;
	s23 =	spop (v2sf);
	(pc) =	sbr.rel @p0 .LBB2_2-.Ltmp0, $4  }
0x7b: {  	s3 =	sshra.s32 s19, $0x1F;
	s17 =	sshra.s32 s23, $0x1F;
	s23 =	smulhi.u32 $0x431BDA1D, s23  }
0x7c: {  	s25 =	smul.u32 $0x431BDA1D, s17;
	s17 =	sshra.s32 s31, $0x1F;
	s16 =	spop (v2sf)  }
0x7d: {  	v5 =	vmov s17;
	s17 =	sshra.s32 s19, $0x12;
	s12 =	smulhi.u32 $0x431BDA1D, s16;
	s21 =	spop (v2sf)  }
0x7e: {  	s16 =	sshra.s32 s16, $0x1F;
	v5 =	vsel vm3, s17, v5;
	s7 =	smulhi.u32 $0x431BDA1D, s21;
	s14 =	spop (v2sf)  }
0x7f: {  	s2 =	sadd.s32 s2, s10  }
0x80: {  	v5 =	vsel vm9, s3, v5;
	s3 =	sadd.s32 s28, s24;
	s10 =	smul.u32 $0x431BDA1D, s13;
	s24 =	sshrl.u32 s19, $0x1F  }
0x81: {  	s17 =	sshra.s32 s21, $0x1F;
	s16 =	smul.u32 $0x431BDA1D, s16;
	s1 =	sadd.s32 s1, s11  }
0x82: {  	s21 =	smulhi.u32 $0x431BDA1D, s14;
	v5 =	vsel vm0, s6, v5;
	s6 =	sshrl.u32 s9, $0x1F;
	v6 =	vmov s24;
	s19 =	sshrl.u32 s3, $0x1F  }
0x83: {  	s13 =	sshrl.u32 s2, $0x1F;
	s3 =	sshra.s32 s3, $0x12;
	s24 =	smul.u32 $0x431BDA1D, s17;
	v5 =	vsel vm10, s18, v5;
	v6 =	vnsel vm3, $0x0, v6;
	v4 =	vsel vm1, s19, v4  }
0x84: {  	s2 =	sshra.s32 s2, $0x12;
	s10 =	sadd.s32 s10, s15;
	s18 =	sshra.s32 s14, $0x1F;
	v3 =	vsel vm1, s3, v3;
	v5 =	vsel vm1, s22, v5;
	v6 =	vsel vm0, s26, v6  }
0x85: {  	s15 =	sshrl.u32 s1, $0x1F;
	s12 =	sadd.s32 s16, s12;
	v4 =	vsel vm2, s13, v4;
	s13 =	sshrl.u32 s10, $0x1F;
	v3 =	vsel vm2, s2, v3;
	v5 =	vsel vm11, s20, v5  }
0x86: {  	s16 =	sshra.s32 s9, $0x12;
	s11 =	smul.u32 $0x431BDA1D, s18;
	s18 =	sshra.s32 s10, $0x12;
	v6 =	vsel vm1, s0, v6;
	v7 =	vmov s13;
	v5 =	vsel vm2, s8, v5  }
0x87: {  	s19 =	sadd.s32 s25, s23;
	s22 =	sshra.s32 s1, $0x12;
	s1 =	sshra.s32 s1, $0x1F;
	v8 =	vmov s18;
	v6 =	vsel vm2, s4, v6;
	v5 =	vsel vm12, s5, v5  }
0x88: {  	s20 =	sadd.s32 s24, s7;
	v7 =	vsel vm0, s6, v7;
	s0 =	sadd.s32 s11, s21;
	s21 =	sshrl.u32 s19, $0x1F;
	v8 =	vsel vm0, s16, v8;
	v5 =	vsel vm4, s22, v5  }
0x89: {  	s17 =	sshra.s32 s12, $0x12;
	s23 =	sshra.s32 s19, $0x12;
	s25 =	sshrl.u32 s20, $0x1F;
	v6 =	vsel vm4, s15, v6;
	v7 =	vsel vm1, s21, v7;
	v5 =	vsel vm13, s1, v5  }
0x8a: {  	s26 =	sshrl.u32 s12, $0x1F;
	s24 =	sshra.s32 s0, $0x12;
	v8 =	vsel vm1, s23, v8;
	s22 =	sshra.s32 s12, $0x1F;
	v7 =	vsel vm2, s25, v7;
	v5 =	vsel vm5, s17, v5  }
0x8b: {  	v6 =	vsel vm5, s26, v6;
	s26 =	sshra.s32 s0, $0x1F;
	s0 =	sshrl.u32 s0, $0x1F;
	s1 =	sshra.s32 s20, $0x12;
	v4 =	vcombine.low v7, v4;
	v5 =	vsel vm14, s22, v5  }
0x8c: {  	s4 =	sshrl.u32 s31, $0x1F;
	v6 =	vsel vm6, s0, v6;
	v8 =	vsel vm2, s1, v8;
	v5 =	vsel vm6, s24, v5  }
0x8d: {  	s3 =	sshra.s32 s31, $0x12;
	v6 =	vsel vm7, s4, v6;
	v3 =	vcombine.low v8, v3;
	v5 =	vsel vm15, s26, v5  }
0x8e: {  	v4 =	vperm.xlane v4, v0;
	v6 =	vperm.xlane v6, v1;
	v5 =	vsel vm7, s3, v5  }
0x8f: {  	v3 =	vperm.xlane v3, v0;
	v5 =	vperm.xlane v5, v1;
	_ =	sdelay $0x1  }
0x90: {  	v4 =	vsel vm8, v6, v4;
	v3 =	vsel vm8, v5, v3  }
0x91: {  	v3 =	vadd.s32 v4, v3  }
0x92: {  	v3 =	vmul.u32 $0xF4241, v3;
	_ =	sdelay $0x1  }
0x93: {  	s7 =	simm.s32 $0x680;
	s6 =	rddreg [dreg:$0xb];
	v2 =	vsub.s32 v2, v3  }
0x94: {  	s8 =	simm.s32 $0x3400;
	s5 =	simm.s32 $0x0;
	[tilespmem:s29+$0x0] =	vst v2;
	s29 =	simm.s32 $0x0  }
0x95: {  	[tilespmem:s8], [sflag:$0x1] =	stream.indirect.gather [hbm4b:s6+s7], $0x20, s5, s7, $0xb8;
	[tilespmem:$0x1D400] =	vst v63  }
0x96: {  	v2 =	vld [tilespmem:s29+$0x680];
	_ =	sdelay $0x4  }
0x97: {  	(v2sf) =	vpush v2, $0x0  }
0x98: {  	(v2sf) =	vpush v2, $0x1;
	_ =	sdelay $0x1  }
0x99: {  	(v2sf) =	vpush v2, $0x2;
	_ =	sdelay $0x1  }
0x9a: {  	(v2sf) =	vpush v2, $0x7;
	_ =	sdelay $0x2  }
0x9b: {  	(v2sf) =	vpush v2, $0x3  }
0x9c: {  	(v2sf) =	vpush v2, $0x4;
	_ =	sdelay $0x1  }
0x9d: {  	(v2sf) =	vpush v2, $0xC  }
0x9e: {  	(v2sf) =	vpush v2, $0xD;
	_ =	sdelay $0x2  }
0x9f: {  	(v2sf) =	vpush v2, $0xE;
	s9 =	spop (v2sf)  }
0xa0: {  	s5 =	smulhi.u32 $0x431BDA1D, s9;
	s11 =	spop (v2sf)  }
0xa1: {  	(v2sf) =	vpush v2, $0x8;
	s13 =	sshra.s32 s9, $0x1F;
	s12 =	smulhi.u32 $0x431BDA1D, s11  }
0xa2: {  	(v2sf) =	vpush v2, $0xF;
	s15 =	spop (v2sf);
	s13 =	smul.u32 $0x431BDA1D, s13  }
0xa3: {  	s1 =	sshra.s32 s11, $0x1F;
	s16 =	smulhi.u32 $0x431BDA1D, s15  }
0xa4: {  	(v2sf) =	vpush v2, $0x9;
	s17 =	spop (v2sf);
	s19 =	smul.u32 $0x431BDA1D, s1  }
0xa5: {  	s20 =	sshra.s32 s15, $0x1F;
	s25 =	smulhi.u32 $0x431BDA1D, s17  }
0xa6: {  	s6 =	sshra.s32 s17, $0x1F;
	s22 =	smul.u32 $0x431BDA1D, s20  }
0xa7: {  	s18 =	spop (v2sf);
	s6 =	smul.u32 $0x431BDA1D, s6  }
0xa8: {  	(v2sf) =	vpush v2, $0xA;
	s3 =	spop (v2sf);
	s14 =	smulhi.u32 $0x431BDA1D, s18  }
0xa9: {  	(v2sf) =	vpush v2, $0x5;
	s8 =	sshra.s32 s18, $0x1F;
	s17 =	sadd.s32 s19, s12;
	s21 =	sshra.s32 s3, $0x1F  }
0xaa: {  	s23 =	spop (v2sf);
	s4 =	sadd.s32 s22, s16;
	s1 =	smul.u32 $0x431BDA1D, s21  }
0xab: {  	s24 =	spop (v2sf);
	s22 =	sshra.s32 s4, $0x12;
	s19 =	smulhi.u32 $0x431BDA1D, s23  }
0xac: {  	s0 =	sshrl.u32 s4, $0x1F;
	s20 =	sshra.s32 s4, $0x1F;
	s4 =	smul.u32 $0x431BDA1D, s8  }
0xad: {  	s26 =	sshra.s32 s23, $0x1F;
	s15 =	smulhi.u32 $0x431BDA1D, s24  }
0xae: {  	(v2sf) =	vpush v2, $0xB;
	s31 =	sadd.s32 s6, s25;
	s7 =	spop (v2sf);
	s9 =	smul.u32 $0x431BDA1D, s26  }
0xaf: {  	(v2sf) =	vpush v2, $0x6;
	s6 =	sshra.s32 s17, $0x12;
	s16 =	sshra.s32 s24, $0x1F;
	s24 =	smulhi.u32 $0x431BDA1D, s7  }
0xb0: {  	s18 =	spop (v2sf);
	s21 =	sshra.s32 s7, $0x1F;
	s26 =	smul.u32 $0x431BDA1D, s16  }
0xb1: {  	s14 =	sadd.s32 s4, s14;
	s23 =	spop (v2sf);
	s11 =	sadd.s32 s9, s19  }
0xb2: {  	s4 =	sshrl.u32 s14, $0x1F;
	s12 =	sshra.s32 s23, $0x1F;
	s10 =	smulhi.u32 $0x431BDA1D, s23  }
0xb3: {  	s15 =	sadd.s32 s26, s15;
	s2 =	smul.u32 $0x431BDA1D, s12;
	s7 =	spop (v2sf)  }
0xb4: {  	s30 =	sshrl.u32 s11, $0x1F;
	s8 =	sshra.s32 s15, $0x12;
	s16 =	smulhi.u32 $0x431BDA1D, s7  }
0xb5: {  	s19 =	sshra.s32 s7, $0x1F;
	s7 =	sshra.s32 s11, $0x12;
	s11 =	smulhi.u32 $0x431BDA1D, s3  }
0xb6: {  	[dreg:$0x17] =	wrdreg s8;
	s3 =	sshrl.u32 s15, $0x1F;
	s15 =	smulhi.u32 $0x431BDA1D, s18  }
0xb7: {  	v4 =	vmov s30;
	s30 =	simm.s32 $0x40;
	s23 =	spop (v2sf);
	s9 =	smul.u32 $0x431BDA1D, s19  }
0xb8: {  	s26 =	spop (v2sf);
	s28 =	sshra.s32 s23, $0x1F;
	s23 =	smulhi.u32 $0x431BDA1D, s23  }
0xb9: {  	s8 =	sshra.s32 s14, $0x12;
	s19 =	sadd.s32 s13, s5;
	s12 =	smulhi.u32 $0x431BDA1D, s26  }
0xba: {  	s5 =	sshra.s32 s14, $0x1F;
	s13 =	sshra.s32 s18, $0x1F;
	s25 =	smul.u32 $0x431BDA1D, s28  }
0xbb: {  	s18 =	sshra.s32 s17, $0x1F;
	s28 =	smul.u32 $0x431BDA1D, s21;
	s21 =	sshra.s32 s31, $0x1F  }
0xbc: {  	v3 =	vmov s7;
	s7 =	sshra.s32 s19, $0x12;
	s9 =	sadd.s32 s9, s16;
	s16 =	sshra.s32 s26, $0x1F  }
0xbd: {  	s26 =	sshrl.u32 s17, $0x1F;
	v5 =	vmov s21;
	s21 =	spop (v2sf);
	s17 =	rddreg [dreg:$0x17]  }
0xbe: {  	v4 =	vsel vm0, s3, v4;
	s3 =	sshra.s32 s19, $0x1F;
	v3 =	vsel vm0, s17, v3;
	v5 =	vsel vm3, s7, v5;
	s7 =	smulhi.u32 $0x431BDA1D, s21;
	s14 =	spop (v2sf)  }
.LBB2_4:
0xbf: {  	s17 =	sshrl.u32 s9, $0x1F  }
0xc0: {  	s13 =	smul.u32 $0x431BDA1D, s13;
	s21 =	sshra.s32 s21, $0x1F;
	v5 =	vsel vm9, s3, v5;
	s2 =	sadd.s32 s2, s10  }
0xc1: {  	s10 =	sshrl.u32 s19, $0x1F;
	s16 =	smul.u32 $0x431BDA1D, s16;
	s19 =	sshra.s32 s14, $0x1F;
	v5 =	vsel vm0, s6, v5  }
0xc2: {  	s6 =	sadd.s32 s28, s24;
	v6 =	vmov s10;
	s1 =	sadd.s32 s1, s11;
	s3 =	sshrl.u32 s2, $0x1F;
	v5 =	vsel vm10, s18, v5  }
0xc3: {  	s2 =	sshra.s32 s2, $0x12;
	v6 =	vnsel vm3, $0x0, v6;
	s24 =	sshrl.u32 s6, $0x1F;
	s6 =	sshra.s32 s6, $0x12;
	v5 =	vsel vm1, s22, v5  }
0xc4: {  	s13 =	sadd.s32 s13, s15;
	s10 =	sadd.s32 s16, s12;
	s18 =	smul.u32 $0x431BDA1D, s19;
	v6 =	vsel vm0, s26, v6;
	v4 =	vsel vm1, s24, v4;
	v3 =	vsel vm1, s6, v3  }
0xc5: {  	s19 =	smulhi.u32 $0x431BDA1D, s14;
	s26 =	sshrl.u32 s13, $0x1F;
	s16 =	sshra.s32 s13, $0x12;
	v5 =	vsel vm11, s20, v5;
	v6 =	vsel vm1, s0, v6;
	v4 =	vsel vm2, s3, v4  }
0xc6: {  	s11 =	sshrl.u32 s1, $0x1F;
	s15 =	sadd.s32 s25, s23;
	s22 =	smul.u32 $0x431BDA1D, s21;
	v7 =	vmov s26;
	v8 =	vmov s16;
	v5 =	vsel vm2, s8, v5  }
0xc7: {  	s24 =	sshrl.u32 s10, $0x1F;
	s14 =	sshra.s32 s10, $0x12;
	s20 =	sshra.s32 s1, $0x12;
	v3 =	vsel vm2, s2, v3;
	v6 =	vsel vm2, s4, v6;
	v5 =	vsel vm12, s5, v5  }
0xc8: {  	s1 =	sshra.s32 s1, $0x1F;
	s0 =	sadd.s32 s18, s19;
	s18 =	sshrl.u32 s15, $0x1F;
	v7 =	vsel vm0, s17, v7;
	v6 =	vsel vm4, s11, v6;
	v5 =	vsel vm4, s20, v5  }
0xc9: {  	s17 =	sadd.s32 s22, s7;
	s21 =	sshrl.u32 s0, $0x1F;
	s11 =	sshra.s32 s9, $0x12;
	v7 =	vsel vm1, s18, v7;
	v6 =	vsel vm5, s24, v6;
	v5 =	vsel vm13, s1, v5  }
0xca: {  	s5 =	sshra.s32 s15, $0x12;
	s20 =	sshra.s32 s10, $0x1F;
	v8 =	vsel vm0, s11, v8;
	s1 =	sshrl.u32 s17, $0x1F;
	v6 =	vsel vm6, s21, v6;
	v5 =	vsel vm5, s14, v5  }
0xcb: {  	s22 =	sshra.s32 s0, $0x12;
	s19 =	sshra.s32 s17, $0x12;
	v8 =	vsel vm1, s5, v8;
	v7 =	vsel vm2, s1, v7;
	v5 =	vsel vm14, s20, v5  }
0xcc: {  	s23 =	sshrl.u32 s31, $0x1F;
	s0 =	sshra.s32 s0, $0x1F;
	v8 =	vsel vm2, s19, v8;
	v4 =	vcombine.low v7, v4;
	v5 =	vsel vm6, s22, v5  }
0xcd: {  	s24 =	sshra.s32 s31, $0x12;
	v6 =	vsel vm7, s23, v6;
	v3 =	vcombine.low v8, v3;
	v5 =	vsel vm15, s0, v5  }
0xce: {  	v6 =	vperm.xlane v6, v1;
	v4 =	vperm.xlane v4, v0;
	v5 =	vsel vm7, s24, v5  }
0xcf: {  	v3 =	vperm.xlane v3, v0;
	v5 =	vperm.xlane v5, v1;
	_ =	sdelay $0x1  }
0xd0: {  	v4 =	vsel vm8, v6, v4;
	v3 =	vsel vm8, v5, v3  }
0xd1: {  	v3 =	vadd.s32 v4, v3  }
0xd2: {  	v3 =	vmul.u32 $0xF4241, v3;
	_ =	sdelay $0x1  }
0xd3: {  	s25 =	smov.u32 s30;
	v2 =	vsub.s32 v2, v3  }
0xd4: {  	s26 =	sshra.s32 s25, $0x2;
	[tilespmem:s29+$0x680] =	vst v2  }
0xd5: {  	v2 =	vld [tilespmem:s26+$0x680];
	_ =	sdelay $0x4  }
0xd6: {  	(v2sf) =	vpush v2, $0x0  }
0xd7: {  	(v2sf) =	vpush v2, $0x1  }
0xd8: {  	(v2sf) =	vpush v2, $0x2;
	_ =	sdelay $0x1  }
0xd9: {  	(v2sf) =	vpush v2, $0x7;
	_ =	sdelay $0x1  }
0xda: {  	(v2sf) =	vpush v2, $0x3  }
0xdb: {  	(v2sf) =	vpush v2, $0x4;
	_ =	sdelay $0x2  }
0xdc: {  	(v2sf) =	vpush v2, $0xC  }
0xdd: {  	(v2sf) =	vpush v2, $0xD;
	_ =	sdelay $0x2  }
0xde: {  	(v2sf) =	vpush v2, $0xE  }
0xdf: {  	s1 =	spop (v2sf)  }
0xe0: {  	(v2sf) =	vpush v2, $0x8;
	s7 =	smulhi.u32 $0x431BDA1D, s1;
	s2 =	spop (v2sf)  }
0xe1: {  	s3 =	smulhi.u32 $0x431BDA1D, s2;
	s4 =	spop (v2sf)  }
0xe2: {  	p0 =	sne.s32 s30, $0x19C0;
	(v2sf) =	vpush v2, $0xF;
	s0 =	sshra.s32 s2, $0x1F;
	s5 =	smulhi.u32 $0x431BDA1D, s4  }
0xe3: {  	s30 =	sadd.s32 $0x40, s30;
	(v2sf) =	vpush v2, $0x9;
	s6 =	spop (v2sf);
	s0 =	smul.u32 $0x431BDA1D, s0  }
0xe4: {  	[dreg:$0x4] =	wrdreg s26;
	s2 =	sshra.s32 s4, $0x1F;
	s25 =	smulhi.u32 $0x431BDA1D, s6  }
0xe5: {  	s4 =	sshra.s32 s6, $0x1F;
	s8 =	spop (v2sf);
	s13 =	smul.u32 $0x431BDA1D, s2  }
0xe6: {  	s9 =	sshra.s32 s8, $0x1F;
	s11 =	spop (v2sf);
	s31 =	smul.u32 $0x431BDA1D, s4  }
0xe7: {  	s14 =	sadd.s32 s0, s3;
	s3 =	sadd.s32 s13, s5;
	s5 =	smulhi.u32 $0x431BDA1D, s8  }
0xe8: {  	s21 =	sshra.s32 s1, $0x1F;
	s12 =	sshra.s32 s11, $0x1F;
	s8 =	smul.u32 $0x431BDA1D, s9  }
0xe9: {  	(v2sf) =	vpush v2, $0xA;
	s15 =	spop (v2sf);
	s6 =	sshra.s32 s14, $0x12;
	s11 =	smulhi.u32 $0x431BDA1D, s11  }
0xea: {  	s26 =	sshrl.u32 s14, $0x1F;
	s1 =	smul.u32 $0x431BDA1D, s12;
	s16 =	spop (v2sf)  }
0xeb: {  	(v2sf) =	vpush v2, $0x5;
	s17 =	sshra.s32 s15, $0x1F;
	s22 =	sshra.s32 s3, $0x12;
	s2 =	smulhi.u32 $0x431BDA1D, s15  }
0xec: {  	(v2sf) =	vpush v2, $0xB;
	s0 =	sshrl.u32 s3, $0x1F;
	s20 =	sshra.s32 s3, $0x1F;
	s12 =	smulhi.u32 $0x431BDA1D, s16  }
0xed: {  	s31 =	sadd.s32 s31, s25;
	s18 =	spop (v2sf);
	s10 =	smul.u32 $0x431BDA1D, s17;
	(v2sf) =	vpush v2, $0x6  }
0xee: {  	s4 =	sshra.s32 s16, $0x1F;
	s5 =	sadd.s32 s8, s5;
	s24 =	smulhi.u32 $0x431BDA1D, s18  }
0xef: {  	s3 =	sshra.s32 s18, $0x1F;
	s15 =	spop (v2sf);
	s4 =	smul.u32 $0x431BDA1D, s4  }
0xf0: {  	s8 =	sshra.s32 s5, $0x12;
	s13 =	sshra.s32 s15, $0x1F;
	s15 =	smulhi.u32 $0x431BDA1D, s15  }
0xf1: {  	s19 =	spop (v2sf);
	s2 =	sadd.s32 s10, s2;
	s28 =	smul.u32 $0x431BDA1D, s3  }
0xf2: {  	s17 =	sshra.s32 s19, $0x1F;
	s23 =	spop (v2sf);
	s10 =	smulhi.u32 $0x431BDA1D, s19  }
0xf3: {  	s9 =	sshrl.u32 s2, $0x1F;
	s2 =	sshra.s32 s2, $0x12;
	s29 =	smulhi.u32 $0x431BDA1D, s23  }
0xf4: {  	s12 =	sadd.s32 s4, s12;
	s16 =	sshra.s32 s23, $0x1F;
	v3 =	vmov s2;
	s2 =	smul.u32 $0x431BDA1D, s17  }
0xf5: {  	v4 =	vmov s9;
	s4 =	sshra.s32 s12, $0x12;
	s19 =	sshrl.u32 s12, $0x1F;
	s9 =	smul.u32 $0x431BDA1D, s16  }
0xf6: {  	s18 =	sshra.s32 s14, $0x1F;
	v3 =	vsel vm0, s4, v3;
	s4 =	sshrl.u32 s5, $0x1F;
	v4 =	vsel vm0, s19, v4;
	s19 =	smul.u32 $0x431BDA1D, s21  }
0xf7: {  	s5 =	sshra.s32 s5, $0x1F;
	s9 =	sadd.s32 s9, s29;
	s29 =	rddreg [dreg:$0x4]  }
.Ltmp1:
0xf8: {  	s19 =	sadd.s32 s19, s7;
	s23 =	spop (v2sf);
	(pc) =	sbr.rel @p0 .LBB2_4-.Ltmp1, $4  }
0xf9: {  	s3 =	sshra.s32 s19, $0x1F;
	s17 =	sshra.s32 s23, $0x1F;
	s23 =	smulhi.u32 $0x431BDA1D, s23  }
0xfa: {  	s25 =	smul.u32 $0x431BDA1D, s17;
	s17 =	sshra.s32 s31, $0x1F;
	s16 =	spop (v2sf)  }
0xfb: {  	v5 =	vmov s17;
	s17 =	sshra.s32 s19, $0x12;
	s12 =	smulhi.u32 $0x431BDA1D, s16;
	s21 =	spop (v2sf)  }
0xfc: {  	s16 =	sshra.s32 s16, $0x1F;
	v5 =	vsel vm3, s17, v5;
	s7 =	smulhi.u32 $0x431BDA1D, s21;
	s14 =	spop (v2sf)  }
0xfd: {  	s2 =	sadd.s32 s2, s10  }
0xfe: {  	v5 =	vsel vm9, s3, v5;
	s3 =	sadd.s32 s28, s24;
	s24 =	smul.u32 $0x431BDA1D, s13;
	s19 =	sshrl.u32 s19, $0x1F  }
0xff: {  	s17 =	sshra.s32 s21, $0x1F;
	s16 =	smul.u32 $0x431BDA1D, s16;
	s1 =	sadd.s32 s1, s11  }
0x100: {  	s21 =	sshra.s32 s14, $0x1F;
	s13 =	sshra.s32 s9, $0x12;
	v5 =	vsel vm0, s6, v5;
	v6 =	vmov s19;
	s19 =	sshrl.u32 s3, $0x1F  }
0x101: {  	s6 =	sshrl.u32 s9, $0x1F;
	s11 =	smul.u32 $0x431BDA1D, s21;
	s3 =	sshra.s32 s3, $0x12;
	v5 =	vsel vm10, s18, v5;
	v6 =	vnsel vm3, $0x0, v6;
	v4 =	vsel vm1, s19, v4  }
0x102: {  	s10 =	sadd.s32 s24, s15;
	s24 =	sshrl.u32 s2, $0x1F;
	v3 =	vsel vm1, s3, v3;
	s2 =	sshra.s32 s2, $0x12;
	v5 =	vsel vm1, s22, v5;
	v6 =	vsel vm0, s26, v6  }
0x103: {  	s21 =	sshra.s32 s1, $0x12;
	s15 =	sshrl.u32 s1, $0x1F;
	v4 =	vsel vm2, s24, v4;
	s26 =	sshrl.u32 s10, $0x1F;
	v3 =	vsel vm2, s2, v3;
	v5 =	vsel vm11, s20, v5  }
0x104: {  	s12 =	sadd.s32 s16, s12;
	s22 =	smul.u32 $0x431BDA1D, s17;
	s16 =	sshra.s32 s10, $0x12;
	v6 =	vsel vm1, s0, v6;
	v7 =	vmov s26;
	v5 =	vsel vm2, s8, v5  }
0x105: {  	s1 =	sshra.s32 s1, $0x1F;
	s17 =	sadd.s32 s25, s23;
	s20 =	smulhi.u32 $0x431BDA1D, s14;
	v8 =	vmov s16;
	v6 =	vsel vm2, s4, v6;
	v5 =	vsel vm12, s5, v5  }
0x106: {  	s24 =	sshrl.u32 s12, $0x1F;
	s19 =	sshrl.u32 s17, $0x1F;
	v7 =	vsel vm0, s6, v7;
	s18 =	sadd.s32 s22, s7;
	v8 =	vsel vm0, s13, v8;
	v5 =	vsel vm4, s21, v5  }
0x107: {  	v6 =	vsel vm4, s15, v6;
	s15 =	sshra.s32 s12, $0x12;
	s0 =	sadd.s32 s11, s20;
	v7 =	vsel vm1, s19, v7;
	s23 =	sshrl.u32 s18, $0x1F;
	v5 =	vsel vm13, s1, v5  }
0x108: {  	s20 =	sshra.s32 s12, $0x1F;
	v6 =	vsel vm5, s24, v6;
	s21 =	sshra.s32 s17, $0x12;
	s22 =	sshra.s32 s0, $0x12;
	v7 =	vsel vm2, s23, v7;
	v5 =	vsel vm5, s15, v5  }
0x109: {  	s24 =	sshra.s32 s0, $0x1F;
	s0 =	sshrl.u32 s0, $0x1F;
	s1 =	sshra.s32 s18, $0x12;
	v8 =	vsel vm1, s21, v8;
	v4 =	vcombine.low v7, v4;
	v5 =	vsel vm14, s20, v5  }
0x10a: {  	s26 =	sshrl.u32 s31, $0x1F;
	v6 =	vsel vm6, s0, v6;
	v8 =	vsel vm2, s1, v8;
	v5 =	vsel vm6, s22, v5  }
0x10b: {  	s25 =	sshra.s32 s31, $0x12;
	v6 =	vsel vm7, s26, v6;
	v3 =	vcombine.low v8, v3;
	v5 =	vsel vm15, s24, v5  }
0x10c: {  	v4 =	vperm.xlane v4, v0;
	v6 =	vperm.xlane v6, v1;
	v5 =	vsel vm7, s25, v5  }
0x10d: {  	v3 =	vperm.xlane v3, v0;
	v5 =	vperm.xlane v5, v1;
	_ =	sdelay $0x1  }
0x10e: {  	v4 =	vsel vm8, v6, v4;
	v3 =	vsel vm8, v5, v3  }
0x10f: {  	v3 =	vadd.s32 v4, v3  }
0x110: {  	v3 =	vmul.u32 $0xF4241, v3;
	_ =	sdelay $0x1  }
0x111: {  	v2 =	vsub.s32 v2, v3  }
0x112: {  	s2 =	simm.s32 $0x1;
	[tilespmem:s29+$0x680] =	vst v2  }
0x113: {  	_ =	swait.ge [sflag:s2], $0xD000  }
0x114: {  	s4 =	simm.s32 $0x680;
	s6 =	simm.s32 $0x0;
	[sflag:s2] =	ssyncset.done $0x0  }
0x115: {  	s5 =	simm.s32 $0x10400;
	s3 =	rddreg [dreg:$0xb];
	[sflag:s2] =	ssyncadd.s32 $0xFFFF3000  }
0x116: {  	[tilespmem:s5], [sflag:$0x1] =	stream.indirect.gather [hbm4b:s3+s4], $0x20, s4, s4, $0xb8;
	[tilespmem:$0x1D400] =	vst v63  }
0x117: {  	s8 =	simm.s32 $0x3400;
	s29 =	simm.s32 $0x0;
	s7 =	rddreg [dreg:$0xd]  }
0x118: {  	[hbm4b:s7+s6] =	stream.linear.scatter [tilespmem:s8], [sflag:$0x2], $0xD000, $0x38;
	[tilespmem:$0x1D400] =	vst v63  }
0x119: {  	v2 =	vld [tilespmem:s29+$0xD00];
	_ =	sdelay $0x4  }
0x11a: {  	(v2sf) =	vpush v2, $0x0  }
0x11b: {  	(v2sf) =	vpush v2, $0x1;
	_ =	sdelay $0x1  }
0x11c: {  	(v2sf) =	vpush v2, $0x2;
	_ =	sdelay $0x1  }
0x11d: {  	(v2sf) =	vpush v2, $0x7;
	_ =	sdelay $0x2  }
0x11e: {  	(v2sf) =	vpush v2, $0x3  }
0x11f: {  	(v2sf) =	vpush v2, $0x4;
	_ =	sdelay $0x1  }
0x120: {  	(v2sf) =	vpush v2, $0xC  }
0x121: {  	(v2sf) =	vpush v2, $0xD;
	_ =	sdelay $0x2  }
0x122: {  	(v2sf) =	vpush v2, $0xE;
	s9 =	spop (v2sf)  }
0x123: {  	s5 =	smulhi.u32 $0x431BDA1D, s9;
	s11 =	spop (v2sf)  }
0x124: {  	(v2sf) =	vpush v2, $0x8;
	s13 =	sshra.s32 s9, $0x1F;
	s12 =	smulhi.u32 $0x431BDA1D, s11  }
0x125: {  	(v2sf) =	vpush v2, $0xF;
	s15 =	spop (v2sf);
	s13 =	smul.u32 $0x431BDA1D, s13  }
0x126: {  	s1 =	sshra.s32 s11, $0x1F;
	s16 =	smulhi.u32 $0x431BDA1D, s15  }
0x127: {  	(v2sf) =	vpush v2, $0x9;
	s17 =	spop (v2sf);
	s19 =	smul.u32 $0x431BDA1D, s1  }
0x128: {  	s20 =	sshra.s32 s15, $0x1F;
	s25 =	smulhi.u32 $0x431BDA1D, s17  }
0x129: {  	s6 =	sshra.s32 s17, $0x1F;
	s22 =	smul.u32 $0x431BDA1D, s20  }
0x12a: {  	s18 =	spop (v2sf);
	s6 =	smul.u32 $0x431BDA1D, s6  }
0x12b: {  	(v2sf) =	vpush v2, $0xA;
	s3 =	spop (v2sf);
	s14 =	smulhi.u32 $0x431BDA1D, s18  }
0x12c: {  	(v2sf) =	vpush v2, $0x5;
	s8 =	sshra.s32 s18, $0x1F;
	s17 =	sadd.s32 s19, s12;
	s21 =	sshra.s32 s3, $0x1F  }
0x12d: {  	s23 =	spop (v2sf);
	s4 =	sadd.s32 s22, s16;
	s1 =	smul.u32 $0x431BDA1D, s21  }
0x12e: {  	s24 =	spop (v2sf);
	s22 =	sshra.s32 s4, $0x12;
	s19 =	smulhi.u32 $0x431BDA1D, s23  }
0x12f: {  	s0 =	sshrl.u32 s4, $0x1F;
	s20 =	sshra.s32 s4, $0x1F;
	s4 =	smul.u32 $0x431BDA1D, s8  }
0x130: {  	s26 =	sshra.s32 s23, $0x1F;
	s15 =	smulhi.u32 $0x431BDA1D, s24  }
0x131: {  	(v2sf) =	vpush v2, $0xB;
	s31 =	sadd.s32 s6, s25;
	s7 =	spop (v2sf);
	s9 =	smul.u32 $0x431BDA1D, s26  }
0x132: {  	(v2sf) =	vpush v2, $0x6;
	s6 =	sshra.s32 s17, $0x12;
	s16 =	sshra.s32 s24, $0x1F;
	s24 =	smulhi.u32 $0x431BDA1D, s7  }
0x133: {  	s18 =	spop (v2sf);
	s21 =	sshra.s32 s7, $0x1F;
	s26 =	smul.u32 $0x431BDA1D, s16  }
0x134: {  	s14 =	sadd.s32 s4, s14;
	s23 =	spop (v2sf);
	s11 =	sadd.s32 s9, s19  }
0x135: {  	s4 =	sshrl.u32 s14, $0x1F;
	s12 =	sshra.s32 s23, $0x1F;
	s10 =	smulhi.u32 $0x431BDA1D, s23  }
0x136: {  	s15 =	sadd.s32 s26, s15;
	s2 =	smul.u32 $0x431BDA1D, s12;
	s7 =	spop (v2sf)  }
0x137: {  	s30 =	sshrl.u32 s11, $0x1F;
	s8 =	sshra.s32 s15, $0x12;
	s16 =	smulhi.u32 $0x431BDA1D, s7  }
0x138: {  	s19 =	sshra.s32 s7, $0x1F;
	s7 =	sshra.s32 s11, $0x12;
	s11 =	smulhi.u32 $0x431BDA1D, s3  }
0x139: {  	[dreg:$0x18] =	wrdreg s8;
	s3 =	sshrl.u32 s15, $0x1F;
	s15 =	smulhi.u32 $0x431BDA1D, s18  }
0x13a: {  	v4 =	vmov s30;
	s30 =	simm.s32 $0x40;
	s23 =	spop (v2sf);
	s9 =	smul.u32 $0x431BDA1D, s19  }
0x13b: {  	s26 =	spop (v2sf);
	s28 =	sshra.s32 s23, $0x1F;
	s23 =	smulhi.u32 $0x431BDA1D, s23  }
0x13c: {  	s8 =	sshra.s32 s14, $0x12;
	s19 =	sadd.s32 s13, s5;
	s12 =	smulhi.u32 $0x431BDA1D, s26  }
0x13d: {  	s5 =	sshra.s32 s14, $0x1F;
	s13 =	sshra.s32 s18, $0x1F;
	s25 =	smul.u32 $0x431BDA1D, s28  }
0x13e: {  	s18 =	sshra.s32 s17, $0x1F;
	s28 =	smul.u32 $0x431BDA1D, s21;
	s21 =	sshra.s32 s31, $0x1F  }
0x13f: {  	v3 =	vmov s7;
	s7 =	sshra.s32 s19, $0x12;
	s9 =	sadd.s32 s9, s16;
	s16 =	sshra.s32 s26, $0x1F  }
0x140: {  	s26 =	sshrl.u32 s17, $0x1F;
	v5 =	vmov s21;
	s21 =	spop (v2sf);
	s17 =	rddreg [dreg:$0x18]  }
0x141: {  	v4 =	vsel vm0, s3, v4;
	s3 =	sshra.s32 s19, $0x1F;
	v3 =	vsel vm0, s17, v3;
	v5 =	vsel vm3, s7, v5;
	s7 =	smulhi.u32 $0x431BDA1D, s21;
	s14 =	spop (v2sf)  }
.LBB2_6:
0x142: {  	s17 =	sshrl.u32 s9, $0x1F  }
0x143: {  	s13 =	smul.u32 $0x431BDA1D, s13;
	s21 =	sshra.s32 s21, $0x1F;
	v5 =	vsel vm9, s3, v5;
	s2 =	sadd.s32 s2, s10  }
0x144: {  	s10 =	sshrl.u32 s19, $0x1F;
	s16 =	smul.u32 $0x431BDA1D, s16;
	s19 =	sshra.s32 s14, $0x1F;
	v5 =	vsel vm0, s6, v5  }
0x145: {  	s6 =	sadd.s32 s28, s24;
	v6 =	vmov s10;
	s1 =	sadd.s32 s1, s11;
	s3 =	sshrl.u32 s2, $0x1F;
	v5 =	vsel vm10, s18, v5  }
0x146: {  	s2 =	sshra.s32 s2, $0x12;
	v6 =	vnsel vm3, $0x0, v6;
	s24 =	sshrl.u32 s6, $0x1F;
	s6 =	sshra.s32 s6, $0x12;
	v5 =	vsel vm1, s22, v5  }
0x147: {  	s13 =	sadd.s32 s13, s15;
	s10 =	sadd.s32 s16, s12;
	s18 =	smul.u32 $0x431BDA1D, s19;
	v6 =	vsel vm0, s26, v6;
	v4 =	vsel vm1, s24, v4;
	v3 =	vsel vm1, s6, v3  }
0x148: {  	s19 =	smulhi.u32 $0x431BDA1D, s14;
	s26 =	sshrl.u32 s13, $0x1F;
	s16 =	sshra.s32 s13, $0x12;
	v5 =	vsel vm11, s20, v5;
	v6 =	vsel vm1, s0, v6;
	v4 =	vsel vm2, s3, v4  }
0x149: {  	s11 =	sshrl.u32 s1, $0x1F;
	s15 =	sadd.s32 s25, s23;
	s22 =	smul.u32 $0x431BDA1D, s21;
	v7 =	vmov s26;
	v8 =	vmov s16;
	v5 =	vsel vm2, s8, v5  }
0x14a: {  	s24 =	sshrl.u32 s10, $0x1F;
	s14 =	sshra.s32 s10, $0x12;
	s20 =	sshra.s32 s1, $0x12;
	v3 =	vsel vm2, s2, v3;
	v6 =	vsel vm2, s4, v6;
	v5 =	vsel vm12, s5, v5  }
0x14b: {  	s1 =	sshra.s32 s1, $0x1F;
	s0 =	sadd.s32 s18, s19;
	s18 =	sshrl.u32 s15, $0x1F;
	v7 =	vsel vm0, s17, v7;
	v6 =	vsel vm4, s11, v6;
	v5 =	vsel vm4, s20, v5  }
0x14c: {  	s17 =	sadd.s32 s22, s7;
	s21 =	sshrl.u32 s0, $0x1F;
	s11 =	sshra.s32 s9, $0x12;
	v7 =	vsel vm1, s18, v7;
	v6 =	vsel vm5, s24, v6;
	v5 =	vsel vm13, s1, v5  }
0x14d: {  	s5 =	sshra.s32 s15, $0x12;
	s20 =	sshra.s32 s10, $0x1F;
	v8 =	vsel vm0, s11, v8;
	s1 =	sshrl.u32 s17, $0x1F;
	v6 =	vsel vm6, s21, v6;
	v5 =	vsel vm5, s14, v5  }
0x14e: {  	s22 =	sshra.s32 s0, $0x12;
	s19 =	sshra.s32 s17, $0x12;
	v8 =	vsel vm1, s5, v8;
	v7 =	vsel vm2, s1, v7;
	v5 =	vsel vm14, s20, v5  }
0x14f: {  	s23 =	sshrl.u32 s31, $0x1F;
	s0 =	sshra.s32 s0, $0x1F;
	v8 =	vsel vm2, s19, v8;
	v4 =	vcombine.low v7, v4;
	v5 =	vsel vm6, s22, v5  }
0x150: {  	s24 =	sshra.s32 s31, $0x12;
	v6 =	vsel vm7, s23, v6;
	v3 =	vcombine.low v8, v3;
	v5 =	vsel vm15, s0, v5  }
0x151: {  	v6 =	vperm.xlane v6, v1;
	v4 =	vperm.xlane v4, v0;
	v5 =	vsel vm7, s24, v5  }
0x152: {  	v3 =	vperm.xlane v3, v0;
	v5 =	vperm.xlane v5, v1;
	_ =	sdelay $0x1  }
0x153: {  	v4 =	vsel vm8, v6, v4;
	v3 =	vsel vm8, v5, v3  }
0x154: {  	v3 =	vadd.s32 v4, v3  }
0x155: {  	v3 =	vmul.u32 $0xF4241, v3;
	_ =	sdelay $0x1  }
0x156: {  	s25 =	smov.u32 s30;
	v2 =	vsub.s32 v2, v3  }
0x157: {  	s26 =	sshra.s32 s25, $0x2;
	[tilespmem:s29+$0xD00] =	vst v2  }
0x158: {  	v2 =	vld [tilespmem:s26+$0xD00];
	_ =	sdelay $0x4  }
0x159: {  	(v2sf) =	vpush v2, $0x0  }
0x15a: {  	(v2sf) =	vpush v2, $0x1  }
0x15b: {  	(v2sf) =	vpush v2, $0x2;
	_ =	sdelay $0x1  }
0x15c: {  	(v2sf) =	vpush v2, $0x7;
	_ =	sdelay $0x1  }
0x15d: {  	(v2sf) =	vpush v2, $0x3  }
0x15e: {  	(v2sf) =	vpush v2, $0x4;
	_ =	sdelay $0x2  }
0x15f: {  	(v2sf) =	vpush v2, $0xC  }
0x160: {  	(v2sf) =	vpush v2, $0xD;
	_ =	sdelay $0x2  }
0x161: {  	(v2sf) =	vpush v2, $0xE  }
0x162: {  	s1 =	spop (v2sf)  }
0x163: {  	(v2sf) =	vpush v2, $0x8;
	s7 =	smulhi.u32 $0x431BDA1D, s1;
	s2 =	spop (v2sf)  }
0x164: {  	s3 =	smulhi.u32 $0x431BDA1D, s2;
	s4 =	spop (v2sf)  }
0x165: {  	p0 =	sne.s32 s30, $0x19C0;
	(v2sf) =	vpush v2, $0xF;
	s0 =	sshra.s32 s2, $0x1F;
	s5 =	smulhi.u32 $0x431BDA1D, s4  }
0x166: {  	s30 =	sadd.s32 $0x40, s30;
	(v2sf) =	vpush v2, $0x9;
	s6 =	spop (v2sf);
	s0 =	smul.u32 $0x431BDA1D, s0  }
0x167: {  	[dreg:$0x5] =	wrdreg s26;
	s2 =	sshra.s32 s4, $0x1F;
	s25 =	smulhi.u32 $0x431BDA1D, s6  }
0x168: {  	s4 =	sshra.s32 s6, $0x1F;
	s8 =	spop (v2sf);
	s13 =	smul.u32 $0x431BDA1D, s2  }
0x169: {  	s9 =	sshra.s32 s8, $0x1F;
	s11 =	spop (v2sf);
	s31 =	smul.u32 $0x431BDA1D, s4  }
0x16a: {  	s14 =	sadd.s32 s0, s3;
	s3 =	sadd.s32 s13, s5;
	s5 =	smulhi.u32 $0x431BDA1D, s8  }
0x16b: {  	s21 =	sshra.s32 s1, $0x1F;
	s12 =	sshra.s32 s11, $0x1F;
	s8 =	smul.u32 $0x431BDA1D, s9  }
0x16c: {  	(v2sf) =	vpush v2, $0xA;
	s15 =	spop (v2sf);
	s6 =	sshra.s32 s14, $0x12;
	s11 =	smulhi.u32 $0x431BDA1D, s11  }
0x16d: {  	s26 =	sshrl.u32 s14, $0x1F;
	s1 =	smul.u32 $0x431BDA1D, s12;
	s16 =	spop (v2sf)  }
0x16e: {  	(v2sf) =	vpush v2, $0x5;
	s17 =	sshra.s32 s15, $0x1F;
	s22 =	sshra.s32 s3, $0x12;
	s2 =	smulhi.u32 $0x431BDA1D, s15  }
0x16f: {  	(v2sf) =	vpush v2, $0xB;
	s0 =	sshrl.u32 s3, $0x1F;
	s20 =	sshra.s32 s3, $0x1F;
	s12 =	smulhi.u32 $0x431BDA1D, s16  }
0x170: {  	s31 =	sadd.s32 s31, s25;
	s18 =	spop (v2sf);
	s10 =	smul.u32 $0x431BDA1D, s17;
	(v2sf) =	vpush v2, $0x6  }
0x171: {  	s4 =	sshra.s32 s16, $0x1F;
	s5 =	sadd.s32 s8, s5;
	s24 =	smulhi.u32 $0x431BDA1D, s18  }
0x172: {  	s3 =	sshra.s32 s18, $0x1F;
	s15 =	spop (v2sf);
	s4 =	smul.u32 $0x431BDA1D, s4  }
0x173: {  	s8 =	sshra.s32 s5, $0x12;
	s13 =	sshra.s32 s15, $0x1F;
	s15 =	smulhi.u32 $0x431BDA1D, s15  }
0x174: {  	s19 =	spop (v2sf);
	s2 =	sadd.s32 s10, s2;
	s28 =	smul.u32 $0x431BDA1D, s3  }
0x175: {  	s17 =	sshra.s32 s19, $0x1F;
	s23 =	spop (v2sf);
	s10 =	smulhi.u32 $0x431BDA1D, s19  }
0x176: {  	s9 =	sshrl.u32 s2, $0x1F;
	s2 =	sshra.s32 s2, $0x12;
	s29 =	smulhi.u32 $0x431BDA1D, s23  }
0x177: {  	s12 =	sadd.s32 s4, s12;
	s16 =	sshra.s32 s23, $0x1F;
	v3 =	vmov s2;
	s2 =	smul.u32 $0x431BDA1D, s17  }
0x178: {  	v4 =	vmov s9;
	s4 =	sshra.s32 s12, $0x12;
	s19 =	sshrl.u32 s12, $0x1F;
	s9 =	smul.u32 $0x431BDA1D, s16  }
0x179: {  	s18 =	sshra.s32 s14, $0x1F;
	v3 =	vsel vm0, s4, v3;
	s4 =	sshrl.u32 s5, $0x1F;
	v4 =	vsel vm0, s19, v4;
	s19 =	smul.u32 $0x431BDA1D, s21  }
0x17a: {  	s5 =	sshra.s32 s5, $0x1F;
	s9 =	sadd.s32 s9, s29;
	s29 =	rddreg [dreg:$0x5]  }
.Ltmp2:
0x17b: {  	s19 =	sadd.s32 s19, s7;
	s23 =	spop (v2sf);
	(pc) =	sbr.rel @p0 .LBB2_6-.Ltmp2, $4  }
0x17c: {  	s3 =	sshra.s32 s19, $0x1F;
	s17 =	sshra.s32 s23, $0x1F;
	s23 =	smulhi.u32 $0x431BDA1D, s23  }
0x17d: {  	s25 =	smul.u32 $0x431BDA1D, s17;
	s17 =	sshra.s32 s31, $0x1F;
	s16 =	spop (v2sf)  }
0x17e: {  	v5 =	vmov s17;
	s17 =	sshra.s32 s19, $0x12;
	s12 =	smulhi.u32 $0x431BDA1D, s16;
	s21 =	spop (v2sf)  }
0x17f: {  	s16 =	sshra.s32 s16, $0x1F;
	v5 =	vsel vm3, s17, v5;
	s7 =	smulhi.u32 $0x431BDA1D, s21;
	s14 =	spop (v2sf)  }
0x180: {  	s2 =	sadd.s32 s2, s10  }
0x181: {  	v5 =	vsel vm9, s3, v5;
	s3 =	sadd.s32 s28, s24;
	s24 =	smul.u32 $0x431BDA1D, s13;
	s19 =	sshrl.u32 s19, $0x1F  }
0x182: {  	s17 =	sshra.s32 s21, $0x1F;
	s16 =	smul.u32 $0x431BDA1D, s16;
	s1 =	sadd.s32 s1, s11  }
0x183: {  	s21 =	sshra.s32 s14, $0x1F;
	v5 =	vsel vm0, s6, v5;
	s6 =	sshrl.u32 s9, $0x1F;
	v6 =	vmov s19;
	s19 =	sshrl.u32 s3, $0x1F  }
0x184: {  	s11 =	smul.u32 $0x431BDA1D, s21;
	s3 =	sshra.s32 s3, $0x12;
	s21 =	sshra.s32 s1, $0x12;
	v5 =	vsel vm10, s18, v5;
	v6 =	vnsel vm3, $0x0, v6;
	v4 =	vsel vm1, s19, v4  }
0x185: {  	s10 =	sadd.s32 s24, s15;
	s24 =	sshrl.u32 s2, $0x1F;
	v3 =	vsel vm1, s3, v3;
	s2 =	sshra.s32 s2, $0x12;
	v5 =	vsel vm1, s22, v5;
	v6 =	vsel vm0, s26, v6  }
0x186: {  	s9 =	sshra.s32 s9, $0x12;
	s15 =	sshrl.u32 s1, $0x1F;
	v4 =	vsel vm2, s24, v4;
	s26 =	sshrl.u32 s10, $0x1F;
	v3 =	vsel vm2, s2, v3;
	v5 =	vsel vm11, s20, v5  }
0x187: {  	s12 =	sadd.s32 s16, s12;
	s16 =	sadd.s32 s25, s23;
	s22 =	smul.u32 $0x431BDA1D, s17;
	v6 =	vsel vm1, s0, v6;
	v7 =	vmov s26;
	v5 =	vsel vm2, s8, v5  }
0x188: {  	s1 =	sshra.s32 s1, $0x1F;
	s18 =	sshrl.u32 s16, $0x1F;
	s20 =	smulhi.u32 $0x431BDA1D, s14;
	v6 =	vsel vm2, s4, v6;
	v7 =	vsel vm0, s6, v7;
	v5 =	vsel vm12, s5, v5  }
0x189: {  	s24 =	sshrl.u32 s12, $0x1F;
	s17 =	sadd.s32 s22, s7;
	v6 =	vsel vm4, s15, v6;
	s15 =	sshra.s32 s10, $0x12;
	v7 =	vsel vm1, s18, v7;
	v5 =	vsel vm4, s21, v5  }
0x18a: {  	s13 =	sshra.s32 s12, $0x12;
	s0 =	sadd.s32 s11, s20;
	s22 =	sshrl.u32 s17, $0x1F;
	v8 =	vmov s15;
	v6 =	vsel vm5, s24, v6;
	v5 =	vsel vm13, s1, v5  }
0x18b: {  	s19 =	sshra.s32 s12, $0x1F;
	s20 =	sshra.s32 s16, $0x12;
	s21 =	sshra.s32 s0, $0x12;
	v7 =	vsel vm2, s22, v7;
	v8 =	vsel vm0, s9, v8;
	v5 =	vsel vm5, s13, v5  }
0x18c: {  	s23 =	sshra.s32 s0, $0x1F;
	s0 =	sshrl.u32 s0, $0x1F;
	s1 =	sshra.s32 s17, $0x12;
	v4 =	vcombine.low v7, v4;
	v8 =	vsel vm1, s20, v8;
	v5 =	vsel vm14, s19, v5  }
0x18d: {  	s25 =	sshrl.u32 s31, $0x1F;
	v6 =	vsel vm6, s0, v6;
	v8 =	vsel vm2, s1, v8;
	v5 =	vsel vm6, s21, v5  }
0x18e: {  	s24 =	sshra.s32 s31, $0x12;
	v6 =	vsel vm7, s25, v6;
	v3 =	vcombine.low v8, v3;
	v5 =	vsel vm15, s23, v5  }
0x18f: {  	v4 =	vperm.xlane v4, v0;
	v6 =	vperm.xlane v6, v1;
	v5 =	vsel vm7, s24, v5  }
0x190: {  	v3 =	vperm.xlane v3, v0;
	v5 =	vperm.xlane v5, v1;
	_ =	sdelay $0x1  }
0x191: {  	v4 =	vsel vm8, v6, v4;
	v3 =	vsel vm8, v5, v3  }
0x192: {  	v3 =	vadd.s32 v4, v3  }
0x193: {  	v3 =	vmul.u32 $0xF4241, v3;
	_ =	sdelay $0x1  }
0x194: {  	v2 =	vsub.s32 v2, v3  }
0x195: {  	s26 =	simm.s32 $0x1;
	[tilespmem:s29+$0xD00] =	vst v2  }
0x196: {  	_ =	swait.ge [sflag:s26], $0xD000  }
0x197: {  	[sflag:s26] =	ssyncset.done $0x0  }
0x198: {  	s1 =	simm.s32 $0x2;
	[sflag:s26] =	ssyncadd.s32 $0xFFFF3000  }
0x199: {  	s3 =	simm.s32 $0x680;
	_ =	swait.ge [sflag:s1], $0xD000  }
0x19a: {  	s4 =	simm.s32 $0x3400;
	s6 =	simm.s32 $0x0;
	[sflag:s1] =	ssyncset.done $0x0  }
0x19b: {  	s5 =	simm.s32 $0xD00;
	s2 =	rddreg [dreg:$0xb];
	[sflag:s1] =	ssyncadd.s32 $0xFFFF3000  }
0x19c: {  	[tilespmem:s4], [sflag:$0x1] =	stream.indirect.gather [hbm4b:s2+s3], $0x20, s5, s3, $0xb8;
	[tilespmem:$0x1D400] =	vst v63  }
0x19d: {  	s8 =	simm.s32 $0x10400;
	s29 =	simm.s32 $0x0;
	s7 =	rddreg [dreg:$0xe]  }
0x19e: {  	[hbm4b:s7+s6] =	stream.linear.scatter [tilespmem:s8], [sflag:$0x3], $0xD000, $0x38;
	[tilespmem:$0x1D400] =	vst v63  }
0x19f: {  	v2 =	vld [tilespmem:s29+$0x1380];
	_ =	sdelay $0x4  }
0x1a0: {  	(v2sf) =	vpush v2, $0x0  }
0x1a1: {  	(v2sf) =	vpush v2, $0x1;
	_ =	sdelay $0x1  }
0x1a2: {  	(v2sf) =	vpush v2, $0x2;
	_ =	sdelay $0x1  }
0x1a3: {  	(v2sf) =	vpush v2, $0x7;
	_ =	sdelay $0x2  }
0x1a4: {  	(v2sf) =	vpush v2, $0x3  }
0x1a5: {  	(v2sf) =	vpush v2, $0x4;
	_ =	sdelay $0x1  }
0x1a6: {  	(v2sf) =	vpush v2, $0xC  }
0x1a7: {  	(v2sf) =	vpush v2, $0xD;
	_ =	sdelay $0x2  }
0x1a8: {  	(v2sf) =	vpush v2, $0xE;
	s9 =	spop (v2sf)  }
0x1a9: {  	s5 =	smulhi.u32 $0x431BDA1D, s9;
	s11 =	spop (v2sf)  }
0x1aa: {  	(v2sf) =	vpush v2, $0x8;
	s13 =	sshra.s32 s9, $0x1F;
	s12 =	smulhi.u32 $0x431BDA1D, s11  }
0x1ab: {  	(v2sf) =	vpush v2, $0xF;
	s15 =	spop (v2sf);
	s13 =	smul.u32 $0x431BDA1D, s13  }
0x1ac: {  	s1 =	sshra.s32 s11, $0x1F;
	s16 =	smulhi.u32 $0x431BDA1D, s15  }
0x1ad: {  	(v2sf) =	vpush v2, $0x9;
	s17 =	spop (v2sf);
	s19 =	smul.u32 $0x431BDA1D, s1  }
0x1ae: {  	s20 =	sshra.s32 s15, $0x1F;
	s25 =	smulhi.u32 $0x431BDA1D, s17  }
0x1af: {  	s6 =	sshra.s32 s17, $0x1F;
	s22 =	smul.u32 $0x431BDA1D, s20  }
0x1b0: {  	s18 =	spop (v2sf);
	s6 =	smul.u32 $0x431BDA1D, s6  }
0x1b1: {  	(v2sf) =	vpush v2, $0xA;
	s3 =	spop (v2sf);
	s14 =	smulhi.u32 $0x431BDA1D, s18  }
0x1b2: {  	(v2sf) =	vpush v2, $0x5;
	s8 =	sshra.s32 s18, $0x1F;
	s17 =	sadd.s32 s19, s12;
	s21 =	sshra.s32 s3, $0x1F  }
0x1b3: {  	s23 =	spop (v2sf);
	s4 =	sadd.s32 s22, s16;
	s1 =	smul.u32 $0x431BDA1D, s21  }
0x1b4: {  	s24 =	spop (v2sf);
	s22 =	sshra.s32 s4, $0x12;
	s19 =	smulhi.u32 $0x431BDA1D, s23  }
0x1b5: {  	s0 =	sshrl.u32 s4, $0x1F;
	s20 =	sshra.s32 s4, $0x1F;
	s4 =	smul.u32 $0x431BDA1D, s8  }
0x1b6: {  	s26 =	sshra.s32 s23, $0x1F;
	s15 =	smulhi.u32 $0x431BDA1D, s24  }
0x1b7: {  	(v2sf) =	vpush v2, $0xB;
	s31 =	sadd.s32 s6, s25;
	s7 =	spop (v2sf);
	s9 =	smul.u32 $0x431BDA1D, s26  }
0x1b8: {  	(v2sf) =	vpush v2, $0x6;
	s6 =	sshra.s32 s17, $0x12;
	s16 =	sshra.s32 s24, $0x1F;
	s24 =	smulhi.u32 $0x431BDA1D, s7  }
0x1b9: {  	s18 =	spop (v2sf);
	s21 =	sshra.s32 s7, $0x1F;
	s26 =	smul.u32 $0x431BDA1D, s16  }
0x1ba: {  	s14 =	sadd.s32 s4, s14;
	s23 =	spop (v2sf);
	s11 =	sadd.s32 s9, s19  }
0x1bb: {  	s4 =	sshrl.u32 s14, $0x1F;
	s12 =	sshra.s32 s23, $0x1F;
	s10 =	smulhi.u32 $0x431BDA1D, s23  }
0x1bc: {  	s15 =	sadd.s32 s26, s15;
	s2 =	smul.u32 $0x431BDA1D, s12;
	s7 =	spop (v2sf)  }
0x1bd: {  	s30 =	sshrl.u32 s11, $0x1F;
	s8 =	sshra.s32 s15, $0x12;
	s16 =	smulhi.u32 $0x431BDA1D, s7  }
0x1be: {  	s19 =	sshra.s32 s7, $0x1F;
	s7 =	sshra.s32 s11, $0x12;
	s11 =	smulhi.u32 $0x431BDA1D, s3  }
0x1bf: {  	[dreg:$0x19] =	wrdreg s8;
	s3 =	sshrl.u32 s15, $0x1F;
	s15 =	smulhi.u32 $0x431BDA1D, s18  }
0x1c0: {  	v4 =	vmov s30;
	s30 =	simm.s32 $0x40;
	s23 =	spop (v2sf);
	s9 =	smul.u32 $0x431BDA1D, s19  }
0x1c1: {  	s26 =	spop (v2sf);
	s28 =	sshra.s32 s23, $0x1F;
	s23 =	smulhi.u32 $0x431BDA1D, s23  }
0x1c2: {  	s8 =	sshra.s32 s14, $0x12;
	s19 =	sadd.s32 s13, s5;
	s12 =	smulhi.u32 $0x431BDA1D, s26  }
0x1c3: {  	s5 =	sshra.s32 s14, $0x1F;
	s13 =	sshra.s32 s18, $0x1F;
	s25 =	smul.u32 $0x431BDA1D, s28  }
0x1c4: {  	s18 =	sshra.s32 s17, $0x1F;
	s28 =	smul.u32 $0x431BDA1D, s21;
	s21 =	sshra.s32 s31, $0x1F  }
0x1c5: {  	v3 =	vmov s7;
	s7 =	sshra.s32 s19, $0x12;
	s9 =	sadd.s32 s9, s16;
	s16 =	sshra.s32 s26, $0x1F  }
0x1c6: {  	s26 =	sshrl.u32 s17, $0x1F;
	v5 =	vmov s21;
	s21 =	spop (v2sf);
	s17 =	rddreg [dreg:$0x19]  }
0x1c7: {  	v4 =	vsel vm0, s3, v4;
	s3 =	sshra.s32 s19, $0x1F;
	v3 =	vsel vm0, s17, v3;
	v5 =	vsel vm3, s7, v5;
	s7 =	smulhi.u32 $0x431BDA1D, s21;
	s14 =	spop (v2sf)  }
.LBB2_8:
0x1c8: {  	s17 =	sshrl.u32 s9, $0x1F  }
0x1c9: {  	s13 =	smul.u32 $0x431BDA1D, s13;
	s21 =	sshra.s32 s21, $0x1F;
	v5 =	vsel vm9, s3, v5;
	s2 =	sadd.s32 s2, s10  }
0x1ca: {  	s10 =	sshrl.u32 s19, $0x1F;
	s16 =	smul.u32 $0x431BDA1D, s16;
	s19 =	sshra.s32 s14, $0x1F;
	v5 =	vsel vm0, s6, v5  }
0x1cb: {  	s6 =	sadd.s32 s28, s24;
	v6 =	vmov s10;
	s1 =	sadd.s32 s1, s11;
	s3 =	sshrl.u32 s2, $0x1F;
	v5 =	vsel vm10, s18, v5  }
0x1cc: {  	s2 =	sshra.s32 s2, $0x12;
	v6 =	vnsel vm3, $0x0, v6;
	s24 =	sshrl.u32 s6, $0x1F;
	s6 =	sshra.s32 s6, $0x12;
	v5 =	vsel vm1, s22, v5  }
0x1cd: {  	s13 =	sadd.s32 s13, s15;
	s10 =	sadd.s32 s16, s12;
	s18 =	smul.u32 $0x431BDA1D, s19;
	v6 =	vsel vm0, s26, v6;
	v4 =	vsel vm1, s24, v4;
	v3 =	vsel vm1, s6, v3  }
0x1ce: {  	s19 =	smulhi.u32 $0x431BDA1D, s14;
	s26 =	sshrl.u32 s13, $0x1F;
	s16 =	sshra.s32 s13, $0x12;
	v5 =	vsel vm11, s20, v5;
	v6 =	vsel vm1, s0, v6;
	v4 =	vsel vm2, s3, v4  }
0x1cf: {  	s11 =	sshrl.u32 s1, $0x1F;
	s15 =	sadd.s32 s25, s23;
	s22 =	smul.u32 $0x431BDA1D, s21;
	v7 =	vmov s26;
	v8 =	vmov s16;
	v5 =	vsel vm2, s8, v5  }
0x1d0: {  	s24 =	sshrl.u32 s10, $0x1F;
	s14 =	sshra.s32 s10, $0x12;
	s20 =	sshra.s32 s1, $0x12;
	v3 =	vsel vm2, s2, v3;
	v6 =	vsel vm2, s4, v6;
	v5 =	vsel vm12, s5, v5  }
0x1d1: {  	s1 =	sshra.s32 s1, $0x1F;
	s0 =	sadd.s32 s18, s19;
	s18 =	sshrl.u32 s15, $0x1F;
	v7 =	vsel vm0, s17, v7;
	v6 =	vsel vm4, s11, v6;
	v5 =	vsel vm4, s20, v5  }
0x1d2: {  	s17 =	sadd.s32 s22, s7;
	s21 =	sshrl.u32 s0, $0x1F;
	s11 =	sshra.s32 s9, $0x12;
	v7 =	vsel vm1, s18, v7;
	v6 =	vsel vm5, s24, v6;
	v5 =	vsel vm13, s1, v5  }
0x1d3: {  	s5 =	sshra.s32 s15, $0x12;
	s20 =	sshra.s32 s10, $0x1F;
	v8 =	vsel vm0, s11, v8;
	s1 =	sshrl.u32 s17, $0x1F;
	v6 =	vsel vm6, s21, v6;
	v5 =	vsel vm5, s14, v5  }
0x1d4: {  	s22 =	sshra.s32 s0, $0x12;
	s19 =	sshra.s32 s17, $0x12;
	v8 =	vsel vm1, s5, v8;
	v7 =	vsel vm2, s1, v7;
	v5 =	vsel vm14, s20, v5  }
0x1d5: {  	s23 =	sshrl.u32 s31, $0x1F;
	s0 =	sshra.s32 s0, $0x1F;
	v8 =	vsel vm2, s19, v8;
	v4 =	vcombine.low v7, v4;
	v5 =	vsel vm6, s22, v5  }
0x1d6: {  	s24 =	sshra.s32 s31, $0x12;
	v6 =	vsel vm7, s23, v6;
	v3 =	vcombine.low v8, v3;
	v5 =	vsel vm15, s0, v5  }
0x1d7: {  	v6 =	vperm.xlane v6, v1;
	v4 =	vperm.xlane v4, v0;
	v5 =	vsel vm7, s24, v5  }
0x1d8: {  	v3 =	vperm.xlane v3, v0;
	v5 =	vperm.xlane v5, v1;
	_ =	sdelay $0x1  }
0x1d9: {  	v4 =	vsel vm8, v6, v4;
	v3 =	vsel vm8, v5, v3  }
0x1da: {  	v3 =	vadd.s32 v4, v3  }
0x1db: {  	v3 =	vmul.u32 $0xF4241, v3;
	_ =	sdelay $0x1  }
0x1dc: {  	s25 =	smov.u32 s30;
	v2 =	vsub.s32 v2, v3  }
0x1dd: {  	s26 =	sshra.s32 s25, $0x2;
	[tilespmem:s29+$0x1380] =	vst v2  }
0x1de: {  	v2 =	vld [tilespmem:s26+$0x1380];
	_ =	sdelay $0x4  }
0x1df: {  	(v2sf) =	vpush v2, $0x0  }
0x1e0: {  	(v2sf) =	vpush v2, $0x1  }
0x1e1: {  	(v2sf) =	vpush v2, $0x2;
	_ =	sdelay $0x1  }
0x1e2: {  	(v2sf) =	vpush v2, $0x7;
	_ =	sdelay $0x1  }
0x1e3: {  	(v2sf) =	vpush v2, $0x3  }
0x1e4: {  	(v2sf) =	vpush v2, $0x4;
	_ =	sdelay $0x2  }
0x1e5: {  	(v2sf) =	vpush v2, $0xC  }
0x1e6: {  	(v2sf) =	vpush v2, $0xD;
	_ =	sdelay $0x2  }
0x1e7: {  	(v2sf) =	vpush v2, $0xE  }
0x1e8: {  	s1 =	spop (v2sf)  }
0x1e9: {  	(v2sf) =	vpush v2, $0x8;
	s7 =	smulhi.u32 $0x431BDA1D, s1;
	s2 =	spop (v2sf)  }
0x1ea: {  	s3 =	smulhi.u32 $0x431BDA1D, s2;
	s4 =	spop (v2sf)  }
0x1eb: {  	p0 =	sne.s32 s30, $0x19C0;
	(v2sf) =	vpush v2, $0xF;
	s0 =	sshra.s32 s2, $0x1F;
	s5 =	smulhi.u32 $0x431BDA1D, s4  }
0x1ec: {  	s30 =	sadd.s32 $0x40, s30;
	(v2sf) =	vpush v2, $0x9;
	s6 =	spop (v2sf);
	s0 =	smul.u32 $0x431BDA1D, s0  }
0x1ed: {  	[dreg:$0x6] =	wrdreg s26;
	s2 =	sshra.s32 s4, $0x1F;
	s25 =	smulhi.u32 $0x431BDA1D, s6  }
0x1ee: {  	s4 =	sshra.s32 s6, $0x1F;
	s8 =	spop (v2sf);
	s13 =	smul.u32 $0x431BDA1D, s2  }
0x1ef: {  	s9 =	sshra.s32 s8, $0x1F;
	s11 =	spop (v2sf);
	s31 =	smul.u32 $0x431BDA1D, s4  }
0x1f0: {  	s14 =	sadd.s32 s0, s3;
	s3 =	sadd.s32 s13, s5;
	s5 =	smulhi.u32 $0x431BDA1D, s8  }
0x1f1: {  	s21 =	sshra.s32 s1, $0x1F;
	s12 =	sshra.s32 s11, $0x1F;
	s8 =	smul.u32 $0x431BDA1D, s9  }
0x1f2: {  	(v2sf) =	vpush v2, $0xA;
	s15 =	spop (v2sf);
	s6 =	sshra.s32 s14, $0x12;
	s11 =	smulhi.u32 $0x431BDA1D, s11  }
0x1f3: {  	s26 =	sshrl.u32 s14, $0x1F;
	s1 =	smul.u32 $0x431BDA1D, s12;
	s16 =	spop (v2sf)  }
0x1f4: {  	(v2sf) =	vpush v2, $0x5;
	s17 =	sshra.s32 s15, $0x1F;
	s22 =	sshra.s32 s3, $0x12;
	s2 =	smulhi.u32 $0x431BDA1D, s15  }
0x1f5: {  	(v2sf) =	vpush v2, $0xB;
	s0 =	sshrl.u32 s3, $0x1F;
	s20 =	sshra.s32 s3, $0x1F;
	s12 =	smulhi.u32 $0x431BDA1D, s16  }
0x1f6: {  	s31 =	sadd.s32 s31, s25;
	s18 =	spop (v2sf);
	s10 =	smul.u32 $0x431BDA1D, s17;
	(v2sf) =	vpush v2, $0x6  }
0x1f7: {  	s4 =	sshra.s32 s16, $0x1F;
	s5 =	sadd.s32 s8, s5;
	s24 =	smulhi.u32 $0x431BDA1D, s18  }
0x1f8: {  	s3 =	sshra.s32 s18, $0x1F;
	s15 =	spop (v2sf);
	s4 =	smul.u32 $0x431BDA1D, s4  }
0x1f9: {  	s8 =	sshra.s32 s5, $0x12;
	s13 =	sshra.s32 s15, $0x1F;
	s15 =	smulhi.u32 $0x431BDA1D, s15  }
0x1fa: {  	s19 =	spop (v2sf);
	s2 =	sadd.s32 s10, s2;
	s28 =	smul.u32 $0x431BDA1D, s3  }
0x1fb: {  	s17 =	sshra.s32 s19, $0x1F;
	s23 =	spop (v2sf);
	s10 =	smulhi.u32 $0x431BDA1D, s19  }
0x1fc: {  	s9 =	sshrl.u32 s2, $0x1F;
	s2 =	sshra.s32 s2, $0x12;
	s29 =	smulhi.u32 $0x431BDA1D, s23  }
0x1fd: {  	s12 =	sadd.s32 s4, s12;
	s16 =	sshra.s32 s23, $0x1F;
	v3 =	vmov s2;
	s2 =	smul.u32 $0x431BDA1D, s17  }
0x1fe: {  	v4 =	vmov s9;
	s4 =	sshra.s32 s12, $0x12;
	s19 =	sshrl.u32 s12, $0x1F;
	s9 =	smul.u32 $0x431BDA1D, s16  }
0x1ff: {  	s18 =	sshra.s32 s14, $0x1F;
	v3 =	vsel vm0, s4, v3;
	s4 =	sshrl.u32 s5, $0x1F;
	v4 =	vsel vm0, s19, v4;
	s19 =	smul.u32 $0x431BDA1D, s21  }
0x200: {  	s5 =	sshra.s32 s5, $0x1F;
	s9 =	sadd.s32 s9, s29;
	s29 =	rddreg [dreg:$0x6]  }
.Ltmp3:
0x201: {  	s19 =	sadd.s32 s19, s7;
	s23 =	spop (v2sf);
	(pc) =	sbr.rel @p0 .LBB2_8-.Ltmp3, $4  }
0x202: {  	s3 =	sshra.s32 s19, $0x1F;
	s17 =	sshra.s32 s23, $0x1F;
	s23 =	smulhi.u32 $0x431BDA1D, s23  }
0x203: {  	s25 =	smul.u32 $0x431BDA1D, s17;
	s17 =	sshra.s32 s31, $0x1F;
	s16 =	spop (v2sf)  }
0x204: {  	v5 =	vmov s17;
	s17 =	sshra.s32 s19, $0x12;
	s12 =	smulhi.u32 $0x431BDA1D, s16;
	s21 =	spop (v2sf)  }
0x205: {  	s16 =	sshra.s32 s16, $0x1F;
	v5 =	vsel vm3, s17, v5;
	s7 =	smulhi.u32 $0x431BDA1D, s21;
	s14 =	spop (v2sf)  }
0x206: {  	s2 =	sadd.s32 s2, s10  }
0x207: {  	v5 =	vsel vm9, s3, v5;
	s3 =	sadd.s32 s28, s24;
	s24 =	smul.u32 $0x431BDA1D, s13;
	s19 =	sshrl.u32 s19, $0x1F  }
0x208: {  	s17 =	sshra.s32 s21, $0x1F;
	s16 =	smul.u32 $0x431BDA1D, s16;
	s1 =	sadd.s32 s1, s11  }
0x209: {  	s21 =	sshra.s32 s14, $0x1F;
	v5 =	vsel vm0, s6, v5;
	s6 =	sshrl.u32 s9, $0x1F;
	v6 =	vmov s19;
	s19 =	sshrl.u32 s3, $0x1F  }
0x20a: {  	s11 =	smul.u32 $0x431BDA1D, s21;
	s3 =	sshra.s32 s3, $0x12;
	s21 =	sshra.s32 s1, $0x12;
	v5 =	vsel vm10, s18, v5;
	v6 =	vnsel vm3, $0x0, v6;
	v4 =	vsel vm1, s19, v4  }
0x20b: {  	s10 =	sadd.s32 s24, s15;
	s24 =	sshrl.u32 s2, $0x1F;
	v3 =	vsel vm1, s3, v3;
	s2 =	sshra.s32 s2, $0x12;
	v5 =	vsel vm1, s22, v5;
	v6 =	vsel vm0, s26, v6  }
0x20c: {  	s9 =	sshra.s32 s9, $0x12;
	s15 =	sshrl.u32 s1, $0x1F;
	v4 =	vsel vm2, s24, v4;
	s26 =	sshrl.u32 s10, $0x1F;
	v3 =	vsel vm2, s2, v3;
	v5 =	vsel vm11, s20, v5  }
0x20d: {  	s12 =	sadd.s32 s16, s12;
	s16 =	sadd.s32 s25, s23;
	s22 =	smul.u32 $0x431BDA1D, s17;
	v6 =	vsel vm1, s0, v6;
	v7 =	vmov s26;
	v5 =	vsel vm2, s8, v5  }
0x20e: {  	s1 =	sshra.s32 s1, $0x1F;
	s18 =	sshrl.u32 s16, $0x1F;
	s20 =	smulhi.u32 $0x431BDA1D, s14;
	v6 =	vsel vm2, s4, v6;
	v7 =	vsel vm0, s6, v7;
	v5 =	vsel vm12, s5, v5  }
0x20f: {  	s24 =	sshrl.u32 s12, $0x1F;
	s17 =	sadd.s32 s22, s7;
	v6 =	vsel vm4, s15, v6;
	s15 =	sshra.s32 s10, $0x12;
	v7 =	vsel vm1, s18, v7;
	v5 =	vsel vm4, s21, v5  }
0x210: {  	s13 =	sshra.s32 s12, $0x12;
	s0 =	sadd.s32 s11, s20;
	s22 =	sshrl.u32 s17, $0x1F;
	v8 =	vmov s15;
	v6 =	vsel vm5, s24, v6;
	v5 =	vsel vm13, s1, v5  }
0x211: {  	s19 =	sshra.s32 s12, $0x1F;
	s20 =	sshra.s32 s16, $0x12;
	s21 =	sshra.s32 s0, $0x12;
	v7 =	vsel vm2, s22, v7;
	v8 =	vsel vm0, s9, v8;
	v5 =	vsel vm5, s13, v5  }
0x212: {  	s23 =	sshra.s32 s0, $0x1F;
	s0 =	sshrl.u32 s0, $0x1F;
	s1 =	sshra.s32 s17, $0x12;
	v4 =	vcombine.low v7, v4;
	v8 =	vsel vm1, s20, v8;
	v5 =	vsel vm14, s19, v5  }
0x213: {  	s25 =	sshrl.u32 s31, $0x1F;
	v6 =	vsel vm6, s0, v6;
	v8 =	vsel vm2, s1, v8;
	v5 =	vsel vm6, s21, v5  }
0x214: {  	s24 =	sshra.s32 s31, $0x12;
	v6 =	vsel vm7, s25, v6;
	v3 =	vcombine.low v8, v3;
	v5 =	vsel vm15, s23, v5  }
0x215: {  	v4 =	vperm.xlane v4, v0;
	v6 =	vperm.xlane v6, v1;
	v5 =	vsel vm7, s24, v5  }
0x216: {  	v3 =	vperm.xlane v3, v0;
	v5 =	vperm.xlane v5, v1;
	_ =	sdelay $0x1  }
0x217: {  	v4 =	vsel vm8, v6, v4;
	v3 =	vsel vm8, v5, v3  }
0x218: {  	v3 =	vadd.s32 v4, v3  }
0x219: {  	v3 =	vmul.u32 $0xF4241, v3;
	_ =	sdelay $0x1  }
0x21a: {  	v2 =	vsub.s32 v2, v3  }
0x21b: {  	s26 =	simm.s32 $0x1;
	[tilespmem:s29+$0x1380] =	vst v2  }
0x21c: {  	_ =	swait.ge [sflag:s26], $0xD000  }
0x21d: {  	[sflag:s26] =	ssyncset.done $0x0  }
0x21e: {  	s1 =	simm.s32 $0x3;
	[sflag:s26] =	ssyncadd.s32 $0xFFFF3000  }
0x21f: {  	s3 =	simm.s32 $0x680;
	_ =	swait.ge [sflag:s1], $0xD000  }
0x220: {  	s4 =	simm.s32 $0x10400;
	s6 =	simm.s32 $0x0;
	[sflag:s1] =	ssyncset.done $0x0  }
0x221: {  	s5 =	simm.s32 $0x1380;
	s2 =	rddreg [dreg:$0xb];
	[sflag:s1] =	ssyncadd.s32 $0xFFFF3000  }
0x222: {  	[tilespmem:s4], [sflag:$0x1] =	stream.indirect.gather [hbm4b:s2+s3], $0x20, s5, s3, $0xb8;
	[tilespmem:$0x1D400] =	vst v63  }
0x223: {  	s8 =	simm.s32 $0x3400;
	s29 =	simm.s32 $0x0;
	s7 =	rddreg [dreg:$0xf]  }
0x224: {  	[hbm4b:s7+s6] =	stream.linear.scatter [tilespmem:s8], [sflag:$0x2], $0xD000, $0x38;
	[tilespmem:$0x1D400] =	vst v63  }
0x225: {  	v2 =	vld [tilespmem:s29+$0x1A00];
	_ =	sdelay $0x4  }
0x226: {  	(v2sf) =	vpush v2, $0x0  }
0x227: {  	(v2sf) =	vpush v2, $0x1;
	_ =	sdelay $0x1  }
0x228: {  	(v2sf) =	vpush v2, $0x2;
	_ =	sdelay $0x1  }
0x229: {  	(v2sf) =	vpush v2, $0x7;
	_ =	sdelay $0x2  }
0x22a: {  	(v2sf) =	vpush v2, $0x3  }
0x22b: {  	(v2sf) =	vpush v2, $0x4;
	_ =	sdelay $0x1  }
0x22c: {  	(v2sf) =	vpush v2, $0xC  }
0x22d: {  	(v2sf) =	vpush v2, $0xD;
	_ =	sdelay $0x2  }
0x22e: {  	(v2sf) =	vpush v2, $0xE;
	s9 =	spop (v2sf)  }
0x22f: {  	s5 =	smulhi.u32 $0x431BDA1D, s9;
	s11 =	spop (v2sf)  }
0x230: {  	(v2sf) =	vpush v2, $0x8;
	s13 =	sshra.s32 s9, $0x1F;
	s12 =	smulhi.u32 $0x431BDA1D, s11  }
0x231: {  	(v2sf) =	vpush v2, $0xF;
	s15 =	spop (v2sf);
	s13 =	smul.u32 $0x431BDA1D, s13  }
0x232: {  	s1 =	sshra.s32 s11, $0x1F;
	s16 =	smulhi.u32 $0x431BDA1D, s15  }
0x233: {  	(v2sf) =	vpush v2, $0x9;
	s17 =	spop (v2sf);
	s19 =	smul.u32 $0x431BDA1D, s1  }
0x234: {  	s20 =	sshra.s32 s15, $0x1F;
	s25 =	smulhi.u32 $0x431BDA1D, s17  }
0x235: {  	s6 =	sshra.s32 s17, $0x1F;
	s22 =	smul.u32 $0x431BDA1D, s20  }
0x236: {  	s18 =	spop (v2sf);
	s6 =	smul.u32 $0x431BDA1D, s6  }
0x237: {  	(v2sf) =	vpush v2, $0xA;
	s3 =	spop (v2sf);
	s14 =	smulhi.u32 $0x431BDA1D, s18  }
0x238: {  	(v2sf) =	vpush v2, $0x5;
	s8 =	sshra.s32 s18, $0x1F;
	s17 =	sadd.s32 s19, s12;
	s21 =	sshra.s32 s3, $0x1F  }
0x239: {  	s23 =	spop (v2sf);
	s4 =	sadd.s32 s22, s16;
	s1 =	smul.u32 $0x431BDA1D, s21  }
0x23a: {  	s24 =	spop (v2sf);
	s22 =	sshra.s32 s4, $0x12;
	s19 =	smulhi.u32 $0x431BDA1D, s23  }
0x23b: {  	s0 =	sshrl.u32 s4, $0x1F;
	s20 =	sshra.s32 s4, $0x1F;
	s4 =	smul.u32 $0x431BDA1D, s8  }
0x23c: {  	s26 =	sshra.s32 s23, $0x1F;
	s15 =	smulhi.u32 $0x431BDA1D, s24  }
0x23d: {  	(v2sf) =	vpush v2, $0xB;
	s31 =	sadd.s32 s6, s25;
	s7 =	spop (v2sf);
	s9 =	smul.u32 $0x431BDA1D, s26  }
0x23e: {  	(v2sf) =	vpush v2, $0x6;
	s6 =	sshra.s32 s17, $0x12;
	s16 =	sshra.s32 s24, $0x1F;
	s24 =	smulhi.u32 $0x431BDA1D, s7  }
0x23f: {  	s18 =	spop (v2sf);
	s21 =	sshra.s32 s7, $0x1F;
	s26 =	smul.u32 $0x431BDA1D, s16  }
0x240: {  	s14 =	sadd.s32 s4, s14;
	s23 =	spop (v2sf);
	s11 =	sadd.s32 s9, s19  }
0x241: {  	s4 =	sshrl.u32 s14, $0x1F;
	s12 =	sshra.s32 s23, $0x1F;
	s10 =	smulhi.u32 $0x431BDA1D, s23  }
0x242: {  	s15 =	sadd.s32 s26, s15;
	s2 =	smul.u32 $0x431BDA1D, s12;
	s7 =	spop (v2sf)  }
0x243: {  	s30 =	sshrl.u32 s11, $0x1F;
	s8 =	sshra.s32 s15, $0x12;
	s16 =	smulhi.u32 $0x431BDA1D, s7  }
0x244: {  	s19 =	sshra.s32 s7, $0x1F;
	s7 =	sshra.s32 s11, $0x12;
	s11 =	smulhi.u32 $0x431BDA1D, s3  }
0x245: {  	[dreg:$0x1a] =	wrdreg s8;
	s3 =	sshrl.u32 s15, $0x1F;
	s15 =	smulhi.u32 $0x431BDA1D, s18  }
0x246: {  	v4 =	vmov s30;
	s30 =	simm.s32 $0x40;
	s23 =	spop (v2sf);
	s9 =	smul.u32 $0x431BDA1D, s19  }
0x247: {  	s26 =	spop (v2sf);
	s28 =	sshra.s32 s23, $0x1F;
	s23 =	smulhi.u32 $0x431BDA1D, s23  }
0x248: {  	s8 =	sshra.s32 s14, $0x12;
	s19 =	sadd.s32 s13, s5;
	s12 =	smulhi.u32 $0x431BDA1D, s26  }
0x249: {  	s5 =	sshra.s32 s14, $0x1F;
	s13 =	sshra.s32 s18, $0x1F;
	s25 =	smul.u32 $0x431BDA1D, s28  }
0x24a: {  	s18 =	sshra.s32 s17, $0x1F;
	s28 =	smul.u32 $0x431BDA1D, s21;
	s21 =	sshra.s32 s31, $0x1F  }
0x24b: {  	v3 =	vmov s7;
	s7 =	sshra.s32 s19, $0x12;
	s9 =	sadd.s32 s9, s16;
	s16 =	sshra.s32 s26, $0x1F  }
0x24c: {  	s26 =	sshrl.u32 s17, $0x1F;
	v5 =	vmov s21;
	s21 =	spop (v2sf);
	s17 =	rddreg [dreg:$0x1a]  }
0x24d: {  	v4 =	vsel vm0, s3, v4;
	s3 =	sshra.s32 s19, $0x1F;
	v3 =	vsel vm0, s17, v3;
	v5 =	vsel vm3, s7, v5;
	s7 =	smulhi.u32 $0x431BDA1D, s21;
	s14 =	spop (v2sf)  }
.LBB2_10:
0x24e: {  	s17 =	sshrl.u32 s9, $0x1F  }
0x24f: {  	s13 =	smul.u32 $0x431BDA1D, s13;
	s21 =	sshra.s32 s21, $0x1F;
	v5 =	vsel vm9, s3, v5;
	s2 =	sadd.s32 s2, s10  }
0x250: {  	s10 =	sshrl.u32 s19, $0x1F;
	s16 =	smul.u32 $0x431BDA1D, s16;
	s19 =	sshra.s32 s14, $0x1F;
	v5 =	vsel vm0, s6, v5  }
0x251: {  	s6 =	sadd.s32 s28, s24;
	v6 =	vmov s10;
	s1 =	sadd.s32 s1, s11;
	s3 =	sshrl.u32 s2, $0x1F;
	v5 =	vsel vm10, s18, v5  }
0x252: {  	s2 =	sshra.s32 s2, $0x12;
	v6 =	vnsel vm3, $0x0, v6;
	s24 =	sshrl.u32 s6, $0x1F;
	s6 =	sshra.s32 s6, $0x12;
	v5 =	vsel vm1, s22, v5  }
0x253: {  	s13 =	sadd.s32 s13, s15;
	s10 =	sadd.s32 s16, s12;
	s18 =	smul.u32 $0x431BDA1D, s19;
	v6 =	vsel vm0, s26, v6;
	v4 =	vsel vm1, s24, v4;
	v3 =	vsel vm1, s6, v3  }
0x254: {  	s19 =	smulhi.u32 $0x431BDA1D, s14;
	s26 =	sshrl.u32 s13, $0x1F;
	s16 =	sshra.s32 s13, $0x12;
	v5 =	vsel vm11, s20, v5;
	v6 =	vsel vm1, s0, v6;
	v4 =	vsel vm2, s3, v4  }
0x255: {  	s11 =	sshrl.u32 s1, $0x1F;
	s15 =	sadd.s32 s25, s23;
	s22 =	smul.u32 $0x431BDA1D, s21;
	v7 =	vmov s26;
	v8 =	vmov s16;
	v5 =	vsel vm2, s8, v5  }
0x256: {  	s24 =	sshrl.u32 s10, $0x1F;
	s14 =	sshra.s32 s10, $0x12;
	s20 =	sshra.s32 s1, $0x12;
	v3 =	vsel vm2, s2, v3;
	v6 =	vsel vm2, s4, v6;
	v5 =	vsel vm12, s5, v5  }
0x257: {  	s1 =	sshra.s32 s1, $0x1F;
	s0 =	sadd.s32 s18, s19;
	s18 =	sshrl.u32 s15, $0x1F;
	v7 =	vsel vm0, s17, v7;
	v6 =	vsel vm4, s11, v6;
	v5 =	vsel vm4, s20, v5  }
0x258: {  	s17 =	sadd.s32 s22, s7;
	s21 =	sshrl.u32 s0, $0x1F;
	s11 =	sshra.s32 s9, $0x12;
	v7 =	vsel vm1, s18, v7;
	v6 =	vsel vm5, s24, v6;
	v5 =	vsel vm13, s1, v5  }
0x259: {  	s5 =	sshra.s32 s15, $0x12;
	s20 =	sshra.s32 s10, $0x1F;
	v8 =	vsel vm0, s11, v8;
	s1 =	sshrl.u32 s17, $0x1F;
	v6 =	vsel vm6, s21, v6;
	v5 =	vsel vm5, s14, v5  }
0x25a: {  	s22 =	sshra.s32 s0, $0x12;
	s19 =	sshra.s32 s17, $0x12;
	v8 =	vsel vm1, s5, v8;
	v7 =	vsel vm2, s1, v7;
	v5 =	vsel vm14, s20, v5  }
0x25b: {  	s23 =	sshrl.u32 s31, $0x1F;
	s0 =	sshra.s32 s0, $0x1F;
	v8 =	vsel vm2, s19, v8;
	v4 =	vcombine.low v7, v4;
	v5 =	vsel vm6, s22, v5  }
0x25c: {  	s24 =	sshra.s32 s31, $0x12;
	v6 =	vsel vm7, s23, v6;
	v3 =	vcombine.low v8, v3;
	v5 =	vsel vm15, s0, v5  }
0x25d: {  	v6 =	vperm.xlane v6, v1;
	v4 =	vperm.xlane v4, v0;
	v5 =	vsel vm7, s24, v5  }
0x25e: {  	v3 =	vperm.xlane v3, v0;
	v5 =	vperm.xlane v5, v1;
	_ =	sdelay $0x1  }
0x25f: {  	v4 =	vsel vm8, v6, v4;
	v3 =	vsel vm8, v5, v3  }
0x260: {  	v3 =	vadd.s32 v4, v3  }
0x261: {  	v3 =	vmul.u32 $0xF4241, v3;
	_ =	sdelay $0x1  }
0x262: {  	s25 =	smov.u32 s30;
	v2 =	vsub.s32 v2, v3  }
0x263: {  	s26 =	sshra.s32 s25, $0x2;
	[tilespmem:s29+$0x1A00] =	vst v2  }
0x264: {  	v2 =	vld [tilespmem:s26+$0x1A00];
	_ =	sdelay $0x4  }
0x265: {  	(v2sf) =	vpush v2, $0x0  }
0x266: {  	(v2sf) =	vpush v2, $0x1  }
0x267: {  	(v2sf) =	vpush v2, $0x2;
	_ =	sdelay $0x1  }
0x268: {  	(v2sf) =	vpush v2, $0x7;
	_ =	sdelay $0x1  }
0x269: {  	(v2sf) =	vpush v2, $0x3  }
0x26a: {  	(v2sf) =	vpush v2, $0x4;
	_ =	sdelay $0x2  }
0x26b: {  	(v2sf) =	vpush v2, $0xC  }
0x26c: {  	(v2sf) =	vpush v2, $0xD;
	_ =	sdelay $0x2  }
0x26d: {  	(v2sf) =	vpush v2, $0xE  }
0x26e: {  	s1 =	spop (v2sf)  }
0x26f: {  	(v2sf) =	vpush v2, $0x8;
	s7 =	smulhi.u32 $0x431BDA1D, s1;
	s2 =	spop (v2sf)  }
0x270: {  	s3 =	smulhi.u32 $0x431BDA1D, s2;
	s4 =	spop (v2sf)  }
0x271: {  	p0 =	sne.s32 s30, $0x19C0;
	(v2sf) =	vpush v2, $0xF;
	s0 =	sshra.s32 s2, $0x1F;
	s5 =	smulhi.u32 $0x431BDA1D, s4  }
0x272: {  	s30 =	sadd.s32 $0x40, s30;
	(v2sf) =	vpush v2, $0x9;
	s6 =	spop (v2sf);
	s0 =	smul.u32 $0x431BDA1D, s0  }
0x273: {  	[dreg:$0x7] =	wrdreg s26;
	s2 =	sshra.s32 s4, $0x1F;
	s25 =	smulhi.u32 $0x431BDA1D, s6  }
0x274: {  	s4 =	sshra.s32 s6, $0x1F;
	s8 =	spop (v2sf);
	s13 =	smul.u32 $0x431BDA1D, s2  }
0x275: {  	s9 =	sshra.s32 s8, $0x1F;
	s11 =	spop (v2sf);
	s31 =	smul.u32 $0x431BDA1D, s4  }
0x276: {  	s14 =	sadd.s32 s0, s3;
	s3 =	sadd.s32 s13, s5;
	s5 =	smulhi.u32 $0x431BDA1D, s8  }
0x277: {  	s21 =	sshra.s32 s1, $0x1F;
	s12 =	sshra.s32 s11, $0x1F;
	s8 =	smul.u32 $0x431BDA1D, s9  }
0x278: {  	(v2sf) =	vpush v2, $0xA;
	s15 =	spop (v2sf);
	s6 =	sshra.s32 s14, $0x12;
	s11 =	smulhi.u32 $0x431BDA1D, s11  }
0x279: {  	s26 =	sshrl.u32 s14, $0x1F;
	s1 =	smul.u32 $0x431BDA1D, s12;
	s16 =	spop (v2sf)  }
0x27a: {  	(v2sf) =	vpush v2, $0x5;
	s17 =	sshra.s32 s15, $0x1F;
	s22 =	sshra.s32 s3, $0x12;
	s2 =	smulhi.u32 $0x431BDA1D, s15  }
0x27b: {  	(v2sf) =	vpush v2, $0xB;
	s0 =	sshrl.u32 s3, $0x1F;
	s20 =	sshra.s32 s3, $0x1F;
	s12 =	smulhi.u32 $0x431BDA1D, s16  }
0x27c: {  	s31 =	sadd.s32 s31, s25;
	s18 =	spop (v2sf);
	s10 =	smul.u32 $0x431BDA1D, s17;
	(v2sf) =	vpush v2, $0x6  }
0x27d: {  	s4 =	sshra.s32 s16, $0x1F;
	s5 =	sadd.s32 s8, s5;
	s24 =	smulhi.u32 $0x431BDA1D, s18  }
0x27e: {  	s3 =	sshra.s32 s18, $0x1F;
	s15 =	spop (v2sf);
	s4 =	smul.u32 $0x431BDA1D, s4  }
0x27f: {  	s8 =	sshra.s32 s5, $0x12;
	s13 =	sshra.s32 s15, $0x1F;
	s15 =	smulhi.u32 $0x431BDA1D, s15  }
0x280: {  	s19 =	spop (v2sf);
	s2 =	sadd.s32 s10, s2;
	s28 =	smul.u32 $0x431BDA1D, s3  }
0x281: {  	s17 =	sshra.s32 s19, $0x1F;
	s23 =	spop (v2sf);
	s10 =	smulhi.u32 $0x431BDA1D, s19  }
0x282: {  	s9 =	sshrl.u32 s2, $0x1F;
	s2 =	sshra.s32 s2, $0x12;
	s29 =	smulhi.u32 $0x431BDA1D, s23  }
0x283: {  	s12 =	sadd.s32 s4, s12;
	s16 =	sshra.s32 s23, $0x1F;
	v3 =	vmov s2;
	s2 =	smul.u32 $0x431BDA1D, s17  }
0x284: {  	v4 =	vmov s9;
	s4 =	sshra.s32 s12, $0x12;
	s19 =	sshrl.u32 s12, $0x1F;
	s9 =	smul.u32 $0x431BDA1D, s16  }
0x285: {  	s18 =	sshra.s32 s14, $0x1F;
	v3 =	vsel vm0, s4, v3;
	s4 =	sshrl.u32 s5, $0x1F;
	v4 =	vsel vm0, s19, v4;
	s19 =	smul.u32 $0x431BDA1D, s21  }
0x286: {  	s5 =	sshra.s32 s5, $0x1F;
	s9 =	sadd.s32 s9, s29;
	s29 =	rddreg [dreg:$0x7]  }
.Ltmp4:
0x287: {  	s19 =	sadd.s32 s19, s7;
	s23 =	spop (v2sf);
	(pc) =	sbr.rel @p0 .LBB2_10-.Ltmp4, $4  }
0x288: {  	s3 =	sshra.s32 s19, $0x1F;
	s17 =	sshra.s32 s23, $0x1F;
	s23 =	smulhi.u32 $0x431BDA1D, s23  }
0x289: {  	s25 =	smul.u32 $0x431BDA1D, s17;
	s17 =	sshra.s32 s31, $0x1F;
	s16 =	spop (v2sf)  }
0x28a: {  	v5 =	vmov s17;
	s17 =	sshra.s32 s19, $0x12;
	s12 =	smulhi.u32 $0x431BDA1D, s16;
	s21 =	spop (v2sf)  }
0x28b: {  	s16 =	sshra.s32 s16, $0x1F;
	v5 =	vsel vm3, s17, v5;
	s7 =	smulhi.u32 $0x431BDA1D, s21;
	s14 =	spop (v2sf)  }
0x28c: {  	s2 =	sadd.s32 s2, s10  }
0x28d: {  	v5 =	vsel vm9, s3, v5;
	s3 =	sadd.s32 s28, s24;
	s24 =	smul.u32 $0x431BDA1D, s13;
	s19 =	sshrl.u32 s19, $0x1F  }
0x28e: {  	s17 =	sshra.s32 s21, $0x1F;
	s16 =	smul.u32 $0x431BDA1D, s16;
	s1 =	sadd.s32 s1, s11  }
0x28f: {  	s21 =	sshra.s32 s14, $0x1F;
	v5 =	vsel vm0, s6, v5;
	s6 =	sshrl.u32 s9, $0x1F;
	v6 =	vmov s19;
	s19 =	sshrl.u32 s3, $0x1F  }
0x290: {  	s11 =	smul.u32 $0x431BDA1D, s21;
	s3 =	sshra.s32 s3, $0x12;
	s21 =	sshra.s32 s1, $0x12;
	v5 =	vsel vm10, s18, v5;
	v6 =	vnsel vm3, $0x0, v6;
	v4 =	vsel vm1, s19, v4  }
0x291: {  	s10 =	sadd.s32 s24, s15;
	s24 =	sshrl.u32 s2, $0x1F;
	v3 =	vsel vm1, s3, v3;
	s2 =	sshra.s32 s2, $0x12;
	v5 =	vsel vm1, s22, v5;
	v6 =	vsel vm0, s26, v6  }
0x292: {  	s9 =	sshra.s32 s9, $0x12;
	s15 =	sshrl.u32 s1, $0x1F;
	v4 =	vsel vm2, s24, v4;
	s26 =	sshrl.u32 s10, $0x1F;
	v3 =	vsel vm2, s2, v3;
	v5 =	vsel vm11, s20, v5  }
0x293: {  	s12 =	sadd.s32 s16, s12;
	s16 =	sadd.s32 s25, s23;
	s22 =	smul.u32 $0x431BDA1D, s17;
	v6 =	vsel vm1, s0, v6;
	v7 =	vmov s26;
	v5 =	vsel vm2, s8, v5  }
0x294: {  	s1 =	sshra.s32 s1, $0x1F;
	s18 =	sshrl.u32 s16, $0x1F;
	s20 =	smulhi.u32 $0x431BDA1D, s14;
	v6 =	vsel vm2, s4, v6;
	v7 =	vsel vm0, s6, v7;
	v5 =	vsel vm12, s5, v5  }
0x295: {  	s24 =	sshrl.u32 s12, $0x1F;
	s17 =	sadd.s32 s22, s7;
	v6 =	vsel vm4, s15, v6;
	s15 =	sshra.s32 s10, $0x12;
	v7 =	vsel vm1, s18, v7;
	v5 =	vsel vm4, s21, v5  }
0x296: {  	s13 =	sshra.s32 s12, $0x12;
	s0 =	sadd.s32 s11, s20;
	s22 =	sshrl.u32 s17, $0x1F;
	v8 =	vmov s15;
	v6 =	vsel vm5, s24, v6;
	v5 =	vsel vm13, s1, v5  }
0x297: {  	s19 =	sshra.s32 s12, $0x1F;
	s20 =	sshra.s32 s16, $0x12;
	s21 =	sshra.s32 s0, $0x12;
	v7 =	vsel vm2, s22, v7;
	v8 =	vsel vm0, s9, v8;
	v5 =	vsel vm5, s13, v5  }
0x298: {  	s23 =	sshra.s32 s0, $0x1F;
	s0 =	sshrl.u32 s0, $0x1F;
	s1 =	sshra.s32 s17, $0x12;
	v4 =	vcombine.low v7, v4;
	v8 =	vsel vm1, s20, v8;
	v5 =	vsel vm14, s19, v5  }
0x299: {  	s25 =	sshrl.u32 s31, $0x1F;
	v6 =	vsel vm6, s0, v6;
	v8 =	vsel vm2, s1, v8;
	v5 =	vsel vm6, s21, v5  }
0x29a: {  	s24 =	sshra.s32 s31, $0x12;
	v6 =	vsel vm7, s25, v6;
	v3 =	vcombine.low v8, v3;
	v5 =	vsel vm15, s23, v5  }
0x29b: {  	v4 =	vperm.xlane v4, v0;
	v6 =	vperm.xlane v6, v1;
	v5 =	vsel vm7, s24, v5  }
0x29c: {  	v3 =	vperm.xlane v3, v0;
	v5 =	vperm.xlane v5, v1;
	_ =	sdelay $0x1  }
0x29d: {  	v4 =	vsel vm8, v6, v4;
	v3 =	vsel vm8, v5, v3  }
0x29e: {  	v3 =	vadd.s32 v4, v3  }
0x29f: {  	v3 =	vmul.u32 $0xF4241, v3;
	_ =	sdelay $0x1  }
0x2a0: {  	v2 =	vsub.s32 v2, v3  }
0x2a1: {  	s26 =	simm.s32 $0x1;
	[tilespmem:s29+$0x1A00] =	vst v2  }
0x2a2: {  	_ =	swait.ge [sflag:s26], $0xD000  }
0x2a3: {  	[sflag:s26] =	ssyncset.done $0x0  }
0x2a4: {  	s1 =	simm.s32 $0x2;
	[sflag:s26] =	ssyncadd.s32 $0xFFFF3000  }
0x2a5: {  	s3 =	simm.s32 $0x680;
	_ =	swait.ge [sflag:s1], $0xD000  }
0x2a6: {  	s4 =	simm.s32 $0x3400;
	s6 =	simm.s32 $0x0;
	[sflag:s1] =	ssyncset.done $0x0  }
0x2a7: {  	s5 =	simm.s32 $0x1A00;
	s2 =	rddreg [dreg:$0xb];
	[sflag:s1] =	ssyncadd.s32 $0xFFFF3000  }
0x2a8: {  	[tilespmem:s4], [sflag:$0x1] =	stream.indirect.gather [hbm4b:s2+s3], $0x20, s5, s3, $0xb8;
	[tilespmem:$0x1D400] =	vst v63  }
0x2a9: {  	s8 =	simm.s32 $0x10400;
	s29 =	simm.s32 $0x0;
	s7 =	rddreg [dreg:$0x10]  }
0x2aa: {  	[hbm4b:s7+s6] =	stream.linear.scatter [tilespmem:s8], [sflag:$0x3], $0xD000, $0x38;
	[tilespmem:$0x1D400] =	vst v63  }
0x2ab: {  	v2 =	vld [tilespmem:s29+$0x2080];
	_ =	sdelay $0x4  }
0x2ac: {  	(v2sf) =	vpush v2, $0x0  }
0x2ad: {  	(v2sf) =	vpush v2, $0x1;
	_ =	sdelay $0x1  }
0x2ae: {  	(v2sf) =	vpush v2, $0x2;
	_ =	sdelay $0x1  }
0x2af: {  	(v2sf) =	vpush v2, $0x7;
	_ =	sdelay $0x2  }
0x2b0: {  	(v2sf) =	vpush v2, $0x3  }
0x2b1: {  	(v2sf) =	vpush v2, $0x4;
	_ =	sdelay $0x1  }
0x2b2: {  	(v2sf) =	vpush v2, $0xC  }
0x2b3: {  	(v2sf) =	vpush v2, $0xD;
	_ =	sdelay $0x2  }
0x2b4: {  	(v2sf) =	vpush v2, $0xE;
	s9 =	spop (v2sf)  }
0x2b5: {  	s5 =	smulhi.u32 $0x431BDA1D, s9;
	s11 =	spop (v2sf)  }
0x2b6: {  	(v2sf) =	vpush v2, $0x8;
	s13 =	sshra.s32 s9, $0x1F;
	s12 =	smulhi.u32 $0x431BDA1D, s11  }
0x2b7: {  	(v2sf) =	vpush v2, $0xF;
	s15 =	spop (v2sf);
	s13 =	smul.u32 $0x431BDA1D, s13  }
0x2b8: {  	s1 =	sshra.s32 s11, $0x1F;
	s16 =	smulhi.u32 $0x431BDA1D, s15  }
0x2b9: {  	(v2sf) =	vpush v2, $0x9;
	s17 =	spop (v2sf);
	s19 =	smul.u32 $0x431BDA1D, s1  }
0x2ba: {  	s20 =	sshra.s32 s15, $0x1F;
	s25 =	smulhi.u32 $0x431BDA1D, s17  }
0x2bb: {  	s6 =	sshra.s32 s17, $0x1F;
	s22 =	smul.u32 $0x431BDA1D, s20  }
0x2bc: {  	s18 =	spop (v2sf);
	s6 =	smul.u32 $0x431BDA1D, s6  }
0x2bd: {  	(v2sf) =	vpush v2, $0xA;
	s3 =	spop (v2sf);
	s14 =	smulhi.u32 $0x431BDA1D, s18  }
0x2be: {  	(v2sf) =	vpush v2, $0x5;
	s8 =	sshra.s32 s18, $0x1F;
	s17 =	sadd.s32 s19, s12;
	s21 =	sshra.s32 s3, $0x1F  }
0x2bf: {  	s23 =	spop (v2sf);
	s4 =	sadd.s32 s22, s16;
	s1 =	smul.u32 $0x431BDA1D, s21  }
0x2c0: {  	s24 =	spop (v2sf);
	s22 =	sshra.s32 s4, $0x12;
	s19 =	smulhi.u32 $0x431BDA1D, s23  }
0x2c1: {  	s0 =	sshrl.u32 s4, $0x1F;
	s20 =	sshra.s32 s4, $0x1F;
	s4 =	smul.u32 $0x431BDA1D, s8  }
0x2c2: {  	s26 =	sshra.s32 s23, $0x1F;
	s15 =	smulhi.u32 $0x431BDA1D, s24  }
0x2c3: {  	(v2sf) =	vpush v2, $0xB;
	s31 =	sadd.s32 s6, s25;
	s7 =	spop (v2sf);
	s9 =	smul.u32 $0x431BDA1D, s26  }
0x2c4: {  	(v2sf) =	vpush v2, $0x6;
	s6 =	sshra.s32 s17, $0x12;
	s16 =	sshra.s32 s24, $0x1F;
	s24 =	smulhi.u32 $0x431BDA1D, s7  }
0x2c5: {  	s18 =	spop (v2sf);
	s21 =	sshra.s32 s7, $0x1F;
	s26 =	smul.u32 $0x431BDA1D, s16  }
0x2c6: {  	s14 =	sadd.s32 s4, s14;
	s23 =	spop (v2sf);
	s11 =	sadd.s32 s9, s19  }
0x2c7: {  	s4 =	sshrl.u32 s14, $0x1F;
	s12 =	sshra.s32 s23, $0x1F;
	s10 =	smulhi.u32 $0x431BDA1D, s23  }
0x2c8: {  	s15 =	sadd.s32 s26, s15;
	s2 =	smul.u32 $0x431BDA1D, s12;
	s7 =	spop (v2sf)  }
0x2c9: {  	s30 =	sshrl.u32 s11, $0x1F;
	s8 =	sshra.s32 s15, $0x12;
	s16 =	smulhi.u32 $0x431BDA1D, s7  }
0x2ca: {  	s19 =	sshra.s32 s7, $0x1F;
	s7 =	sshra.s32 s11, $0x12;
	s11 =	smulhi.u32 $0x431BDA1D, s3  }
0x2cb: {  	[dreg:$0x1b] =	wrdreg s8;
	s3 =	sshrl.u32 s15, $0x1F;
	s15 =	smulhi.u32 $0x431BDA1D, s18  }
0x2cc: {  	v4 =	vmov s30;
	s30 =	simm.s32 $0x40;
	s23 =	spop (v2sf);
	s9 =	smul.u32 $0x431BDA1D, s19  }
0x2cd: {  	s26 =	spop (v2sf);
	s28 =	sshra.s32 s23, $0x1F;
	s23 =	smulhi.u32 $0x431BDA1D, s23  }
0x2ce: {  	s8 =	sshra.s32 s14, $0x12;
	s19 =	sadd.s32 s13, s5;
	s12 =	smulhi.u32 $0x431BDA1D, s26  }
0x2cf: {  	s5 =	sshra.s32 s14, $0x1F;
	s13 =	sshra.s32 s18, $0x1F;
	s25 =	smul.u32 $0x431BDA1D, s28  }
0x2d0: {  	s18 =	sshra.s32 s17, $0x1F;
	s28 =	smul.u32 $0x431BDA1D, s21;
	s21 =	sshra.s32 s31, $0x1F  }
0x2d1: {  	v3 =	vmov s7;
	s7 =	sshra.s32 s19, $0x12;
	s9 =	sadd.s32 s9, s16;
	s16 =	sshra.s32 s26, $0x1F  }
0x2d2: {  	s26 =	sshrl.u32 s17, $0x1F;
	v5 =	vmov s21;
	s21 =	spop (v2sf);
	s17 =	rddreg [dreg:$0x1b]  }
0x2d3: {  	v4 =	vsel vm0, s3, v4;
	s3 =	sshra.s32 s19, $0x1F;
	v3 =	vsel vm0, s17, v3;
	v5 =	vsel vm3, s7, v5;
	s7 =	smulhi.u32 $0x431BDA1D, s21;
	s14 =	spop (v2sf)  }
.LBB2_12:
0x2d4: {  	s17 =	sshrl.u32 s9, $0x1F  }
0x2d5: {  	s13 =	smul.u32 $0x431BDA1D, s13;
	s21 =	sshra.s32 s21, $0x1F;
	v5 =	vsel vm9, s3, v5;
	s2 =	sadd.s32 s2, s10  }
0x2d6: {  	s10 =	sshrl.u32 s19, $0x1F;
	s16 =	smul.u32 $0x431BDA1D, s16;
	s19 =	sshra.s32 s14, $0x1F;
	v5 =	vsel vm0, s6, v5  }
0x2d7: {  	s6 =	sadd.s32 s28, s24;
	v6 =	vmov s10;
	s1 =	sadd.s32 s1, s11;
	s3 =	sshrl.u32 s2, $0x1F;
	v5 =	vsel vm10, s18, v5  }
0x2d8: {  	s2 =	sshra.s32 s2, $0x12;
	v6 =	vnsel vm3, $0x0, v6;
	s24 =	sshrl.u32 s6, $0x1F;
	s6 =	sshra.s32 s6, $0x12;
	v5 =	vsel vm1, s22, v5  }
0x2d9: {  	s13 =	sadd.s32 s13, s15;
	s10 =	sadd.s32 s16, s12;
	s18 =	smul.u32 $0x431BDA1D, s19;
	v6 =	vsel vm0, s26, v6;
	v4 =	vsel vm1, s24, v4;
	v3 =	vsel vm1, s6, v3  }
0x2da: {  	s19 =	smulhi.u32 $0x431BDA1D, s14;
	s26 =	sshrl.u32 s13, $0x1F;
	s16 =	sshra.s32 s13, $0x12;
	v5 =	vsel vm11, s20, v5;
	v6 =	vsel vm1, s0, v6;
	v4 =	vsel vm2, s3, v4  }
0x2db: {  	s11 =	sshrl.u32 s1, $0x1F;
	s15 =	sadd.s32 s25, s23;
	s22 =	smul.u32 $0x431BDA1D, s21;
	v7 =	vmov s26;
	v8 =	vmov s16;
	v5 =	vsel vm2, s8, v5  }
0x2dc: {  	s24 =	sshrl.u32 s10, $0x1F;
	s14 =	sshra.s32 s10, $0x12;
	s20 =	sshra.s32 s1, $0x12;
	v3 =	vsel vm2, s2, v3;
	v6 =	vsel vm2, s4, v6;
	v5 =	vsel vm12, s5, v5  }
0x2dd: {  	s1 =	sshra.s32 s1, $0x1F;
	s0 =	sadd.s32 s18, s19;
	s18 =	sshrl.u32 s15, $0x1F;
	v7 =	vsel vm0, s17, v7;
	v6 =	vsel vm4, s11, v6;
	v5 =	vsel vm4, s20, v5  }
0x2de: {  	s17 =	sadd.s32 s22, s7;
	s21 =	sshrl.u32 s0, $0x1F;
	s11 =	sshra.s32 s9, $0x12;
	v7 =	vsel vm1, s18, v7;
	v6 =	vsel vm5, s24, v6;
	v5 =	vsel vm13, s1, v5  }
0x2df: {  	s5 =	sshra.s32 s15, $0x12;
	s20 =	sshra.s32 s10, $0x1F;
	v8 =	vsel vm0, s11, v8;
	s1 =	sshrl.u32 s17, $0x1F;
	v6 =	vsel vm6, s21, v6;
	v5 =	vsel vm5, s14, v5  }
0x2e0: {  	s22 =	sshra.s32 s0, $0x12;
	s19 =	sshra.s32 s17, $0x12;
	v8 =	vsel vm1, s5, v8;
	v7 =	vsel vm2, s1, v7;
	v5 =	vsel vm14, s20, v5  }
0x2e1: {  	s23 =	sshrl.u32 s31, $0x1F;
	s0 =	sshra.s32 s0, $0x1F;
	v8 =	vsel vm2, s19, v8;
	v4 =	vcombine.low v7, v4;
	v5 =	vsel vm6, s22, v5  }
0x2e2: {  	s24 =	sshra.s32 s31, $0x12;
	v6 =	vsel vm7, s23, v6;
	v3 =	vcombine.low v8, v3;
	v5 =	vsel vm15, s0, v5  }
0x2e3: {  	v6 =	vperm.xlane v6, v1;
	v4 =	vperm.xlane v4, v0;
	v5 =	vsel vm7, s24, v5  }
0x2e4: {  	v3 =	vperm.xlane v3, v0;
	v5 =	vperm.xlane v5, v1;
	_ =	sdelay $0x1  }
0x2e5: {  	v4 =	vsel vm8, v6, v4;
	v3 =	vsel vm8, v5, v3  }
0x2e6: {  	v3 =	vadd.s32 v4, v3  }
0x2e7: {  	v3 =	vmul.u32 $0xF4241, v3;
	_ =	sdelay $0x1  }
0x2e8: {  	s25 =	smov.u32 s30;
	v2 =	vsub.s32 v2, v3  }
0x2e9: {  	s26 =	sshra.s32 s25, $0x2;
	[tilespmem:s29+$0x2080] =	vst v2  }
0x2ea: {  	v2 =	vld [tilespmem:s26+$0x2080];
	_ =	sdelay $0x4  }
0x2eb: {  	(v2sf) =	vpush v2, $0x0  }
0x2ec: {  	(v2sf) =	vpush v2, $0x1  }
0x2ed: {  	(v2sf) =	vpush v2, $0x2;
	_ =	sdelay $0x1  }
0x2ee: {  	(v2sf) =	vpush v2, $0x7;
	_ =	sdelay $0x1  }
0x2ef: {  	(v2sf) =	vpush v2, $0x3  }
0x2f0: {  	(v2sf) =	vpush v2, $0x4;
	_ =	sdelay $0x2  }
0x2f1: {  	(v2sf) =	vpush v2, $0xC  }
0x2f2: {  	(v2sf) =	vpush v2, $0xD;
	_ =	sdelay $0x2  }
0x2f3: {  	(v2sf) =	vpush v2, $0xE  }
0x2f4: {  	s1 =	spop (v2sf)  }
0x2f5: {  	(v2sf) =	vpush v2, $0x8;
	s7 =	smulhi.u32 $0x431BDA1D, s1;
	s2 =	spop (v2sf)  }
0x2f6: {  	s3 =	smulhi.u32 $0x431BDA1D, s2;
	s4 =	spop (v2sf)  }
0x2f7: {  	p0 =	sne.s32 s30, $0x19C0;
	(v2sf) =	vpush v2, $0xF;
	s0 =	sshra.s32 s2, $0x1F;
	s5 =	smulhi.u32 $0x431BDA1D, s4  }
0x2f8: {  	s30 =	sadd.s32 $0x40, s30;
	(v2sf) =	vpush v2, $0x9;
	s6 =	spop (v2sf);
	s0 =	smul.u32 $0x431BDA1D, s0  }
0x2f9: {  	[dreg:$0x8] =	wrdreg s26;
	s2 =	sshra.s32 s4, $0x1F;
	s25 =	smulhi.u32 $0x431BDA1D, s6  }
0x2fa: {  	s4 =	sshra.s32 s6, $0x1F;
	s8 =	spop (v2sf);
	s13 =	smul.u32 $0x431BDA1D, s2  }
0x2fb: {  	s9 =	sshra.s32 s8, $0x1F;
	s11 =	spop (v2sf);
	s31 =	smul.u32 $0x431BDA1D, s4  }
0x2fc: {  	s14 =	sadd.s32 s0, s3;
	s3 =	sadd.s32 s13, s5;
	s5 =	smulhi.u32 $0x431BDA1D, s8  }
0x2fd: {  	s21 =	sshra.s32 s1, $0x1F;
	s12 =	sshra.s32 s11, $0x1F;
	s8 =	smul.u32 $0x431BDA1D, s9  }
0x2fe: {  	(v2sf) =	vpush v2, $0xA;
	s15 =	spop (v2sf);
	s6 =	sshra.s32 s14, $0x12;
	s11 =	smulhi.u32 $0x431BDA1D, s11  }
0x2ff: {  	s26 =	sshrl.u32 s14, $0x1F;
	s1 =	smul.u32 $0x431BDA1D, s12;
	s16 =	spop (v2sf)  }
0x300: {  	(v2sf) =	vpush v2, $0x5;
	s17 =	sshra.s32 s15, $0x1F;
	s22 =	sshra.s32 s3, $0x12;
	s2 =	smulhi.u32 $0x431BDA1D, s15  }
0x301: {  	(v2sf) =	vpush v2, $0xB;
	s0 =	sshrl.u32 s3, $0x1F;
	s20 =	sshra.s32 s3, $0x1F;
	s12 =	smulhi.u32 $0x431BDA1D, s16  }
0x302: {  	s31 =	sadd.s32 s31, s25;
	s18 =	spop (v2sf);
	s10 =	smul.u32 $0x431BDA1D, s17;
	(v2sf) =	vpush v2, $0x6  }
0x303: {  	s4 =	sshra.s32 s16, $0x1F;
	s5 =	sadd.s32 s8, s5;
	s24 =	smulhi.u32 $0x431BDA1D, s18  }
0x304: {  	s3 =	sshra.s32 s18, $0x1F;
	s15 =	spop (v2sf);
	s4 =	smul.u32 $0x431BDA1D, s4  }
0x305: {  	s8 =	sshra.s32 s5, $0x12;
	s13 =	sshra.s32 s15, $0x1F;
	s15 =	smulhi.u32 $0x431BDA1D, s15  }
0x306: {  	s19 =	spop (v2sf);
	s2 =	sadd.s32 s10, s2;
	s28 =	smul.u32 $0x431BDA1D, s3  }
0x307: {  	s17 =	sshra.s32 s19, $0x1F;
	s23 =	spop (v2sf);
	s10 =	smulhi.u32 $0x431BDA1D, s19  }
0x308: {  	s9 =	sshrl.u32 s2, $0x1F;
	s2 =	sshra.s32 s2, $0x12;
	s29 =	smulhi.u32 $0x431BDA1D, s23  }
0x309: {  	s12 =	sadd.s32 s4, s12;
	s16 =	sshra.s32 s23, $0x1F;
	v3 =	vmov s2;
	s2 =	smul.u32 $0x431BDA1D, s17  }
0x30a: {  	v4 =	vmov s9;
	s4 =	sshra.s32 s12, $0x12;
	s19 =	sshrl.u32 s12, $0x1F;
	s9 =	smul.u32 $0x431BDA1D, s16  }
0x30b: {  	s18 =	sshra.s32 s14, $0x1F;
	v3 =	vsel vm0, s4, v3;
	s4 =	sshrl.u32 s5, $0x1F;
	v4 =	vsel vm0, s19, v4;
	s19 =	smul.u32 $0x431BDA1D, s21  }
0x30c: {  	s5 =	sshra.s32 s5, $0x1F;
	s9 =	sadd.s32 s9, s29;
	s29 =	rddreg [dreg:$0x8]  }
.Ltmp5:
0x30d: {  	s19 =	sadd.s32 s19, s7;
	s23 =	spop (v2sf);
	(pc) =	sbr.rel @p0 .LBB2_12-.Ltmp5, $4  }
0x30e: {  	s3 =	sshra.s32 s19, $0x1F;
	s17 =	sshra.s32 s23, $0x1F;
	s23 =	smulhi.u32 $0x431BDA1D, s23  }
0x30f: {  	s25 =	smul.u32 $0x431BDA1D, s17;
	s17 =	sshra.s32 s31, $0x1F;
	s16 =	spop (v2sf)  }
0x310: {  	v5 =	vmov s17;
	s17 =	sshra.s32 s19, $0x12;
	s12 =	smulhi.u32 $0x431BDA1D, s16;
	s21 =	spop (v2sf)  }
0x311: {  	s16 =	sshra.s32 s16, $0x1F;
	v5 =	vsel vm3, s17, v5;
	s7 =	smulhi.u32 $0x431BDA1D, s21;
	s14 =	spop (v2sf)  }
0x312: {  	s2 =	sadd.s32 s2, s10  }
0x313: {  	v5 =	vsel vm9, s3, v5;
	s3 =	sadd.s32 s28, s24;
	s24 =	smul.u32 $0x431BDA1D, s13;
	s19 =	sshrl.u32 s19, $0x1F  }
0x314: {  	s17 =	sshra.s32 s21, $0x1F;
	s16 =	smul.u32 $0x431BDA1D, s16;
	s1 =	sadd.s32 s1, s11  }
0x315: {  	s21 =	sshra.s32 s14, $0x1F;
	v5 =	vsel vm0, s6, v5;
	s6 =	sshrl.u32 s9, $0x1F;
	v6 =	vmov s19;
	s19 =	sshrl.u32 s3, $0x1F  }
0x316: {  	s11 =	smul.u32 $0x431BDA1D, s21;
	s3 =	sshra.s32 s3, $0x12;
	s21 =	sshra.s32 s1, $0x12;
	v5 =	vsel vm10, s18, v5;
	v6 =	vnsel vm3, $0x0, v6;
	v4 =	vsel vm1, s19, v4  }
0x317: {  	s10 =	sadd.s32 s24, s15;
	s24 =	sshrl.u32 s2, $0x1F;
	v3 =	vsel vm1, s3, v3;
	s2 =	sshra.s32 s2, $0x12;
	v5 =	vsel vm1, s22, v5;
	v6 =	vsel vm0, s26, v6  }
0x318: {  	s9 =	sshra.s32 s9, $0x12;
	s15 =	sshrl.u32 s1, $0x1F;
	v4 =	vsel vm2, s24, v4;
	s26 =	sshrl.u32 s10, $0x1F;
	v3 =	vsel vm2, s2, v3;
	v5 =	vsel vm11, s20, v5  }
0x319: {  	s12 =	sadd.s32 s16, s12;
	s16 =	sadd.s32 s25, s23;
	s22 =	smul.u32 $0x431BDA1D, s17;
	v6 =	vsel vm1, s0, v6;
	v7 =	vmov s26;
	v5 =	vsel vm2, s8, v5  }
0x31a: {  	s1 =	sshra.s32 s1, $0x1F;
	s18 =	sshrl.u32 s16, $0x1F;
	s20 =	smulhi.u32 $0x431BDA1D, s14;
	v6 =	vsel vm2, s4, v6;
	v7 =	vsel vm0, s6, v7;
	v5 =	vsel vm12, s5, v5  }
0x31b: {  	s24 =	sshrl.u32 s12, $0x1F;
	s17 =	sadd.s32 s22, s7;
	v6 =	vsel vm4, s15, v6;
	s15 =	sshra.s32 s10, $0x12;
	v7 =	vsel vm1, s18, v7;
	v5 =	vsel vm4, s21, v5  }
0x31c: {  	s13 =	sshra.s32 s12, $0x12;
	s0 =	sadd.s32 s11, s20;
	s22 =	sshrl.u32 s17, $0x1F;
	v8 =	vmov s15;
	v6 =	vsel vm5, s24, v6;
	v5 =	vsel vm13, s1, v5  }
0x31d: {  	s19 =	sshra.s32 s12, $0x1F;
	s20 =	sshra.s32 s16, $0x12;
	s21 =	sshra.s32 s0, $0x12;
	v7 =	vsel vm2, s22, v7;
	v8 =	vsel vm0, s9, v8;
	v5 =	vsel vm5, s13, v5  }
0x31e: {  	s23 =	sshra.s32 s0, $0x1F;
	s0 =	sshrl.u32 s0, $0x1F;
	s1 =	sshra.s32 s17, $0x12;
	v4 =	vcombine.low v7, v4;
	v8 =	vsel vm1, s20, v8;
	v5 =	vsel vm14, s19, v5  }
0x31f: {  	s25 =	sshrl.u32 s31, $0x1F;
	v6 =	vsel vm6, s0, v6;
	v8 =	vsel vm2, s1, v8;
	v5 =	vsel vm6, s21, v5  }
0x320: {  	s24 =	sshra.s32 s31, $0x12;
	v6 =	vsel vm7, s25, v6;
	v3 =	vcombine.low v8, v3;
	v5 =	vsel vm15, s23, v5  }
0x321: {  	v4 =	vperm.xlane v4, v0;
	v6 =	vperm.xlane v6, v1;
	v5 =	vsel vm7, s24, v5  }
0x322: {  	v3 =	vperm.xlane v3, v0;
	v5 =	vperm.xlane v5, v1;
	_ =	sdelay $0x1  }
0x323: {  	v4 =	vsel vm8, v6, v4;
	v3 =	vsel vm8, v5, v3  }
0x324: {  	v3 =	vadd.s32 v4, v3  }
0x325: {  	v3 =	vmul.u32 $0xF4241, v3;
	_ =	sdelay $0x1  }
0x326: {  	v2 =	vsub.s32 v2, v3  }
0x327: {  	s26 =	simm.s32 $0x1;
	[tilespmem:s29+$0x2080] =	vst v2  }
0x328: {  	_ =	swait.ge [sflag:s26], $0xD000  }
0x329: {  	[sflag:s26] =	ssyncset.done $0x0  }
0x32a: {  	s1 =	simm.s32 $0x3;
	[sflag:s26] =	ssyncadd.s32 $0xFFFF3000  }
0x32b: {  	s3 =	simm.s32 $0x680;
	_ =	swait.ge [sflag:s1], $0xD000  }
0x32c: {  	s4 =	simm.s32 $0x10400;
	s6 =	simm.s32 $0x0;
	[sflag:s1] =	ssyncset.done $0x0  }
0x32d: {  	s5 =	simm.s32 $0x2080;
	s2 =	rddreg [dreg:$0xb];
	[sflag:s1] =	ssyncadd.s32 $0xFFFF3000  }
0x32e: {  	[tilespmem:s4], [sflag:$0x1] =	stream.indirect.gather [hbm4b:s2+s3], $0x20, s5, s3, $0xb8;
	[tilespmem:$0x1D400] =	vst v63  }
0x32f: {  	s8 =	simm.s32 $0x3400;
	s29 =	simm.s32 $0x0;
	s7 =	rddreg [dreg:$0x11]  }
0x330: {  	[hbm4b:s7+s6] =	stream.linear.scatter [tilespmem:s8], [sflag:$0x2], $0xD000, $0x38;
	[tilespmem:$0x1D400] =	vst v63  }
0x331: {  	v2 =	vld [tilespmem:s29+$0x2700];
	_ =	sdelay $0x4  }
0x332: {  	(v2sf) =	vpush v2, $0x0  }
0x333: {  	(v2sf) =	vpush v2, $0x1;
	_ =	sdelay $0x1  }
0x334: {  	(v2sf) =	vpush v2, $0x2;
	_ =	sdelay $0x1  }
0x335: {  	(v2sf) =	vpush v2, $0x7;
	_ =	sdelay $0x2  }
0x336: {  	(v2sf) =	vpush v2, $0x3  }
0x337: {  	(v2sf) =	vpush v2, $0x4;
	_ =	sdelay $0x1  }
0x338: {  	(v2sf) =	vpush v2, $0xC  }
0x339: {  	(v2sf) =	vpush v2, $0xD;
	_ =	sdelay $0x2  }
0x33a: {  	(v2sf) =	vpush v2, $0xE;
	s9 =	spop (v2sf)  }
0x33b: {  	s5 =	smulhi.u32 $0x431BDA1D, s9;
	s11 =	spop (v2sf)  }
0x33c: {  	(v2sf) =	vpush v2, $0x8;
	s13 =	sshra.s32 s9, $0x1F;
	s12 =	smulhi.u32 $0x431BDA1D, s11  }
0x33d: {  	(v2sf) =	vpush v2, $0xF;
	s15 =	spop (v2sf);
	s13 =	smul.u32 $0x431BDA1D, s13  }
0x33e: {  	s1 =	sshra.s32 s11, $0x1F;
	s16 =	smulhi.u32 $0x431BDA1D, s15  }
0x33f: {  	(v2sf) =	vpush v2, $0x9;
	s17 =	spop (v2sf);
	s19 =	smul.u32 $0x431BDA1D, s1  }
0x340: {  	s20 =	sshra.s32 s15, $0x1F;
	s25 =	smulhi.u32 $0x431BDA1D, s17  }
0x341: {  	s6 =	sshra.s32 s17, $0x1F;
	s22 =	smul.u32 $0x431BDA1D, s20  }
0x342: {  	s18 =	spop (v2sf);
	s6 =	smul.u32 $0x431BDA1D, s6  }
0x343: {  	(v2sf) =	vpush v2, $0xA;
	s3 =	spop (v2sf);
	s14 =	smulhi.u32 $0x431BDA1D, s18  }
0x344: {  	(v2sf) =	vpush v2, $0x5;
	s8 =	sshra.s32 s18, $0x1F;
	s17 =	sadd.s32 s19, s12;
	s21 =	sshra.s32 s3, $0x1F  }
0x345: {  	s23 =	spop (v2sf);
	s4 =	sadd.s32 s22, s16;
	s1 =	smul.u32 $0x431BDA1D, s21  }
0x346: {  	s24 =	spop (v2sf);
	s22 =	sshra.s32 s4, $0x12;
	s19 =	smulhi.u32 $0x431BDA1D, s23  }
0x347: {  	s0 =	sshrl.u32 s4, $0x1F;
	s20 =	sshra.s32 s4, $0x1F;
	s4 =	smul.u32 $0x431BDA1D, s8  }
0x348: {  	s26 =	sshra.s32 s23, $0x1F;
	s15 =	smulhi.u32 $0x431BDA1D, s24  }
0x349: {  	(v2sf) =	vpush v2, $0xB;
	s31 =	sadd.s32 s6, s25;
	s7 =	spop (v2sf);
	s9 =	smul.u32 $0x431BDA1D, s26  }
0x34a: {  	(v2sf) =	vpush v2, $0x6;
	s6 =	sshra.s32 s17, $0x12;
	s16 =	sshra.s32 s24, $0x1F;
	s24 =	smulhi.u32 $0x431BDA1D, s7  }
0x34b: {  	s18 =	spop (v2sf);
	s21 =	sshra.s32 s7, $0x1F;
	s26 =	smul.u32 $0x431BDA1D, s16  }
0x34c: {  	s14 =	sadd.s32 s4, s14;
	s23 =	spop (v2sf);
	s11 =	sadd.s32 s9, s19  }
0x34d: {  	s4 =	sshrl.u32 s14, $0x1F;
	s12 =	sshra.s32 s23, $0x1F;
	s10 =	smulhi.u32 $0x431BDA1D, s23  }
0x34e: {  	s15 =	sadd.s32 s26, s15;
	s2 =	smul.u32 $0x431BDA1D, s12;
	s7 =	spop (v2sf)  }
0x34f: {  	s30 =	sshrl.u32 s11, $0x1F;
	s8 =	sshra.s32 s15, $0x12;
	s16 =	smulhi.u32 $0x431BDA1D, s7  }
0x350: {  	s19 =	sshra.s32 s7, $0x1F;
	s7 =	sshra.s32 s11, $0x12;
	s11 =	smulhi.u32 $0x431BDA1D, s3  }
0x351: {  	[dreg:$0x1c] =	wrdreg s8;
	s3 =	sshrl.u32 s15, $0x1F;
	s15 =	smulhi.u32 $0x431BDA1D, s18  }
0x352: {  	v4 =	vmov s30;
	s30 =	simm.s32 $0x40;
	s23 =	spop (v2sf);
	s9 =	smul.u32 $0x431BDA1D, s19  }
0x353: {  	s26 =	spop (v2sf);
	s28 =	sshra.s32 s23, $0x1F;
	s23 =	smulhi.u32 $0x431BDA1D, s23  }
0x354: {  	s8 =	sshra.s32 s14, $0x12;
	s19 =	sadd.s32 s13, s5;
	s12 =	smulhi.u32 $0x431BDA1D, s26  }
0x355: {  	s5 =	sshra.s32 s14, $0x1F;
	s13 =	sshra.s32 s18, $0x1F;
	s25 =	smul.u32 $0x431BDA1D, s28  }
0x356: {  	s18 =	sshra.s32 s17, $0x1F;
	s28 =	smul.u32 $0x431BDA1D, s21;
	s21 =	sshra.s32 s31, $0x1F  }
0x357: {  	v3 =	vmov s7;
	s7 =	sshra.s32 s19, $0x12;
	s9 =	sadd.s32 s9, s16;
	s16 =	sshra.s32 s26, $0x1F  }
0x358: {  	s26 =	sshrl.u32 s17, $0x1F;
	v5 =	vmov s21;
	s21 =	spop (v2sf);
	s17 =	rddreg [dreg:$0x1c]  }
0x359: {  	v4 =	vsel vm0, s3, v4;
	s3 =	sshra.s32 s19, $0x1F;
	v3 =	vsel vm0, s17, v3;
	v5 =	vsel vm3, s7, v5;
	s7 =	smulhi.u32 $0x431BDA1D, s21;
	s14 =	spop (v2sf)  }
.LBB2_14:
0x35a: {  	s17 =	sshrl.u32 s9, $0x1F  }
0x35b: {  	s13 =	smul.u32 $0x431BDA1D, s13;
	s21 =	sshra.s32 s21, $0x1F;
	v5 =	vsel vm9, s3, v5;
	s2 =	sadd.s32 s2, s10  }
0x35c: {  	s10 =	sshrl.u32 s19, $0x1F;
	s16 =	smul.u32 $0x431BDA1D, s16;
	s19 =	sshra.s32 s14, $0x1F;
	v5 =	vsel vm0, s6, v5  }
0x35d: {  	s6 =	sadd.s32 s28, s24;
	v6 =	vmov s10;
	s1 =	sadd.s32 s1, s11;
	s3 =	sshrl.u32 s2, $0x1F;
	v5 =	vsel vm10, s18, v5  }
0x35e: {  	s2 =	sshra.s32 s2, $0x12;
	v6 =	vnsel vm3, $0x0, v6;
	s24 =	sshrl.u32 s6, $0x1F;
	s6 =	sshra.s32 s6, $0x12;
	v5 =	vsel vm1, s22, v5  }
0x35f: {  	s13 =	sadd.s32 s13, s15;
	s10 =	sadd.s32 s16, s12;
	s18 =	smul.u32 $0x431BDA1D, s19;
	v6 =	vsel vm0, s26, v6;
	v4 =	vsel vm1, s24, v4;
	v3 =	vsel vm1, s6, v3  }
0x360: {  	s19 =	smulhi.u32 $0x431BDA1D, s14;
	s26 =	sshrl.u32 s13, $0x1F;
	s16 =	sshra.s32 s13, $0x12;
	v5 =	vsel vm11, s20, v5;
	v6 =	vsel vm1, s0, v6;
	v4 =	vsel vm2, s3, v4  }
0x361: {  	s11 =	sshrl.u32 s1, $0x1F;
	s15 =	sadd.s32 s25, s23;
	s22 =	smul.u32 $0x431BDA1D, s21;
	v7 =	vmov s26;
	v8 =	vmov s16;
	v5 =	vsel vm2, s8, v5  }
0x362: {  	s24 =	sshrl.u32 s10, $0x1F;
	s14 =	sshra.s32 s10, $0x12;
	s20 =	sshra.s32 s1, $0x12;
	v3 =	vsel vm2, s2, v3;
	v6 =	vsel vm2, s4, v6;
	v5 =	vsel vm12, s5, v5  }
0x363: {  	s1 =	sshra.s32 s1, $0x1F;
	s0 =	sadd.s32 s18, s19;
	s18 =	sshrl.u32 s15, $0x1F;
	v7 =	vsel vm0, s17, v7;
	v6 =	vsel vm4, s11, v6;
	v5 =	vsel vm4, s20, v5  }
0x364: {  	s17 =	sadd.s32 s22, s7;
	s21 =	sshrl.u32 s0, $0x1F;
	s11 =	sshra.s32 s9, $0x12;
	v7 =	vsel vm1, s18, v7;
	v6 =	vsel vm5, s24, v6;
	v5 =	vsel vm13, s1, v5  }
0x365: {  	s5 =	sshra.s32 s15, $0x12;
	s20 =	sshra.s32 s10, $0x1F;
	v8 =	vsel vm0, s11, v8;
	s1 =	sshrl.u32 s17, $0x1F;
	v6 =	vsel vm6, s21, v6;
	v5 =	vsel vm5, s14, v5  }
0x366: {  	s22 =	sshra.s32 s0, $0x12;
	s19 =	sshra.s32 s17, $0x12;
	v8 =	vsel vm1, s5, v8;
	v7 =	vsel vm2, s1, v7;
	v5 =	vsel vm14, s20, v5  }
0x367: {  	s23 =	sshrl.u32 s31, $0x1F;
	s0 =	sshra.s32 s0, $0x1F;
	v8 =	vsel vm2, s19, v8;
	v4 =	vcombine.low v7, v4;
	v5 =	vsel vm6, s22, v5  }
0x368: {  	s24 =	sshra.s32 s31, $0x12;
	v6 =	vsel vm7, s23, v6;
	v3 =	vcombine.low v8, v3;
	v5 =	vsel vm15, s0, v5  }
0x369: {  	v6 =	vperm.xlane v6, v1;
	v4 =	vperm.xlane v4, v0;
	v5 =	vsel vm7, s24, v5  }
0x36a: {  	v3 =	vperm.xlane v3, v0;
	v5 =	vperm.xlane v5, v1;
	_ =	sdelay $0x1  }
0x36b: {  	v4 =	vsel vm8, v6, v4;
	v3 =	vsel vm8, v5, v3  }
0x36c: {  	v3 =	vadd.s32 v4, v3  }
0x36d: {  	v3 =	vmul.u32 $0xF4241, v3;
	_ =	sdelay $0x1  }
0x36e: {  	s25 =	smov.u32 s30;
	v2 =	vsub.s32 v2, v3  }
0x36f: {  	s26 =	sshra.s32 s25, $0x2;
	[tilespmem:s29+$0x2700] =	vst v2  }
0x370: {  	v2 =	vld [tilespmem:s26+$0x2700];
	_ =	sdelay $0x4  }
0x371: {  	(v2sf) =	vpush v2, $0x0  }
0x372: {  	(v2sf) =	vpush v2, $0x1  }
0x373: {  	(v2sf) =	vpush v2, $0x2;
	_ =	sdelay $0x1  }
0x374: {  	(v2sf) =	vpush v2, $0x7;
	_ =	sdelay $0x1  }
0x375: {  	(v2sf) =	vpush v2, $0x3  }
0x376: {  	(v2sf) =	vpush v2, $0x4;
	_ =	sdelay $0x2  }
0x377: {  	(v2sf) =	vpush v2, $0xC  }
0x378: {  	(v2sf) =	vpush v2, $0xD;
	_ =	sdelay $0x2  }
0x379: {  	(v2sf) =	vpush v2, $0xE  }
0x37a: {  	s1 =	spop (v2sf)  }
0x37b: {  	(v2sf) =	vpush v2, $0x8;
	s7 =	smulhi.u32 $0x431BDA1D, s1;
	s2 =	spop (v2sf)  }
0x37c: {  	s3 =	smulhi.u32 $0x431BDA1D, s2;
	s4 =	spop (v2sf)  }
0x37d: {  	p0 =	sne.s32 s30, $0x19C0;
	(v2sf) =	vpush v2, $0xF;
	s0 =	sshra.s32 s2, $0x1F;
	s5 =	smulhi.u32 $0x431BDA1D, s4  }
0x37e: {  	s30 =	sadd.s32 $0x40, s30;
	(v2sf) =	vpush v2, $0x9;
	s6 =	spop (v2sf);
	s0 =	smul.u32 $0x431BDA1D, s0  }
0x37f: {  	[dreg:$0x9] =	wrdreg s26;
	s2 =	sshra.s32 s4, $0x1F;
	s25 =	smulhi.u32 $0x431BDA1D, s6  }
0x380: {  	s4 =	sshra.s32 s6, $0x1F;
	s8 =	spop (v2sf);
	s13 =	smul.u32 $0x431BDA1D, s2  }
0x381: {  	s9 =	sshra.s32 s8, $0x1F;
	s11 =	spop (v2sf);
	s31 =	smul.u32 $0x431BDA1D, s4  }
0x382: {  	s14 =	sadd.s32 s0, s3;
	s3 =	sadd.s32 s13, s5;
	s5 =	smulhi.u32 $0x431BDA1D, s8  }
0x383: {  	s21 =	sshra.s32 s1, $0x1F;
	s12 =	sshra.s32 s11, $0x1F;
	s8 =	smul.u32 $0x431BDA1D, s9  }
0x384: {  	(v2sf) =	vpush v2, $0xA;
	s15 =	spop (v2sf);
	s6 =	sshra.s32 s14, $0x12;
	s11 =	smulhi.u32 $0x431BDA1D, s11  }
0x385: {  	s26 =	sshrl.u32 s14, $0x1F;
	s1 =	smul.u32 $0x431BDA1D, s12;
	s16 =	spop (v2sf)  }
0x386: {  	(v2sf) =	vpush v2, $0x5;
	s17 =	sshra.s32 s15, $0x1F;
	s22 =	sshra.s32 s3, $0x12;
	s2 =	smulhi.u32 $0x431BDA1D, s15  }
0x387: {  	(v2sf) =	vpush v2, $0xB;
	s0 =	sshrl.u32 s3, $0x1F;
	s20 =	sshra.s32 s3, $0x1F;
	s12 =	smulhi.u32 $0x431BDA1D, s16  }
0x388: {  	s31 =	sadd.s32 s31, s25;
	s18 =	spop (v2sf);
	s10 =	smul.u32 $0x431BDA1D, s17;
	(v2sf) =	vpush v2, $0x6  }
0x389: {  	s4 =	sshra.s32 s16, $0x1F;
	s5 =	sadd.s32 s8, s5;
	s24 =	smulhi.u32 $0x431BDA1D, s18  }
0x38a: {  	s3 =	sshra.s32 s18, $0x1F;
	s15 =	spop (v2sf);
	s4 =	smul.u32 $0x431BDA1D, s4  }
0x38b: {  	s8 =	sshra.s32 s5, $0x12;
	s13 =	sshra.s32 s15, $0x1F;
	s15 =	smulhi.u32 $0x431BDA1D, s15  }
0x38c: {  	s19 =	spop (v2sf);
	s2 =	sadd.s32 s10, s2;
	s28 =	smul.u32 $0x431BDA1D, s3  }
0x38d: {  	s17 =	sshra.s32 s19, $0x1F;
	s23 =	spop (v2sf);
	s10 =	smulhi.u32 $0x431BDA1D, s19  }
0x38e: {  	s9 =	sshrl.u32 s2, $0x1F;
	s2 =	sshra.s32 s2, $0x12;
	s29 =	smulhi.u32 $0x431BDA1D, s23  }
0x38f: {  	s12 =	sadd.s32 s4, s12;
	s16 =	sshra.s32 s23, $0x1F;
	v3 =	vmov s2;
	s2 =	smul.u32 $0x431BDA1D, s17  }
0x390: {  	v4 =	vmov s9;
	s4 =	sshra.s32 s12, $0x12;
	s19 =	sshrl.u32 s12, $0x1F;
	s9 =	smul.u32 $0x431BDA1D, s16  }
0x391: {  	s18 =	sshra.s32 s14, $0x1F;
	v3 =	vsel vm0, s4, v3;
	s4 =	sshrl.u32 s5, $0x1F;
	v4 =	vsel vm0, s19, v4;
	s19 =	smul.u32 $0x431BDA1D, s21  }
0x392: {  	s5 =	sshra.s32 s5, $0x1F;
	s9 =	sadd.s32 s9, s29;
	s29 =	rddreg [dreg:$0x9]  }
.Ltmp6:
0x393: {  	s19 =	sadd.s32 s19, s7;
	s23 =	spop (v2sf);
	(pc) =	sbr.rel @p0 .LBB2_14-.Ltmp6, $4  }
0x394: {  	s3 =	sshra.s32 s19, $0x1F;
	s17 =	sshra.s32 s23, $0x1F;
	s23 =	smulhi.u32 $0x431BDA1D, s23  }
0x395: {  	s25 =	smul.u32 $0x431BDA1D, s17;
	s17 =	sshra.s32 s31, $0x1F;
	s16 =	spop (v2sf)  }
0x396: {  	v5 =	vmov s17;
	s17 =	sshra.s32 s19, $0x12;
	s12 =	smulhi.u32 $0x431BDA1D, s16;
	s21 =	spop (v2sf)  }
0x397: {  	s16 =	sshra.s32 s16, $0x1F;
	v5 =	vsel vm3, s17, v5;
	s7 =	smulhi.u32 $0x431BDA1D, s21;
	s14 =	spop (v2sf)  }
0x398: {  	s2 =	sadd.s32 s2, s10  }
0x399: {  	v5 =	vsel vm9, s3, v5;
	s3 =	sadd.s32 s28, s24;
	s24 =	smul.u32 $0x431BDA1D, s13;
	s19 =	sshrl.u32 s19, $0x1F  }
0x39a: {  	s17 =	sshra.s32 s21, $0x1F;
	s16 =	smul.u32 $0x431BDA1D, s16;
	s1 =	sadd.s32 s1, s11  }
0x39b: {  	s21 =	sshra.s32 s14, $0x1F;
	v5 =	vsel vm0, s6, v5;
	s6 =	sshrl.u32 s9, $0x1F;
	v6 =	vmov s19;
	s19 =	sshrl.u32 s3, $0x1F  }
0x39c: {  	s11 =	smul.u32 $0x431BDA1D, s21;
	s3 =	sshra.s32 s3, $0x12;
	s21 =	sshra.s32 s1, $0x12;
	v5 =	vsel vm10, s18, v5;
	v6 =	vnsel vm3, $0x0, v6;
	v4 =	vsel vm1, s19, v4  }
0x39d: {  	s10 =	sadd.s32 s24, s15;
	s24 =	sshrl.u32 s2, $0x1F;
	v3 =	vsel vm1, s3, v3;
	s2 =	sshra.s32 s2, $0x12;
	v5 =	vsel vm1, s22, v5;
	v6 =	vsel vm0, s26, v6  }
0x39e: {  	s9 =	sshra.s32 s9, $0x12;
	s15 =	sshrl.u32 s1, $0x1F;
	v4 =	vsel vm2, s24, v4;
	s26 =	sshrl.u32 s10, $0x1F;
	v3 =	vsel vm2, s2, v3;
	v5 =	vsel vm11, s20, v5  }
0x39f: {  	s12 =	sadd.s32 s16, s12;
	s16 =	sadd.s32 s25, s23;
	s22 =	smul.u32 $0x431BDA1D, s17;
	v6 =	vsel vm1, s0, v6;
	v7 =	vmov s26;
	v5 =	vsel vm2, s8, v5  }
0x3a0: {  	s1 =	sshra.s32 s1, $0x1F;
	s18 =	sshrl.u32 s16, $0x1F;
	s20 =	smulhi.u32 $0x431BDA1D, s14;
	v6 =	vsel vm2, s4, v6;
	v7 =	vsel vm0, s6, v7;
	v5 =	vsel vm12, s5, v5  }
0x3a1: {  	s24 =	sshrl.u32 s12, $0x1F;
	s17 =	sadd.s32 s22, s7;
	v6 =	vsel vm4, s15, v6;
	s15 =	sshra.s32 s10, $0x12;
	v7 =	vsel vm1, s18, v7;
	v5 =	vsel vm4, s21, v5  }
0x3a2: {  	s13 =	sshra.s32 s12, $0x12;
	s0 =	sadd.s32 s11, s20;
	s22 =	sshrl.u32 s17, $0x1F;
	v8 =	vmov s15;
	v6 =	vsel vm5, s24, v6;
	v5 =	vsel vm13, s1, v5  }
0x3a3: {  	s19 =	sshra.s32 s12, $0x1F;
	s20 =	sshra.s32 s16, $0x12;
	s21 =	sshra.s32 s0, $0x12;
	v7 =	vsel vm2, s22, v7;
	v8 =	vsel vm0, s9, v8;
	v5 =	vsel vm5, s13, v5  }
0x3a4: {  	s23 =	sshra.s32 s0, $0x1F;
	s0 =	sshrl.u32 s0, $0x1F;
	s1 =	sshra.s32 s17, $0x12;
	v4 =	vcombine.low v7, v4;
	v8 =	vsel vm1, s20, v8;
	v5 =	vsel vm14, s19, v5  }
0x3a5: {  	s25 =	sshrl.u32 s31, $0x1F;
	v6 =	vsel vm6, s0, v6;
	v8 =	vsel vm2, s1, v8;
	v5 =	vsel vm6, s21, v5  }
0x3a6: {  	s24 =	sshra.s32 s31, $0x12;
	v6 =	vsel vm7, s25, v6;
	v3 =	vcombine.low v8, v3;
	v5 =	vsel vm15, s23, v5  }
0x3a7: {  	v4 =	vperm.xlane v4, v0;
	v6 =	vperm.xlane v6, v1;
	v5 =	vsel vm7, s24, v5  }
0x3a8: {  	v3 =	vperm.xlane v3, v0;
	v5 =	vperm.xlane v5, v1;
	_ =	sdelay $0x1  }
0x3a9: {  	v4 =	vsel vm8, v6, v4;
	v3 =	vsel vm8, v5, v3  }
0x3aa: {  	v3 =	vadd.s32 v4, v3  }
0x3ab: {  	v3 =	vmul.u32 $0xF4241, v3;
	_ =	sdelay $0x1  }
0x3ac: {  	v2 =	vsub.s32 v2, v3  }
0x3ad: {  	s26 =	simm.s32 $0x1;
	[tilespmem:s29+$0x2700] =	vst v2  }
0x3ae: {  	_ =	swait.ge [sflag:s26], $0xD000  }
0x3af: {  	[sflag:s26] =	ssyncset.done $0x0  }
0x3b0: {  	s1 =	simm.s32 $0x2;
	[sflag:s26] =	ssyncadd.s32 $0xFFFF3000  }
0x3b1: {  	s3 =	simm.s32 $0x680;
	_ =	swait.ge [sflag:s1], $0xD000  }
0x3b2: {  	s4 =	simm.s32 $0x3400;
	s6 =	simm.s32 $0x0;
	[sflag:s1] =	ssyncset.done $0x0  }
0x3b3: {  	s5 =	simm.s32 $0x2700;
	s2 =	rddreg [dreg:$0xb];
	[sflag:s1] =	ssyncadd.s32 $0xFFFF3000  }
0x3b4: {  	[tilespmem:s4], [sflag:$0x1] =	stream.indirect.gather [hbm4b:s2+s3], $0x20, s5, s3, $0xb8;
	[tilespmem:$0x1D400] =	vst v63  }
0x3b5: {  	s8 =	simm.s32 $0x10400;
	s29 =	simm.s32 $0x0;
	s7 =	rddreg [dreg:$0x12]  }
0x3b6: {  	[hbm4b:s7+s6] =	stream.linear.scatter [tilespmem:s8], [sflag:$0x3], $0xD000, $0x38;
	[tilespmem:$0x1D400] =	vst v63  }
0x3b7: {  	v2 =	vld [tilespmem:s29+$0x2D80];
	_ =	sdelay $0x4  }
0x3b8: {  	(v2sf) =	vpush v2, $0x0  }
0x3b9: {  	(v2sf) =	vpush v2, $0x1;
	_ =	sdelay $0x1  }
0x3ba: {  	(v2sf) =	vpush v2, $0x2;
	_ =	sdelay $0x1  }
0x3bb: {  	(v2sf) =	vpush v2, $0x7;
	_ =	sdelay $0x2  }
0x3bc: {  	(v2sf) =	vpush v2, $0x3  }
0x3bd: {  	(v2sf) =	vpush v2, $0x4;
	_ =	sdelay $0x1  }
0x3be: {  	(v2sf) =	vpush v2, $0xC  }
0x3bf: {  	(v2sf) =	vpush v2, $0xD;
	_ =	sdelay $0x2  }
0x3c0: {  	(v2sf) =	vpush v2, $0xE;
	s9 =	spop (v2sf)  }
0x3c1: {  	s4 =	smulhi.u32 $0x431BDA1D, s9;
	s11 =	spop (v2sf)  }
0x3c2: {  	(v2sf) =	vpush v2, $0x8;
	s13 =	sshra.s32 s9, $0x1F;
	s12 =	smulhi.u32 $0x431BDA1D, s11  }
0x3c3: {  	(v2sf) =	vpush v2, $0xF;
	s16 =	spop (v2sf);
	s13 =	smul.u32 $0x431BDA1D, s13  }
0x3c4: {  	s1 =	sshra.s32 s11, $0x1F;
	s17 =	smulhi.u32 $0x431BDA1D, s16  }
0x3c5: {  	s18 =	spop (v2sf);
	s20 =	smul.u32 $0x431BDA1D, s1  }
0x3c6: {  	s21 =	sshra.s32 s16, $0x1F;
	s7 =	smulhi.u32 $0x431BDA1D, s18  }
0x3c7: {  	(v2sf) =	vpush v2, $0x9;
	s6 =	sshra.s32 s18, $0x1F;
	s23 =	smul.u32 $0x431BDA1D, s21  }
0x3c8: {  	s19 =	spop (v2sf);
	s6 =	smul.u32 $0x431BDA1D, s6  }
0x3c9: {  	(v2sf) =	vpush v2, $0xA;
	s3 =	spop (v2sf);
	s14 =	smulhi.u32 $0x431BDA1D, s19  }
0x3ca: {  	s8 =	sshra.s32 s19, $0x1F;
	s16 =	sadd.s32 s20, s12;
	s22 =	sshra.s32 s3, $0x1F  }
0x3cb: {  	(v2sf) =	vpush v2, $0x5;
	s24 =	spop (v2sf);
	s5 =	sadd.s32 s23, s17;
	s1 =	smul.u32 $0x431BDA1D, s22  }
0x3cc: {  	s25 =	spop (v2sf);
	s22 =	sshra.s32 s5, $0x12;
	s18 =	smulhi.u32 $0x431BDA1D, s24  }
0x3cd: {  	s0 =	sshrl.u32 s5, $0x1F;
	s20 =	sshra.s32 s5, $0x1F;
	s5 =	smul.u32 $0x431BDA1D, s8  }
0x3ce: {  	(v2sf) =	vpush v2, $0xB;
	s26 =	sshra.s32 s24, $0x1F;
	s15 =	smulhi.u32 $0x431BDA1D, s25  }
0x3cf: {  	s31 =	sadd.s32 s6, s7;
	s9 =	spop (v2sf);
	s10 =	smul.u32 $0x431BDA1D, s26  }
0x3d0: {  	(v2sf) =	vpush v2, $0x6;
	s6 =	sshra.s32 s16, $0x12;
	s11 =	sshra.s32 s25, $0x1F;
	s23 =	smulhi.u32 $0x431BDA1D, s9  }
0x3d1: {  	s17 =	spop (v2sf);
	s28 =	sshra.s32 s9, $0x1F;
	s8 =	smul.u32 $0x431BDA1D, s11  }
0x3d2: {  	s5 =	sadd.s32 s5, s14;
	s14 =	sshra.s32 s31, $0x1F;
	s19 =	spop (v2sf)  }
0x3d3: {  	s24 =	sadd.s32 s10, s18;
	s10 =	smulhi.u32 $0x431BDA1D, s3;
	s18 =	sadd.s32 s13, s4  }
0x3d4: {  	s7 =	sshra.s32 s5, $0x12;
	s13 =	sshra.s32 s17, $0x1F;
	s28 =	smul.u32 $0x431BDA1D, s28  }
0x3d5: {  	s12 =	sshra.s32 s19, $0x1F;
	s9 =	smulhi.u32 $0x431BDA1D, s19;
	s30 =	sshrl.u32 s24, $0x1F  }
0x3d6: {  	s8 =	sadd.s32 s8, s15;
	s2 =	smul.u32 $0x431BDA1D, s12;
	s21 =	spop (v2sf)  }
0x3d7: {  	s3 =	sshrl.u32 s8, $0x1F;
	s25 =	sshra.s32 s21, $0x1F;
	s11 =	smulhi.u32 $0x431BDA1D, s21  }
0x3d8: {  	s26 =	spop (v2sf);
	s21 =	sshra.s32 s24, $0x12;
	s24 =	sshra.s32 s8, $0x12  }
0x3d9: {  	v4 =	vmov s30;
	s30 =	simm.s32 $0x40;
	s19 =	smul.u32 $0x431BDA1D, s25;
	[dreg:$0x1d] =	wrdreg s24  }
0x3da: {  	v4 =	vsel vm0, s3, v4;
	s3 =	sshra.s32 s18, $0x1F;
	s15 =	spop (v2sf);
	s24 =	smulhi.u32 $0x431BDA1D, s26  }
0x3db: {  	s25 =	sshra.s32 s26, $0x1F;
	s26 =	sshrl.u32 s5, $0x1F;
	s12 =	smulhi.u32 $0x431BDA1D, s15  }
0x3dc: {  	s5 =	sshra.s32 s5, $0x1F;
	s8 =	smul.u32 $0x431BDA1D, s25;
	s15 =	sshra.s32 s15, $0x1F  }
0x3dd: {  	v3 =	vmov s21;
	s25 =	sshrl.u32 s16, $0x1F;
	s21 =	spop (v2sf);
	s4 =	sadd.s32 s19, s11  }
0x3de: {  	v5 =	vmov s14;
	s19 =	smulhi.u32 $0x431BDA1D, s17;
	s11 =	sshra.s32 s18, $0x12;
	s17 =	rddreg [dreg:$0x1d]  }
0x3df: {  	s16 =	sshra.s32 s16, $0x1F;
	s14 =	spop (v2sf);
	v3 =	vsel vm0, s17, v3;
	v5 =	vsel vm3, s11, v5;
	s11 =	smulhi.u32 $0x431BDA1D, s21  }
.LBB2_16:
0x3e0: {  	s17 =	sshrl.u32 s4, $0x1F  }
0x3e1: {  	s13 =	smul.u32 $0x431BDA1D, s13;
	s21 =	sshra.s32 s21, $0x1F;
	v5 =	vsel vm9, s3, v5;
	s2 =	sadd.s32 s2, s9  }
0x3e2: {  	s9 =	sshrl.u32 s18, $0x1F;
	s15 =	smul.u32 $0x431BDA1D, s15;
	v5 =	vsel vm0, s6, v5;
	s18 =	sadd.s32 s28, s23  }
0x3e3: {  	v6 =	vmov s9;
	s1 =	sadd.s32 s1, s10;
	s3 =	sshrl.u32 s2, $0x1F;
	s13 =	sadd.s32 s13, s19;
	v5 =	vsel vm10, s16, v5  }
0x3e4: {  	v6 =	vnsel vm3, $0x0, v6;
	s19 =	sshra.s32 s14, $0x1F;
	s23 =	sshrl.u32 s18, $0x1F;
	s6 =	sshra.s32 s18, $0x12;
	v5 =	vsel vm1, s22, v5  }
0x3e5: {  	s2 =	sshra.s32 s2, $0x12;
	s9 =	sadd.s32 s15, s12;
	v6 =	vsel vm0, s25, v6;
	s15 =	smul.u32 $0x431BDA1D, s19;
	v4 =	vsel vm1, s23, v4;
	v3 =	vsel vm1, s6, v3  }
0x3e6: {  	s10 =	sshrl.u32 s1, $0x1F;
	s19 =	smul.u32 $0x431BDA1D, s21;
	s21 =	sshrl.u32 s13, $0x1F;
	v5 =	vsel vm11, s20, v5;
	v6 =	vsel vm1, s0, v6;
	v4 =	vsel vm2, s3, v4  }
0x3e7: {  	s16 =	smulhi.u32 $0x431BDA1D, s14;
	s18 =	sshra.s32 s1, $0x12;
	s1 =	sshra.s32 s1, $0x1F;
	v7 =	vmov s21;
	v3 =	vsel vm2, s2, v3;
	v5 =	vsel vm2, s7, v5  }
0x3e8: {  	s22 =	sshra.s32 s4, $0x12;
	s25 =	sadd.s32 s8, s24;
	v6 =	vsel vm2, s26, v6;
	s26 =	sshra.s32 s13, $0x12;
	v7 =	vsel vm0, s17, v7;
	v5 =	vsel vm12, s5, v5  }
0x3e9: {  	s20 =	sshrl.u32 s9, $0x1F;
	s0 =	sadd.s32 s15, s16;
	v6 =	vsel vm4, s10, v6;
	v8 =	vmov s26;
	s10 =	sshrl.u32 s25, $0x1F;
	v5 =	vsel vm4, s18, v5  }
0x3ea: {  	s23 =	sshra.s32 s9, $0x12;
	s8 =	sadd.s32 s19, s11;
	s13 =	sshrl.u32 s0, $0x1F;
	v6 =	vsel vm5, s20, v6;
	v7 =	vsel vm1, s10, v7;
	v5 =	vsel vm13, s1, v5  }
0x3eb: {  	s12 =	sshra.s32 s9, $0x1F;
	s14 =	sshra.s32 s25, $0x12;
	v8 =	vsel vm0, s22, v8;
	s1 =	sshrl.u32 s8, $0x1F;
	v6 =	vsel vm6, s13, v6;
	v5 =	vsel vm5, s23, v5  }
0x3ec: {  	s11 =	sshra.s32 s8, $0x12;
	s15 =	sshra.s32 s0, $0x12;
	v8 =	vsel vm1, s14, v8;
	v7 =	vsel vm2, s1, v7;
	v5 =	vsel vm14, s12, v5  }
0x3ed: {  	s16 =	sshrl.u32 s31, $0x1F;
	s0 =	sshra.s32 s0, $0x1F;
	v8 =	vsel vm2, s11, v8;
	v4 =	vcombine.low v7, v4;
	v5 =	vsel vm6, s15, v5  }
0x3ee: {  	s17 =	sshra.s32 s31, $0x12;
	v6 =	vsel vm7, s16, v6;
	v3 =	vcombine.low v8, v3;
	v5 =	vsel vm15, s0, v5  }
0x3ef: {  	v6 =	vperm.xlane v6, v1;
	v4 =	vperm.xlane v4, v0;
	v5 =	vsel vm7, s17, v5  }
0x3f0: {  	v3 =	vperm.xlane v3, v0;
	v5 =	vperm.xlane v5, v1;
	_ =	sdelay $0x1  }
0x3f1: {  	v4 =	vsel vm8, v6, v4;
	v3 =	vsel vm8, v5, v3  }
0x3f2: {  	v3 =	vadd.s32 v4, v3  }
0x3f3: {  	v3 =	vmul.u32 $0xF4241, v3;
	_ =	sdelay $0x1  }
0x3f4: {  	s18 =	smov.u32 s30;
	v2 =	vsub.s32 v2, v3  }
0x3f5: {  	s19 =	sshra.s32 s18, $0x2;
	[tilespmem:s29+$0x2D80] =	vst v2  }
0x3f6: {  	v2 =	vld [tilespmem:s19+$0x2D80];
	_ =	sdelay $0x4  }
0x3f7: {  	(v2sf) =	vpush v2, $0x0  }
0x3f8: {  	(v2sf) =	vpush v2, $0x1  }
0x3f9: {  	(v2sf) =	vpush v2, $0x2;
	_ =	sdelay $0x1  }
0x3fa: {  	(v2sf) =	vpush v2, $0x7;
	_ =	sdelay $0x1  }
0x3fb: {  	(v2sf) =	vpush v2, $0x3;
	_ =	sdelay $0x1  }
0x3fc: {  	(v2sf) =	vpush v2, $0x4  }
0x3fd: {  	(v2sf) =	vpush v2, $0xC;
	_ =	sdelay $0x1  }
0x3fe: {  	(v2sf) =	vpush v2, $0xD;
	_ =	sdelay $0x2  }
0x3ff: {  	(v2sf) =	vpush v2, $0xE  }
0x400: {  	s20 =	spop (v2sf)  }
0x401: {  	(v2sf) =	vpush v2, $0x8;
	s28 =	smulhi.u32 $0x431BDA1D, s20;
	s21 =	spop (v2sf)  }
0x402: {  	(v2sf) =	vpush v2, $0xF;
	s22 =	smulhi.u32 $0x431BDA1D, s21;
	s23 =	spop (v2sf)  }
0x403: {  	p0 =	sne.s32 s30, $0x19C0;
	(v2sf) =	vpush v2, $0x9;
	s0 =	sshra.s32 s21, $0x1F;
	s24 =	smulhi.u32 $0x431BDA1D, s23  }
0x404: {  	s30 =	sadd.s32 $0x40, s30;
	s25 =	spop (v2sf);
	s0 =	smul.u32 $0x431BDA1D, s0  }
0x405: {  	[dreg:$0xa] =	wrdreg s19;
	s2 =	sshra.s32 s23, $0x1F;
	s11 =	smulhi.u32 $0x431BDA1D, s25  }
0x406: {  	s5 =	sshra.s32 s25, $0x1F;
	s26 =	spop (v2sf);
	s15 =	smul.u32 $0x431BDA1D, s2  }
0x407: {  	s8 =	sshra.s32 s20, $0x1F;
	s4 =	sshra.s32 s26, $0x1F;
	s31 =	smul.u32 $0x431BDA1D, s5  }
0x408: {  	(v2sf) =	vpush v2, $0xA;
	s10 =	spop (v2sf);
	s14 =	sadd.s32 s0, s22;
	s7 =	smulhi.u32 $0x431BDA1D, s26  }
0x409: {  	s13 =	sshra.s32 s10, $0x1F;
	s16 =	spop (v2sf);
	s10 =	smulhi.u32 $0x431BDA1D, s10  }
0x40a: {  	s6 =	sshra.s32 s14, $0x12;
	s3 =	sadd.s32 s15, s24;
	s1 =	smul.u32 $0x431BDA1D, s13  }
0x40b: {  	s25 =	sshrl.u32 s14, $0x1F;
	s17 =	spop (v2sf);
	s2 =	smulhi.u32 $0x431BDA1D, s16  }
0x40c: {  	(v2sf) =	vpush v2, $0x5;
	s18 =	sshra.s32 s16, $0x1F;
	s22 =	sshra.s32 s3, $0x12;
	s15 =	smulhi.u32 $0x431BDA1D, s17  }
0x40d: {  	(v2sf) =	vpush v2, $0xB;
	s0 =	sshrl.u32 s3, $0x1F;
	s31 =	sadd.s32 s31, s11;
	s12 =	smul.u32 $0x431BDA1D, s18  }
0x40e: {  	s5 =	sshra.s32 s17, $0x1F;
	s19 =	spop (v2sf);
	(v2sf) =	vpush v2, $0x6;
	s17 =	smul.u32 $0x431BDA1D, s4  }
0x40f: {  	s20 =	sshra.s32 s3, $0x1F;
	s11 =	sshra.s32 s31, $0x1F;
	s23 =	smulhi.u32 $0x431BDA1D, s19  }
0x410: {  	s3 =	sshra.s32 s19, $0x1F;
	s16 =	spop (v2sf);
	s5 =	smul.u32 $0x431BDA1D, s5  }
0x411: {  	s21 =	spop (v2sf);
	s2 =	sadd.s32 s12, s2;
	s17 =	sadd.s32 s17, s7  }
0x412: {  	s19 =	smulhi.u32 $0x431BDA1D, s16;
	s18 =	sshra.s32 s21, $0x1F;
	s24 =	spop (v2sf)  }
0x413: {  	s9 =	smulhi.u32 $0x431BDA1D, s21;
	s4 =	sshrl.u32 s2, $0x1F;
	s5 =	sadd.s32 s5, s15  }
0x414: {  	s2 =	sshra.s32 s2, $0x12;
	s7 =	sshra.s32 s17, $0x12;
	s29 =	smulhi.u32 $0x431BDA1D, s24  }
0x415: {  	s26 =	sshra.s32 s24, $0x1F;
	v3 =	vmov s2;
	s2 =	smul.u32 $0x431BDA1D, s18;
	s21 =	sshrl.u32 s5, $0x1F  }
0x416: {  	v4 =	vmov s4;
	s4 =	smul.u32 $0x431BDA1D, s26;
	s26 =	sshra.s32 s5, $0x12;
	s5 =	sshra.s32 s17, $0x1F  }
0x417: {  	v3 =	vsel vm0, s26, v3;
	s26 =	sshrl.u32 s17, $0x1F;
	s17 =	smul.u32 $0x431BDA1D, s8;
	s24 =	spop (v2sf)  }
0x418: {  	s13 =	sshra.s32 s16, $0x1F;
	s18 =	sshra.s32 s24, $0x1F;
	s24 =	smulhi.u32 $0x431BDA1D, s24  }
.Ltmp7:
0x419: {  	s16 =	sshra.s32 s14, $0x1F;
	s4 =	sadd.s32 s4, s29;
	(pc) =	sbr.rel @p0 .LBB2_16-.Ltmp7, $4  }
0x41a: {  	s29 =	rddreg [dreg:$0xa];
	s8 =	smul.u32 $0x431BDA1D, s18;
	s18 =	sadd.s32 s17, s28  }
0x41b: {  	s28 =	smul.u32 $0x431BDA1D, s3;
	s15 =	spop (v2sf);
	s17 =	sshra.s32 s18, $0x12  }
0x41c: {  	v5 =	vmov s11;
	v4 =	vsel vm0, s21, v4;
	s3 =	sshra.s32 s18, $0x1F;
	s12 =	smulhi.u32 $0x431BDA1D, s15;
	s21 =	spop (v2sf)  }
0x41d: {  	s15 =	sshra.s32 s15, $0x1F;
	v5 =	vsel vm3, s17, v5;
	s11 =	smulhi.u32 $0x431BDA1D, s21;
	s14 =	spop (v2sf)  }
0x41e: {  	s13 =	smul.u32 $0x431BDA1D, s13  }
0x41f: {  	v5 =	vsel vm9, s3, v5;
	s2 =	sadd.s32 s2, s9;
	s3 =	sadd.s32 s28, s23;
	s23 =	sshrl.u32 s18, $0x1F  }
0x420: {  	s30 =	smul.u32 $0x431BDA1D, s15;
	s15 =	sshra.s32 s14, $0x1F;
	s1 =	sadd.s32 s1, s10;
	v5 =	vsel vm0, s6, v5  }
0x421: {  	s18 =	sadd.s32 s8, s24;
	v6 =	vmov s23;
	s9 =	smul.u32 $0x431BDA1D, s15;
	s17 =	sshrl.u32 s2, $0x1F;
	v5 =	vsel vm10, s16, v5  }
0x422: {  	s28 =	sadd.s32 s13, s19;
	v6 =	vnsel vm3, $0x0, v6;
	s19 =	sshrl.u32 s3, $0x1F;
	s3 =	sshra.s32 s3, $0x12;
	v5 =	vsel vm1, s22, v5  }
0x423: {  	s23 =	sshra.s32 s1, $0x12;
	s2 =	sshra.s32 s2, $0x12;
	s16 =	sshra.s32 s21, $0x1F;
	v6 =	vsel vm0, s25, v6;
	v4 =	vsel vm1, s19, v4;
	v3 =	vsel vm1, s3, v3  }
0x424: {  	s10 =	smul.u32 $0x431BDA1D, s16;
	s25 =	sshrl.u32 s28, $0x1F;
	s28 =	sshra.s32 s28, $0x12;
	v5 =	vsel vm11, s20, v5;
	v6 =	vsel vm1, s0, v6;
	v4 =	vsel vm2, s17, v4  }
0x425: {  	s12 =	sadd.s32 s30, s12;
	s22 =	sshrl.u32 s1, $0x1F;
	s20 =	smulhi.u32 $0x431BDA1D, s14;
	v7 =	vmov s25;
	v8 =	vmov s28;
	v5 =	vsel vm2, s7, v5  }
0x426: {  	s1 =	sshra.s32 s1, $0x1F;
	s30 =	sshrl.u32 s12, $0x1F;
	v3 =	vsel vm2, s2, v3;
	v6 =	vsel vm2, s26, v6;
	s26 =	sshrl.u32 s4, $0x1F;
	v5 =	vsel vm12, s5, v5  }
0x427: {  	s6 =	sshra.s32 s12, $0x12;
	v6 =	vsel vm4, s22, v6;
	s24 =	sadd.s32 s9, s20;
	v7 =	vsel vm0, s26, v7;
	s9 =	sshra.s32 s4, $0x12;
	v5 =	vsel vm4, s23, v5  }
0x428: {  	s0 =	sshra.s32 s18, $0x12;
	s21 =	sadd.s32 s10, s11;
	s10 =	sshrl.u32 s18, $0x1F;
	v6 =	vsel vm5, s30, v6;
	v8 =	vsel vm0, s9, v8;
	v5 =	vsel vm13, s1, v5  }
0x429: {  	s11 =	sshra.s32 s12, $0x1F;
	s13 =	sshrl.u32 s21, $0x1F;
	v7 =	vsel vm1, s10, v7;
	s16 =	sshrl.u32 s24, $0x1F;
	v8 =	vsel vm1, s0, v8;
	v5 =	vsel vm5, s6, v5  }
0x42a: {  	s14 =	sshra.s32 s21, $0x12;
	s12 =	sshra.s32 s24, $0x12;
	v7 =	vsel vm2, s13, v7;
	v6 =	vsel vm6, s16, v6;
	v5 =	vsel vm14, s11, v5  }
0x42b: {  	s18 =	sshrl.u32 s31, $0x1F;
	s15 =	sshra.s32 s24, $0x1F;
	v8 =	vsel vm2, s14, v8;
	v4 =	vcombine.low v7, v4;
	v5 =	vsel vm6, s12, v5  }
0x42c: {  	s17 =	sshra.s32 s31, $0x12;
	v6 =	vsel vm7, s18, v6;
	v3 =	vcombine.low v8, v3;
	v5 =	vsel vm15, s15, v5  }
0x42d: {  	v6 =	vperm.xlane v6, v1;
	v4 =	vperm.xlane v4, v0;
	v5 =	vsel vm7, s17, v5  }
0x42e: {  	v3 =	vperm.xlane v3, v0;
	v5 =	vperm.xlane v5, v1;
	_ =	sdelay $0x1  }
0x42f: {  	v4 =	vsel vm8, v6, v4;
	v3 =	vsel vm8, v5, v3  }
0x430: {  	v3 =	vadd.s32 v4, v3  }
0x431: {  	v3 =	vmul.u32 $0xF4241, v3;
	_ =	sdelay $0x1  }
0x432: {  	v2 =	vsub.s32 v2, v3  }
0x433: {  	s19 =	simm.s32 $0x1;
	[tilespmem:s29+$0x2D80] =	vst v2  }
0x434: {  	_ =	swait.ge [sflag:s19], $0xD000  }
0x435: {  	[sflag:s19] =	ssyncset.done $0x0  }
0x436: {  	s20 =	simm.s32 $0x3;
	[sflag:s19] =	ssyncadd.s32 $0xFFFF3000  }
0x437: {  	_ =	swait.ge [sflag:s20], $0xD000  }
0x438: {  	s22 =	simm.s32 $0x680;
	s23 =	simm.s32 $0x10400;
	[sflag:s20] =	ssyncset.done $0x0  }
0x439: {  	s24 =	simm.s32 $0x2D80;
	s21 =	rddreg [dreg:$0xb];
	[sflag:s20] =	ssyncadd.s32 $0xFFFF3000  }
0x43a: {  	[tilespmem:s23], [sflag:$0x1] =	stream.indirect.gather [hbm4b:s21+s22], $0x20, s24, s22, $0xb8;
	[tilespmem:$0x1D400] =	vst v63  }
0x43b: {  	s7 =	simm.s32 $0x0;
	s26 =	simm.s32 $0x3400;
	s25 =	rddreg [dreg:$0x13]  }
0x43c: {  	[hbm4b:s25+s7] =	stream.linear.scatter [tilespmem:s26], [sflag:$0x2], $0xD000, $0x38;
	[tilespmem:$0x1D400] =	vst v63  }
0x43d: {  	_ =	swait.ge [sflag:s19], $0xD000  }
0x43e: {  	[sflag:s19] =	ssyncset.done $0x0  }
0x43f: {  	s29 =	simm.s32 $0x2;
	s28 =	rddreg [dreg:$0x14];
	[sflag:s19] =	ssyncadd.s32 $0xFFFF3000  }
0x440: {  	[hbm4b:s28+s7] =	stream.linear.scatter [tilespmem:s23], [sflag:$0x3], $0xD000, $0x38;
	[tilespmem:$0x1D400] =	vst v63  }
0x441: {  	_ =	swait.ge [sflag:s29], $0xD000  }
0x442: {  	[sflag:s29] =	ssyncset.done $0x0  }
0x443: {  	[sflag:s29] =	ssyncadd.s32 $0xFFFF3000  }
0x444: {  	_ =	swait.ge [sflag:s20], $0xD000  }
0x445: {  	s30 =	rddreg [dreg:$0x16]  }
0x446: {  	s31 =	rddreg [dreg:$0x15];
	s1 =	sadd.s32 $0x1, s30  }
0x447: {  	p0 =	sne.s32 s1, s31  }
.Ltmp8:
0x448: {  	_ = 	snop;
	(pc) =	sbr.rel @p0 .LBB2_1-.Ltmp8, $3  }
0x449: {  	_ =	sdelay $0x1  }
0x44a: {  	[sflag:s20] =	ssyncset.done $0x0  }
0x44b: {  	[sflag:s20] =	ssyncadd.s32 $0xFFFF3000  }
0x44c: {  	_ =	sfence.sel $0x180000  }
0x44d: {  	[bflag:$0x0] =	sbarrier.arrive $0xFFFF  }
0x44e: {  	_ =	strace $0x90000047  }
0x44f: {  	s0 =	stileid.u32;
	[bflag:$0x2] =	sbarrier.arrive $0xFFFF  }
0x450: {  	p0 =	sne.s32 s0, $0x0;
	s0 =	rddreg [dreg:$0x2]  }
0x451: {  	s0 =	sadd.s32 @!p0 $0x100000, s0  }
0x452: {  	[sflag:s0] =	ssyncadd.tile.s32 @!p0 $0x1;
	_ =	shalt  }
.Lfunc_end2:
_tile_overlayer_lowered:
.L_overlay_start_2:
0x453: {  	(tag) =	ssettag $0x2  }
0x454: {  	s0 =	rddreg [dreg:$0x0];
	s2 =	stileid.u32  }
0x455: {  	s1 =	rddreg [dreg:$0x1];
	p0 =	sne.s32 s2, $0x0  }
0x456: {  	s3 =	rddreg [dreg:$0x2];
	[bflag:$0x3] =	sbarrier.arrive $0xFFFF;
	s2 =	simm.s32 @!p0 $0x1C04  }
0x457: {  	[timem:s3], [sflag:s2] =	dma.local @!p0 [hbm:s0], s1  }
0x458: {  	s0 =	simm.s32 @!p0 $0x4  }
0x459: {  	_ =	swait.ge @!p0 [sflag:s0], s1  }
0x45a: {  	s1 =	ssub.s32 @!p0 $0x0, s1;
	[sflag:s0] =	ssyncset.done @!p0 $0x0  }
0x45b: {  	[sflag:s0] =	ssyncadd.s32 @!p0 s1  }
0x45c: {  	[bflag:$0x3] =	sbarrier.arrive $0xFFFF  }
0x45d: {  	_ =	shalt  }

// kernel: sparse-core-data-format-call.cloned.1.call-start
scs
called_computation_lowered:
.L_overlay_start_0:
0x0: {  	s2 =	sld [smem:$0x3FD9]  }
0x1: {  	s3 =	sld [smem:$0x3FFE];
	_ =	sdelay $0x1  }
0x2: {  	s1 =	srdreg.scid  }
0x3: {  	s0 =	sand.u32 $0x1, s1  }
0x4: {  	s18 =	sshll.u32 s0, $0xA;
	s2 =	sadd.s32 s3, s2  }
0x5: {  	s2 =	sadd.s32 s2, s18  }
0x6: {  	[smem:$0x3FC6] =	sst s2  }
0x7: {  	_ = 	snop  }
0x8: {  	s2 =	sld [smem:$0x3FD0];
	(tm) =	ssettm $0x1  }
0x9: {  	s19 =	sld [smem:$0x3FFB];
	_ =	sdelay $0x3  }
0xa: {  	_ =	strace s19  }
0xb: {  	s3 =	sld [smem:$0x3FFC];
	_ =	sdelay $0x3  }
0xc: {  	_ =	strace s3  }
0xd: {  	s3 =	sld [smem:$0x3FFD];
	_ =	sdelay $0x3  }
0xe: {  	_ =	strace s3  }
0xf: {  	_ =	strace $0x8FFFFFFF  }
0x10: {  	s20 =	sld [smem:$0x3FDB];
	_ =	sdelay $0x1  }
0x11: {  	s4 =	simm.s32 $_scs_section_size  }
0x12: {  	s5 =	simm.s32 $_size__tile_overlayer_lowered;
	s6 =	simm.s32 $_tile_overlayer_lowered  }
0x13: {  	s23 =	simm.s32 $0x1BFF;
	s22 =	sshll.u32 s6, $0x1;
	s3 =	sadd.s32 s4, s20  }
0x14: {  	s7 =	simm.s32 $0x0;
	s21 =	sshll.u32 s5, $0x1;
	s5 =	sadd.s32 s22, s3  }
0x15: {  	[timem:s7], [sflag:s23] =	dma.local [hbm:s5], s21  }
0x16: {  	_ =	swait.ge [sflag:s23], s21  }
0x17: {  	s4 =	ssub.s32 $0x0, s21;
	[sflag:s23] =	ssyncset.done $0x0  }
0x18: {  	[sflag:s23] =	ssyncadd.s32 s4;
	_ =	sdelay $0x1  }
0x19: {  	s24 =	simm.s32 $0x1B8B  }
0x1a: {  	_ =	swait.ge [sflag:s24], $0x1  }
0x1b: {  	[sflag:s24] =	ssyncset.done $0x0  }
0x1c: {  	s26 =	simm.s32 $0x1B8E;
	s25 =	sld [smem:$0x3FFE];
	[sflag:s24] =	ssyncadd.s32 $0xFFFFFFFF  }
0x1d: {  	s27 =	simm.s32 $execute0_lowered;
	[smem:$0x3FD2] =	sst s26  }
0x1e: {  	s5 =	sshll.u32 s27, $0x1;
	_ =	strace $0x80000049;
	[dreg:$0x1] =	wrdreg $0xFFFFFFFF  }
0x1f: {  	s28 =	simm.s32 $_size_execute0_lowered;
	s3 =	sadd.s32 s3, s5;
	[dreg:$0x0] =	wrdreg $0x0  }
0x20: {  	s5 =	sshll.u32 s28, $0x1;
	[dreg:$0x2] =	wrdreg s3  }
0x21: {  	[dreg:$0x3] =	wrdreg s5  }
0x22: {  	[dreg:$0x4] =	wrdreg $0xC0  }
0x23: {  	_ =	task [dreg:s7], $0x5FFFF  }
0x24: {  	[dreg:$0x1] =	wrdreg $0xFFFFFFFF  }
0x25: {  	[dreg:$0x0] =	wrdreg $0x60  }
0x26: {  	[dreg:$0x2] =	wrdreg s25  }
0x27: {  	[dreg:$0x3] =	wrdreg s2  }
0x28: {  	[dreg:$0x4] =	wrdreg $0x9  }
0x29: {  	_ =	task.clear_ibuf [dreg:s7], $0x5FFFF;
	_ =	strace $0x90000049  }
0x2a: {  	s29 =	simm.s32 $0x9;
	_ =	strace $0x8000004B  }
0x2b: {  	_ =	swait.ge [sflag:s29], $0x1  }
0x2c: {  	[sflag:s29] =	ssyncadd.s32 $0xFFFFFFFF  }
0x2d: {  	_ =	strace $0x9000004B  }
0x2e: {  	_ =	sfence  }
0x2f: {  	s30 =	sld [smem:$0x0];
	_ =	sdelay $0x2  }
0x30: {  	s31 =	sshll.u32 s1, $0xD;
	s1 =	sshrl.u32 s1, $0x2  }
0x31: {  	s3 =	sand.u32 $0x4000, s31;
	s1 =	sadd.s32 s1, s30  }
0x32: {  	s0 =	sor.u32 s3, s0;
	s1 =	sshll.u32 s1, $0x11  }
0x33: {  	s0 =	sor.u32 s1, s0  }
0x34: {  	s0 =	sadd.s32 $0x8F2B, s0  }
0x35: {  	[sflag:s0] =	ssyncadd.remote.s32 $0x1  }
0x36: {  	_ =	sfence.sel $0xFFFF  }
0x37: {  	[dreg:$0x0] =	wrdreg $0xFFFFFFFF;
	(pc) =	sbr.abs _section_cstart, $3  }
0x38: {  	[dreg:$0x1] =	wrdreg $0xFFFFFFFF  }
0x39: {  	_ =	task.clear_ibuf [dreg:s7], $0x2FFFF;
	_ =	strace $0x9FFFFFFF  }
0x3a: {  	(tm) =	ssettm $0x7FFFFFFF  }
0x3b: {  	_ =	shalt  }
tec
execute0_lowered:
.L_overlay_start_1:
0x0: {  	(tag) =	ssettag $0x1  }
0x1: {  	s0 =	srdreg.scid  }
0x2: {  	s1 =	sshll.u32 s0, $0x4  }
0x3: {  	s0 =	stileid.u32;
	s1 =	sand.u32 $0x10, s1  }
0x4: {  	s1 =	sor.u32 s0, s1  }
0x5: {  	s6 =	rddreg [dreg:$0x0];
	s4 =	simm.s32 $0x1;
	s2 =	sshll.u32 s1, $0x7  }
0x6: {  	s7 =	simm.s32 $0x2;
	s12 =	simm.s32 $0x0;
	s1 =	ssub.s32 $0x4000, s2  }
0x7: {  	s8 =	simm.s32 $0x20000;
	s13 =	simm.s32 $0x0;
	s3 =	sand.u32 $0xF80, s1  }
0x8: {  	s9 =	simm.s32 $0x0;
	s5 =	sshrl.u32 s1, $0xC;
	p0 =	sne.s32 s3, $0x0  }
.Ltmp0:
0x9: {  	s1 =	rddreg [dreg:$0x2];
	s4 =	simm.s32 @!p0 $0x0;
	(pc) =	sbr.rel .LBB1_1-.Ltmp0, $4  }
0xa: {  	s11 =	simm.s32 $0x0;
	s3 =	rddreg [dreg:$0x1];
	s5 =	sadd.s32 s4, s5  }
0xb: {  	_ =	strace $0x8000004A;
	s4 =	simm.s32 $0x1;
	s5 =	smul.u32 $0x1A, s5  }
0xc: {  	s6 =	sadd.s32 $0xA00, s6;
	s10 =	smov.u32 s2;
	[sflag:s4] =	ssyncpa.u1 $0x0  }
0xd: {  	p0 =	por $0x0, $0x0;
	[sflag:s7] =	ssyncpa.u1 $0x0;
	s7 =	sor.u32 $0x1, s5  }
.LBB1_4:
0xe: {  	s16 =	sshll.u32 s13, $0x3;
	s17 =	sand.u32 $0x78, s13  }
0xf: {  	s30 =	sand.u32 $0xF800, s13;
	s12 =	sshll.u32 s12, $0x10;
	s16 =	sand.u32 $0x3C00, s16  }
0x10: {  	s31 =	sand.u32 $0x7, s13;
	s16 =	sor.u32 s17, s16;
	s17 =	sadd.s32 s3, s30  }
0x11: {  	s13 =	sshll.u32 s31, $0x12;
	s16 =	sshrl.u32 s16, $0x3;
	s12 =	sadd.s32 s12, s17  }
0x12: {  	[tilespmem:s15+$0x0 ss:$0x81] =	vst.msk $0xffff, v0;
	s13 =	sor.u32 $0x400, s13;
	s12 =	sadd.s32 s16, s12  }
0x13: {  	[hbm4b:s12+s13] =	stream.strided.scatter [tilespmem:s14], [sflag:$0x2], $0x1000, s8, s13, $0x20;
	[tilespmem:$0x4040] =	vst v63  }
.LBB1_5:
0x14: {  	s14 =	sadd.s32 $0x1, s9  }
0x15: {  	s12 =	sadd.s32 $0x1000, s10;
	s16 =	smov.u32 s10;
	p2 =	sgt.s32 s14, $0x19  }
0x16: {  	s16 =	smov.u32 @p2 s12  }
0x17: {  	s14 =	simm.s32 @p2 $0x0;
	p2 =	sgt.s32 s16, $0x3FFF  }
0x18: {  	s16 =	smov.u32 @p2 s2;
	p2 =	sne.s32 s11, s7  }
.Ltmp1:
0x19: {  	p1 =	slt.u32 s11, $0x2;
	(pc) =	sbr.rel @!p2 .LBB1_6-.Ltmp1, $4  }
0x1a: {  	s15 =	simm.s32 @!p1 $0x2  }
0x1b: {  	s13 =	smov.u32 s10;
	p0 =	por !p0, !p0;
	_ =	swait.ge @!p1 [sflag:s15], $0x1000  }
0x1c: {  	s12 =	smov.u32 s9;
	[sflag:s15] =	ssyncset.done @!p1 $0x0;
	s9 =	smov.u32 s14  }
0x1d: {  	s11 =	sadd.s32 $0x1, s11;
	[sflag:s15] =	ssyncadd.s32 @!p1 $0xFFFFF000;
	s10 =	smov.u32 s16  }
.LBB1_1:
0x1e: {  	p1 =	sge.u32 s11, s5  }
0x1f: {  	s31 =	sadd.s32 $0xFFFFFFFF, s11;
	s14 =	sxor.u32 @!p1 $0xFFFFFFFF, s11  }
0x20: {  	s15 =	sshll.u32 @!p1 s10, $0x9;
	s16 =	sshll.u32 @!p1 s9, $0x4;
	s17 =	simm.s32 @!p1 $0x1000  }
0x21: {  	s14 =	sshll.u32 @!p1 s14, $0xC;
	s16 =	sand.u32 @!p1 $0x1F0, s16;
	s15 =	sadd.s32 @!p1 s6, s15  }
0x22: {  	s14 =	sand.u32 @!p1 $0x1000, s14;
	s15 =	sadd.s32 @!p1 s16, s15;
	s16 =	simm.s32 @!p1 $0x20  }
0x23: {  	[tilespmem:s14], [sflag:$0x1] =	stream.strided.gather @!p1 [hbm4b:s15+s16], $0x1000, s17, s16, $0x38;
	[tilespmem:$0x4040] =	vst v63  }
0x24: {  	p1 =	sge.u32 s31, s5  }
.Ltmp2:
0x25: {  	_ = 	snop;
	(pc) =	sbr.rel @p1 .LBB1_5-.Ltmp2, $1  }
0x26: {  	_ =	sdelay $0x3  }
0x27: {  	s14 =	simm.s32 $0x1  }
0x28: {  	_ =	swait.ge [sflag:s4], $0x1000;
	s14 =	simm.s32 @!p0 $0x0  }
0x29: {  	[sflag:s4] =	ssyncset.done $0x0;
	s15 =	sshll.u32 s14, $0xC  }
0x2a: {  	[sflag:s4] =	ssyncadd.s32 $0xFFFFF000;
	s18 =	sor.u32 $0x10, s15  }
0x2b: {  	s14 =	smul.u32 $0x4080, s14;
	v1 =	vld [tilespmem:s18+$0x0]  }
0x2c: {  	s30 =	sand.u32 $0x1, s11;
	v0 =	vld [tilespmem:s18+$0xFFFFFFF0]  }
0x2d: {  	s15 =	smul.u32 $0x4080, s30;
	s14 =	sshrl.u32 s14, $0x2  }
0x2e: {  	s16 =	sor.u32 $0x2000, s14  }
0x2f: {  	s31 =	sshrl.u32 s15, $0x2;
	s15 =	sadd.s32 $0x0, s16  }
0x30: {  	s17 =	simm.s32 $0x4;
	s18 =	sadd.s32 $0x20, s18;
	s14 =	sor.u32 $0x2000, s31;
	[tilespmem:s15+$0x810 ss:$0x81] =	vst.msk $0xffff, v1  }
.LBB1_3:
0x31: {  	v1 =	vld [tilespmem:s18+$0x0];
	p1 =	sne.s32 s17, $0x1FC;
	[tilespmem:s15+$0x0 ss:$0x81] =	vst.msk $0xffff, v0;
	s15 =	smov.u32 s17;
	s17 =	sadd.s32 $0x4, s17  }
.Ltmp3:
0x32: {  	v0 =	vld [tilespmem:s18+$0xFFFFFFF0];
	(pc) =	sbr.rel @p1 .LBB1_3-.Ltmp3, $4  }
0x33: {  	_ = 	snop  }
0x34: {  	s15 =	sshra.s32 s15, $0x2  }
0x35: {  	s15 =	sadd.s32 s15, s16  }
0x36: {  	s18 =	sadd.s32 $0x20, s18;
	[tilespmem:s15+$0x810 ss:$0x81] =	vst.msk $0xffff, v1  }
.Ltmp4:
0x37: {  	_ = 	snop;
	(pc) =	sbr.rel .LBB1_4-.Ltmp4, $1  }
0x38: {  	_ =	sdelay $0x3  }
.LBB1_6:
0x39: {  	_ =	sfence.sel $0x180000  }
0x3a: {  	s2 =	simm.s32 $0x1;
	[bflag:$0x0] =	sbarrier.arrive $0xFFFF  }
0x3b: {  	s31 =	simm.s32 $0x2;
	[sflag:s2] =	ssyncpa.u1 $0x1  }
0x3c: {  	[sflag:s31] =	ssyncpa.u1 $0x1  }
0x3d: {  	p0 =	sne.s32 s0, $0x0;
	_ =	strace $0x9000004A  }
0x3e: {  	s0 =	sadd.s32 @!p0 $0x100000, s1;
	[bflag:$0x2] =	sbarrier.arrive $0xFFFF  }
0x3f: {  	[sflag:s0] =	ssyncadd.tile.s32 @!p0 $0x1;
	_ =	shalt  }
.Lfunc_end1:
_tile_overlayer_lowered:
.L_overlay_start_2:
0x40: {  	(tag) =	ssettag $0x2  }
0x41: {  	s0 =	rddreg [dreg:$0x0];
	s2 =	stileid.u32  }
0x42: {  	s1 =	rddreg [dreg:$0x1];
	p0 =	sne.s32 s2, $0x0  }
0x43: {  	s3 =	rddreg [dreg:$0x2];
	[bflag:$0x3] =	sbarrier.arrive $0xFFFF;
	s2 =	simm.s32 @!p0 $0x1C01  }
0x44: {  	[timem:s3], [sflag:s2] =	dma.local @!p0 [hbm:s0], s1  }
0x45: {  	s0 =	simm.s32 @!p0 $0x1  }
0x46: {  	_ =	swait.ge @!p0 [sflag:s0], s1  }
0x47: {  	s1 =	ssub.s32 @!p0 $0x0, s1;
	[sflag:s0] =	ssyncset.done @!p0 $0x0  }
0x48: {  	[sflag:s0] =	ssyncadd.s32 @!p0 s1  }
0x49: {  	[bflag:$0x3] =	sbarrier.arrive $0xFFFF  }
0x4a: {  	_ =	shalt  }

</sc_bundles>
